<compile_context>
chip_gen: v7x
topology: tpu7x:2x2x1
jax: 0.10.2.dev20260603
libtpu: 0.0.44.dev20260713+nightly
codegen_flags: <defaults>
</compile_context>

<pallas_src>
import functools

import jax
import jax.numpy as jnp
from jax import lax
from jax.experimental import pallas as pl
from jax.experimental.pallas import tpu as pltpu
from jax.experimental.pallas import tpu_sc as plsc

_L = 16


@functools.lru_cache(maxsize=None)
def _build_sc_kernel(B, S, D):
    info = plsc.get_sparse_core_info()
    NC, NS = info.num_cores, info.num_subcores
    NW = NC * NS
    PW = S // NW
    R = 8
    NCHUNK = PW // R
    assert S % NW == 0 and PW % R == 0 and D % _L == 0
    assert B == 4 and NCHUNK % 2 == 0

    mesh = plsc.VectorSubcoreMesh(core_axis_name="c", subcore_axis_name="s")

    @functools.partial(
        pl.kernel,
        mesh=mesh,
        out_type=jax.ShapeDtypeStruct((B, S, D), jnp.float32),
        scratch_types=[
            pltpu.VMEM((8, R, D), jnp.float32),
            pltpu.VMEM((2, R, D), jnp.float32),
            pltpu.SemaphoreType.DMA((8,)),
            pltpu.SemaphoreType.DMA((8,)),
            pltpu.SemaphoreType.DMA((2,)),
        ],
    )
    def sc_kernel(x_hbm, pos_hbm, out_hbm, xb, pb, lsem, ssem, psem):
        wid = lax.axis_index("s") * NC + lax.axis_index("c")
        base = wid * PW

        def rows(g):
            return pl.ds(base + g * R, R)

        def start_load(g, j, buf):
            pltpu.async_copy(x_hbm.at[j, rows(g)], xb.at[buf], lsem.at[buf])

        def wait_load(buf):
            pltpu.make_async_copy(
                x_hbm.at[0, pl.ds(0, R)], xb.at[buf], lsem.at[buf]
            ).wait()

        def start_store(g, j, buf):
            pltpu.async_copy(xb.at[buf], out_hbm.at[j, rows(g)], ssem.at[buf])

        def wait_store(buf):
            pltpu.make_async_copy(
                xb.at[buf], out_hbm.at[0, pl.ds(0, R)], ssem.at[buf]
            ).wait()

        def start_pos(g, h):
            pltpu.async_copy(pos_hbm.at[rows(g)], pb.at[h], psem.at[h])

        def wait_pos(h):
            pltpu.make_async_copy(
                pos_hbm.at[pl.ds(0, R)], pb.at[h], psem.at[h]
            ).wait()

        CPR = D // _L

        def compute(buf, h):
            @plsc.parallel_loop(0, R * CPR, unroll=16)
            def _(i):
                r = i // CPR
                sl = pl.ds((i % CPR) * _L, _L)
                plsc.addupdate(xb.at[buf].at[r].at[sl], pb[h, r, sl])

        start_pos(0, 0)
        start_pos(1, 1)
        for j in range(4):
            start_load(0, j, j)

        @pl.loop(0, NCHUNK // 2)
        def _(gg):
            for h in range(2):
                g = 2 * gg + h
                wait_pos(h)
                for j in range(4):
                    beta = 4 * h + j
                    bn = 4 * (1 - h) + j
                    @pl.when(g < NCHUNK - 1)
                    def _():
                        @pl.when(g >= 1)
                        def _():
                            wait_store(bn)
                        start_load(g + 1, j, bn)
                    wait_load(beta)
                    compute(beta, h)
                    start_store(g, j, beta)
                @pl.when(g < NCHUNK - 2)
                def _():
                    start_pos(g + 2, h)

        for buf in range(8):
            wait_store(buf)

    return sc_kernel


def kernel(x, pos_table):
    B, S, D = x.shape
    sc = _build_sc_kernel(B, S, D)
    return sc(x, pos_table[:S])

# --- scband reference (transcript-rebuilt; emitter-appended) ---
"""Pipeline reference for scband-learnable-positional-encoding-17695265259797 (READ-ONLY COPY).

The authoritative reference and input builder live on the scoring server;
editing this copy changes nothing except your own understanding.
"""

import jax, jax.numpy as jnp
import numpy as np

B, S, D = 4, 8192, 1024
MAX_LEN = 8192

def setup_inputs(seed: int = 0) -> dict:
    key = jax.random.key(seed)
    k1, k2 = jax.random.split(key)
    x = jax.random.normal(k1, (B, S, D), dtype=jnp.float32)
    # learned positional embedding table, init N(0, 0.02)
    pos_table = 0.02 * jax.random.normal(k2, (MAX_LEN, D), dtype=jnp.float32)
    return {"x": x, "pos_table": pos_table}

def reference(x, pos_table):
    seq_len = x.shape[1]
    positions = jnp.arange(seq_len)
    pos_emb = jnp.take(pos_table, positions, axis=0)  # embedding lookup
    out = x + pos_emb[None, :, :]
    # dropout p=0.0 -> identity (eval semantics)
    return out

if __name__ == "__main__":
    import jax
    _d = setup_inputs()
    print(jax.jit(kernel)(*tuple(_d.values())))

</pallas_src>

<mosaic_0001>
#map = affine_map<(d0, d1) -> (0, 0, 0)>
#map1 = affine_map<(d0, d1) -> (0, 0)>
module attributes {stable_mosaic.version = 14 : i64} {
  func.func @sc_kernel(%arg0: i32, %arg1: i32, %arg2: memref<4x8192x1024xf32, #tpu.memory_space<hbm>>, %arg3: memref<8192x1024xf32, #tpu.memory_space<hbm>>, %arg4: memref<4x8192x1024xf32, #tpu.memory_space<hbm>>, %arg5: memref<8x8x1024xf32, #tpu.memory_space<vmem>>, %arg6: memref<2x8x1024xf32, #tpu.memory_space<vmem>>, %arg7: memref<8x!tpu.dma_semaphore, #tpu.memory_space<semaphore_mem>>, %arg8: memref<8x!tpu.dma_semaphore, #tpu.memory_space<semaphore_mem>>, %arg9: memref<2x!tpu.dma_semaphore, #tpu.memory_space<semaphore_mem>>) attributes {dimension_semantics = [#tpu.dimension_semantics<core_parallel>, #tpu.dimension_semantics<subcore_parallel>], iteration_bounds = array<i64: 2, 16>, scalar_prefetch = 0 : i64, scratch_operands = 5 : i64, tpu.core_type = #tpu.core_type<sc_vector_subcore>, window_params = [{transform_indices = #map}, {transform_indices = #map1}, {transform_indices = #map}]} {
    %mul3A = arith.constant 2 : i32
    %mul3A_0 = arith.muli %arg1, %mul3A : i32
    %add3A = arith.addi %mul3A_0, %arg0 : i32
    %mul3A_1 = arith.constant 256 : i32
    %mul3A_2 = arith.muli %add3A, %mul3A_1 : i32
    %add3A_3 = arith.constant 0 : i32
    %add3A_4 = arith.addi %mul3A_2, %add3A_3 : i32
    %dma_start3A = arith.constant 0 : i32
    %dma_start3A_5 = arith.constant 0 : i32
    %dma_start3A_6 = arith.constant 0 : i32
    %dma_start3A_7 = arith.constant 0 : i32
    %dma_start3A_8 = tpu.memref_slice %arg6[%dma_start3A, %dma_start3A_6, %dma_start3A_7] : memref<2x8x1024xf32, #tpu.memory_space<vmem>> -> memref<1x8x1024xf32, #tpu.memory_space<vmem>>
    %dma_start3A_9 = tpu.memref_squeeze %dma_start3A_8 : memref<1x8x1024xf32, #tpu.memory_space<vmem>> -> memref<8x1024xf32, #tpu.memory_space<vmem>>
    %dma_start3A_10 = arith.constant 0 : i32
    %dma_start3A_11 = tpu.memref_slice %arg3[%add3A_4, %dma_start3A_10] : memref<8192x1024xf32, #tpu.memory_space<hbm>> -> memref<8x1024xf32, #tpu.memory_space<hbm>>
    %dma_start3A_12 = tpu.memref_slice %arg9[%dma_start3A_5] : memref<2x!tpu.dma_semaphore, #tpu.memory_space<semaphore_mem>> -> memref<1x!tpu.dma_semaphore, #tpu.memory_space<semaphore_mem>>
    %dma_start3A_13 = tpu.memref_squeeze %dma_start3A_12 : memref<1x!tpu.dma_semaphore, #tpu.memory_space<semaphore_mem>> -> memref<!tpu.dma_semaphore, #tpu.memory_space<semaphore_mem>>
    %dma_start3A_14 = arith.constant 0 : i32
    %dma_start3A_15 = arith.constant 0 : i32
    %dma_start3A_16 = tpu.memref_slice %arg6[%dma_start3A, %dma_start3A_14, %dma_start3A_15] : memref<2x8x1024xf32, #tpu.memory_space<vmem>> -> memref<1x8x1024xf32, #tpu.memory_space<vmem>>
    %dma_start3A_17 = tpu.memref_squeeze %dma_start3A_16 : memref<1x8x1024xf32, #tpu.memory_space<vmem>> -> memref<8x1024xf32, #tpu.memory_space<vmem>>
    %dma_start3A_18 = arith.constant 0 : i32
    %dma_start3A_19 = tpu.memref_slice %arg3[%add3A_4, %dma_start3A_18] : memref<8192x1024xf32, #tpu.memory_space<hbm>> -> memref<8x1024xf32, #tpu.memory_space<hbm>>
    tpu.enqueue_dma source(%dma_start3A_19 : memref<8x1024xf32, #tpu.memory_space<hbm>>) target(%dma_start3A_17 : memref<8x1024xf32, #tpu.memory_space<vmem>>) target_semaphore(%dma_start3A_13 : memref<!tpu.dma_semaphore, #tpu.memory_space<semaphore_mem>>)
    %add3A_20 = arith.constant 8 : i32
    %add3A_21 = arith.addi %mul3A_2, %add3A_20 : i32
    %dma_start3A_22 = arith.constant 1 : i32
    %dma_start3A_23 = arith.constant 1 : i32
    %dma_start3A_24 = arith.constant 0 : i32
    %dma_start3A_25 = arith.constant 0 : i32
    %dma_start3A_26 = tpu.memref_slice %arg6[%dma_start3A_22, %dma_start3A_24, %dma_start3A_25] : memref<2x8x1024xf32, #tpu.memory_space<vmem>> -> memref<1x8x1024xf32, #tpu.memory_space<vmem>>
    %dma_start3A_27 = tpu.memref_squeeze %dma_start3A_26 : memref<1x8x1024xf32, #tpu.memory_space<vmem>> -> memref<8x1024xf32, #tpu.memory_space<vmem>>
    %dma_start3A_28 = arith.constant 0 : i32
    %dma_start3A_29 = tpu.memref_slice %arg3[%add3A_21, %dma_start3A_28] : memref<8192x1024xf32, #tpu.memory_space<hbm>> -> memref<8x1024xf32, #tpu.memory_space<hbm>>
    %dma_start3A_30 = tpu.memref_slice %arg9[%dma_start3A_23] : memref<2x!tpu.dma_semaphore, #tpu.memory_space<semaphore_mem>> -> memref<1x!tpu.dma_semaphore, #tpu.memory_space<semaphore_mem>>
    %dma_start3A_31 = tpu.memref_squeeze %dma_start3A_30 : memref<1x!tpu.dma_semaphore, #tpu.memory_space<semaphore_mem>> -> memref<!tpu.dma_semaphore, #tpu.memory_space<semaphore_mem>>
    %dma_start3A_32 = arith.constant 0 : i32
    %dma_start3A_33 = arith.constant 0 : i32
    %dma_start3A_34 = tpu.memref_slice %arg6[%dma_start3A_22, %dma_start3A_32, %dma_start3A_33] : memref<2x8x1024xf32, #tpu.memory_space<vmem>> -> memref<1x8x1024xf32, #tpu.memory_space<vmem>>
    %dma_start3A_35 = tpu.memref_squeeze %dma_start3A_34 : memref<1x8x1024xf32, #tpu.memory_space<vmem>> -> memref<8x1024xf32, #tpu.memory_space<vmem>>
    %dma_start3A_36 = arith.constant 0 : i32
    %dma_start3A_37 = tpu.memref_slice %arg3[%add3A_21, %dma_start3A_36] : memref<8192x1024xf32, #tpu.memory_space<hbm>> -> memref<8x1024xf32, #tpu.memory_space<hbm>>
    tpu.enqueue_dma source(%dma_start3A_37 : memref<8x1024xf32, #tpu.memory_space<hbm>>) target(%dma_start3A_35 : memref<8x1024xf32, #tpu.memory_space<vmem>>) target_semaphore(%dma_start3A_31 : memref<!tpu.dma_semaphore, #tpu.memory_space<semaphore_mem>>)
    %add3A_38 = arith.constant 0 : i32
    %add3A_39 = arith.addi %mul3A_2, %add3A_38 : i32
    %dma_start3A_40 = arith.constant 0 : i32
    %dma_start3A_41 = arith.constant 0 : i32
    %dma_start3A_42 = arith.constant 0 : i32
    %dma_start3A_43 = arith.constant 0 : i32
    %dma_start3A_44 = arith.constant 0 : i32
    %dma_start3A_45 = tpu.memref_slice %arg5[%dma_start3A_41, %dma_start3A_43, %dma_start3A_44] : memref<8x8x1024xf32, #tpu.memory_space<vmem>> -> memref<1x8x1024xf32, #tpu.memory_space<vmem>>
    %dma_start3A_46 = tpu.memref_squeeze %dma_start3A_45 : memref<1x8x1024xf32, #tpu.memory_space<vmem>> -> memref<8x1024xf32, #tpu.memory_space<vmem>>
    %dma_start3A_47 = arith.constant 0 : i32
    %dma_start3A_48 = tpu.memref_slice %arg2[%dma_start3A_40, %add3A_39, %dma_start3A_47] : memref<4x8192x1024xf32, #tpu.memory_space<hbm>> -> memref<1x8x1024xf32, #tpu.memory_space<hbm>>
    %dma_start3A_49 = tpu.memref_squeeze %dma_start3A_48 : memref<1x8x1024xf32, #tpu.memory_space<hbm>> -> memref<8x1024xf32, #tpu.memory_space<hbm>>
    %dma_start3A_50 = tpu.memref_slice %arg7[%dma_start3A_42] : memref<8x!tpu.dma_semaphore, #tpu.memory_space<semaphore_mem>> -> memref<1x!tpu.dma_semaphore, #tpu.memory_space<semaphore_mem>>
    %dma_start3A_51 = tpu.memref_squeeze %dma_start3A_50 : memref<1x!tpu.dma_semaphore, #tpu.memory_space<semaphore_mem>> -> memref<!tpu.dma_semaphore, #tpu.memory_space<semaphore_mem>>
    %dma_start3A_52 = arith.constant 0 : i32
    %dma_start3A_53 = arith.constant 0 : i32
    %dma_start3A_54 = tpu.memref_slice %arg5[%dma_start3A_41, %dma_start3A_52, %dma_start3A_53] : memref<8x8x1024xf32, #tpu.memory_space<vmem>> -> memref<1x8x1024xf32, #tpu.memory_space<vmem>>
    %dma_start3A_55 = tpu.memref_squeeze %dma_start3A_54 : memref<1x8x1024xf32, #tpu.memory_space<vmem>> -> memref<8x1024xf32, #tpu.memory_space<vmem>>
    %dma_start3A_56 = arith.constant 0 : i32
    %dma_start3A_57 = tpu.memref_slice %arg2[%dma_start3A_40, %add3A_39, %dma_start3A_56] : memref<4x8192x1024xf32, #tpu.memory_space<hbm>> -> memref<1x8x1024xf32, #tpu.memory_space<hbm>>
    %dma_start3A_58 = tpu.memref_squeeze %dma_start3A_57 : memref<1x8x1024xf32, #tpu.memory_space<hbm>> -> memref<8x1024xf32, #tpu.memory_space<hbm>>
    tpu.enqueue_dma source(%dma_start3A_58 : memref<8x1024xf32, #tpu.memory_space<hbm>>) target(%dma_start3A_55 : memref<8x1024xf32, #tpu.memory_space<vmem>>) target_semaphore(%dma_start3A_51 : memref<!tpu.dma_semaphore, #tpu.memory_space<semaphore_mem>>)
    %add3A_59 = arith.constant 0 : i32
    %add3A_60 = arith.addi %mul3A_2, %add3A_59 : i32
    %dma_start3A_61 = arith.constant 1 : i32
    %dma_start3A_62 = arith.constant 1 : i32
    %dma_start3A_63 = arith.constant 1 : i32
    %dma_start3A_64 = arith.constant 0 : i32
    %dma_start3A_65 = arith.constant 0 : i32
    %dma_start3A_66 = tpu.memref_slice %arg5[%dma_start3A_62, %dma_start3A_64, %dma_start3A_65] : memref<8x8x1024xf32, #tpu.memory_space<vmem>> -> memref<1x8x1024xf32, #tpu.memory_space<vmem>>
    %dma_start3A_67 = tpu.memref_squeeze %dma_start3A_66 : memref<1x8x1024xf32, #tpu.memory_space<vmem>> -> memref<8x1024xf32, #tpu.memory_space<vmem>>
    %dma_start3A_68 = arith.constant 0 : i32
    %dma_start3A_69 = tpu.memref_slice %arg2[%dma_start3A_61, %add3A_60, %dma_start3A_68] : memref<4x8192x1024xf32, #tpu.memory_space<hbm>> -> memref<1x8x1024xf32, #tpu.memory_space<hbm>>
    %dma_start3A_70 = tpu.memref_squeeze %dma_start3A_69 : memref<1x8x1024xf32, #tpu.memory_space<hbm>> -> memref<8x1024xf32, #tpu.memory_space<hbm>>
    %dma_start3A_71 = tpu.memref_slice %arg7[%dma_start3A_63] : memref<8x!tpu.dma_semaphore, #tpu.memory_space<semaphore_mem>> -> memref<1x!tpu.dma_semaphore, #tpu.memory_space<semaphore_mem>>
    %dma_start3A_72 = tpu.memref_squeeze %dma_start3A_71 : memref<1x!tpu.dma_semaphore, #tpu.memory_space<semaphore_mem>> -> memref<!tpu.dma_semaphore, #tpu.memory_space<semaphore_mem>>
    %dma_start3A_73 = arith.constant 0 : i32
    %dma_start3A_74 = arith.constant 0 : i32
    %dma_start3A_75 = tpu.memref_slice %arg5[%dma_start3A_62, %dma_start3A_73, %dma_start3A_74] : memref<8x8x1024xf32, #tpu.memory_space<vmem>> -> memref<1x8x1024xf32, #tpu.memory_space<vmem>>
    %dma_start3A_76 = tpu.memref_squeeze %dma_start3A_75 : memref<1x8x1024xf32, #tpu.memory_space<vmem>> -> memref<8x1024xf32, #tpu.memory_space<vmem>>
    %dma_start3A_77 = arith.constant 0 : i32
    %dma_start3A_78 = tpu.memref_slice %arg2[%dma_start3A_61, %add3A_60, %dma_start3A_77] : memref<4x8192x1024xf32, #tpu.memory_space<hbm>> -> memref<1x8x1024xf32, #tpu.memory_space<hbm>>
    %dma_start3A_79 = tpu.memref_squeeze %dma_start3A_78 : memref<1x8x1024xf32, #tpu.memory_space<hbm>> -> memref<8x1024xf32, #tpu.memory_space<hbm>>
    tpu.enqueue_dma source(%dma_start3A_79 : memref<8x1024xf32, #tpu.memory_space<hbm>>) target(%dma_start3A_76 : memref<8x1024xf32, #tpu.memory_space<vmem>>) target_semaphore(%dma_start3A_72 : memref<!tpu.dma_semaphore, #tpu.memory_space<semaphore_mem>>)
    %add3A_80 = arith.constant 0 : i32
    %add3A_81 = arith.addi %mul3A_2, %add3A_80 : i32
    %dma_start3A_82 = arith.constant 2 : i32
    %dma_start3A_83 = arith.constant 2 : i32
    %dma_start3A_84 = arith.constant 2 : i32
    %dma_start3A_85 = arith.constant 0 : i32
    %dma_start3A_86 = arith.constant 0 : i32
    %dma_start3A_87 = tpu.memref_slice %arg5[%dma_start3A_83, %dma_start3A_85, %dma_start3A_86] : memref<8x8x1024xf32, #tpu.memory_space<vmem>> -> memref<1x8x1024xf32, #tpu.memory_space<vmem>>
    %dma_start3A_88 = tpu.memref_squeeze %dma_start3A_87 : memref<1x8x1024xf32, #tpu.memory_space<vmem>> -> memref<8x1024xf32, #tpu.memory_space<vmem>>
    %dma_start3A_89 = arith.constant 0 : i32
    %dma_start3A_90 = tpu.memref_slice %arg2[%dma_start3A_82, %add3A_81, %dma_start3A_89] : memref<4x8192x1024xf32, #tpu.memory_space<hbm>> -> memref<1x8x1024xf32, #tpu.memory_space<hbm>>
    %dma_start3A_91 = tpu.memref_squeeze %dma_start3A_90 : memref<1x8x1024xf32, #tpu.memory_space<hbm>> -> memref<8x1024xf32, #tpu.memory_space<hbm>>
    %dma_start3A_92 = tpu.memref_slice %arg7[%dma_start3A_84] : memref<8x!tpu.dma_semaphore, #tpu.memory_space<semaphore_mem>> -> memref<1x!tpu.dma_semaphore, #tpu.memory_space<semaphore_mem>>
    %dma_start3A_93 = tpu.memref_squeeze %dma_start3A_92 : memref<1x!tpu.dma_semaphore, #tpu.memory_space<semaphore_mem>> -> memref<!tpu.dma_semaphore, #tpu.memory_space<semaphore_mem>>
    %dma_start3A_94 = arith.constant 0 : i32
    %dma_start3A_95 = arith.constant 0 : i32
    %dma_start3A_96 = tpu.memref_slice %arg5[%dma_start3A_83, %dma_start3A_94, %dma_start3A_95] : memref<8x8x1024xf32, #tpu.memory_space<vmem>> -> memref<1x8x1024xf32, #tpu.memory_space<vmem>>
    %dma_start3A_97 = tpu.memref_squeeze %dma_start3A_96 : memref<1x8x1024xf32, #tpu.memory_space<vmem>> -> memref<8x1024xf32, #tpu.memory_space<vmem>>
    %dma_start3A_98 = arith.constant 0 : i32
    %dma_start3A_99 = tpu.memref_slice %arg2[%dma_start3A_82, %add3A_81, %dma_start3A_98] : memref<4x8192x1024xf32, #tpu.memory_space<hbm>> -> memref<1x8x1024xf32, #tpu.memory_space<hbm>>
    %dma_start3A_100 = tpu.memref_squeeze %dma_start3A_99 : memref<1x8x1024xf32, #tpu.memory_space<hbm>> -> memref<8x1024xf32, #tpu.memory_space<hbm>>
    tpu.enqueue_dma source(%dma_start3A_100 : memref<8x1024xf32, #tpu.memory_space<hbm>>) target(%dma_start3A_97 : memref<8x1024xf32, #tpu.memory_space<vmem>>) target_semaphore(%dma_start3A_93 : memref<!tpu.dma_semaphore, #tpu.memory_space<semaphore_mem>>)
    %add3A_101 = arith.constant 0 : i32
    %add3A_102 = arith.addi %mul3A_2, %add3A_101 : i32
    %dma_start3A_103 = arith.constant 3 : i32
    %dma_start3A_104 = arith.constant 3 : i32
    %dma_start3A_105 = arith.constant 3 : i32
    %dma_start3A_106 = arith.constant 0 : i32
    %dma_start3A_107 = arith.constant 0 : i32
    %dma_start3A_108 = tpu.memref_slice %arg5[%dma_start3A_104, %dma_start3A_106, %dma_start3A_107] : memref<8x8x1024xf32, #tpu.memory_space<vmem>> -> memref<1x8x1024xf32, #tpu.memory_space<vmem>>
    %dma_start3A_109 = tpu.memref_squeeze %dma_start3A_108 : memref<1x8x1024xf32, #tpu.memory_space<vmem>> -> memref<8x1024xf32, #tpu.memory_space<vmem>>
    %dma_start3A_110 = arith.constant 0 : i32
    %dma_start3A_111 = tpu.memref_slice %arg2[%dma_start3A_103, %add3A_102, %dma_start3A_110] : memref<4x8192x1024xf32, #tpu.memory_space<hbm>> -> memref<1x8x1024xf32, #tpu.memory_space<hbm>>
    %dma_start3A_112 = tpu.memref_squeeze %dma_start3A_111 : memref<1x8x1024xf32, #tpu.memory_space<hbm>> -> memref<8x1024xf32, #tpu.memory_space<hbm>>
    %dma_start3A_113 = tpu.memref_slice %arg7[%dma_start3A_105] : memref<8x!tpu.dma_semaphore, #tpu.memory_space<semaphore_mem>> -> memref<1x!tpu.dma_semaphore, #tpu.memory_space<semaphore_mem>>
    %dma_start3A_114 = tpu.memref_squeeze %dma_start3A_113 : memref<1x!tpu.dma_semaphore, #tpu.memory_space<semaphore_mem>> -> memref<!tpu.dma_semaphore, #tpu.memory_space<semaphore_mem>>
    %dma_start3A_115 = arith.constant 0 : i32
    %dma_start3A_116 = arith.constant 0 : i32
    %dma_start3A_117 = tpu.memref_slice %arg5[%dma_start3A_104, %dma_start3A_115, %dma_start3A_116] : memref<8x8x1024xf32, #tpu.memory_space<vmem>> -> memref<1x8x1024xf32, #tpu.memory_space<vmem>>
    %dma_start3A_118 = tpu.memref_squeeze %dma_start3A_117 : memref<1x8x1024xf32, #tpu.memory_space<vmem>> -> memref<8x1024xf32, #tpu.memory_space<vmem>>
    %dma_start3A_119 = arith.constant 0 : i32
    %dma_start3A_120 = tpu.memref_slice %arg2[%dma_start3A_103, %add3A_102, %dma_start3A_119] : memref<4x8192x1024xf32, #tpu.memory_space<hbm>> -> memref<1x8x1024xf32, #tpu.memory_space<hbm>>
    %dma_start3A_121 = tpu.memref_squeeze %dma_start3A_120 : memref<1x8x1024xf32, #tpu.memory_space<hbm>> -> memref<8x1024xf32, #tpu.memory_space<hbm>>
    tpu.enqueue_dma source(%dma_start3A_121 : memref<8x1024xf32, #tpu.memory_space<hbm>>) target(%dma_start3A_118 : memref<8x1024xf32, #tpu.memory_space<vmem>>) target_semaphore(%dma_start3A_114 : memref<!tpu.dma_semaphore, #tpu.memory_space<semaphore_mem>>)
    %scan3A = arith.constant 0 : i32
    %scan3A_122 = arith.constant 16 : i32
    %scan3A_123 = arith.addi %scan3A, %scan3A_122 : i32
    %scan3A_124 = arith.constant 1 : i32
    scf.for %scan3A_293 = %scan3A to %scan3A_123 step %scan3A_124  : i32 {
      %mul3A_294 = arith.constant 1 : i32
      %mul3A_295 = arith.muli %scan3A_293, %mul3A_294 : i32
      %add3A_296 = arith.constant 0 : i32
      %add3A_297 = arith.addi %add3A_296, %mul3A_295 : i32
      %mul3A_298 = arith.constant 2 : i32
      %mul3A_299 = arith.muli %mul3A_298, %add3A_297 : i32
      %add3A_300 = arith.constant 0 : i32
      %add3A_301 = arith.addi %mul3A_299, %add3A_300 : i32
      %dma_wait3A_302 = arith.constant 0 : i32
      %dma_wait3A_303 = arith.constant 0 : i32
      %dma_wait3A_304 = arith.constant 0 : i32
      %dma_wait3A_305 = arith.constant 0 : i32
      %dma_wait3A_306 = tpu.memref_slice %arg6[%dma_wait3A_302, %dma_wait3A_304, %dma_wait3A_305] : memref<2x8x1024xf32, #tpu.memory_space<vmem>> -> memref<1x8x1024xf32, #tpu.memory_space<vmem>>
      %dma_wait3A_307 = tpu.memref_squeeze %dma_wait3A_306 : memref<1x8x1024xf32, #tpu.memory_space<vmem>> -> memref<8x1024xf32, #tpu.memory_space<vmem>>
      %dma_wait3A_308 = arith.constant 0 : i32
      %dma_wait3A_309 = arith.constant 0 : i32
      %dma_wait3A_310 = tpu.memref_slice %arg3[%dma_wait3A_308, %dma_wait3A_309] : memref<8192x1024xf32, #tpu.memory_space<hbm>> -> memref<8x1024xf32, #tpu.memory_space<hbm>>
      %dma_wait3A_311 = tpu.memref_slice %arg9[%dma_wait3A_303] : memref<2x!tpu.dma_semaphore, #tpu.memory_space<semaphore_mem>> -> memref<1x!tpu.dma_semaphore, #tpu.memory_space<semaphore_mem>>
      %dma_wait3A_312 = tpu.memref_squeeze %dma_wait3A_311 : memref<1x!tpu.dma_semaphore, #tpu.memory_space<semaphore_mem>> -> memref<!tpu.dma_semaphore, #tpu.memory_space<semaphore_mem>>
      %dma_wait3A_313 = arith.constant 0 : i32
      %dma_wait3A_314 = arith.constant 0 : i32
      %dma_wait3A_315 = tpu.memref_slice %arg6[%dma_wait3A_302, %dma_wait3A_313, %dma_wait3A_314] : memref<2x8x1024xf32, #tpu.memory_space<vmem>> -> memref<1x8x1024xf32, #tpu.memory_space<vmem>>
      %dma_wait3A_316 = tpu.memref_squeeze %dma_wait3A_315 : memref<1x8x1024xf32, #tpu.memory_space<vmem>> -> memref<8x1024xf32, #tpu.memory_space<vmem>>
      %dma_wait3A_317 = arith.constant 0 : i32
      %dma_wait3A_318 = arith.constant 0 : i32
      %dma_wait3A_319 = tpu.memref_slice %arg3[%dma_wait3A_317, %dma_wait3A_318] : memref<8192x1024xf32, #tpu.memory_space<hbm>> -> memref<8x1024xf32, #tpu.memory_space<hbm>>
      tpu.wait_dma2 semaphore(%dma_wait3A_312 : memref<!tpu.dma_semaphore, #tpu.memory_space<semaphore_mem>>) src(%dma_wait3A_319 : memref<8x1024xf32, #tpu.memory_space<hbm>>) dst(%dma_wait3A_316 : memref<8x1024xf32, #tpu.memory_space<vmem>>)
      %lt3A = arith.constant 31 : i32
      %lt3A_320 = arith.cmpi slt, %add3A_301, %lt3A : i32
      %convert_element_type3A = arith.extui %lt3A_320 : i1 to i32
      %cond3A = arith.constant 0 : i32
      %cond3A_321 = arith.cmpi ne, %convert_element_type3A, %cond3A : i32
      scf.if %cond3A_321 {
        %ge3A = arith.constant 1 : i32
        %ge3A_756 = arith.cmpi sge, %add3A_301, %ge3A : i32
        %convert_element_type3A_757 = arith.extui %ge3A_756 : i1 to i32
        %cond3A_758 = arith.constant 0 : i32
        %cond3A_759 = arith.cmpi ne, %convert_element_type3A_757, %cond3A_758 : i32
        scf.if %cond3A_759 {
          %dma_wait3A_784 = arith.constant 4 : i32
          %dma_wait3A_785 = arith.constant 0 : i32
          %dma_wait3A_786 = arith.constant 4 : i32
          %dma_wait3A_787 = arith.constant 0 : i32
          %dma_wait3A_788 = arith.constant 0 : i32
          %dma_wait3A_789 = tpu.memref_slice %arg5[%dma_wait3A_784, %dma_wait3A_787, %dma_wait3A_788] : memref<8x8x1024xf32, #tpu.memory_space<vmem>> -> memref<1x8x1024xf32, #tpu.memory_space<vmem>>
          %dma_wait3A_790 = tpu.memref_squeeze %dma_wait3A_789 : memref<1x8x1024xf32, #tpu.memory_space<vmem>> -> memref<8x1024xf32, #tpu.memory_space<vmem>>
          %dma_wait3A_791 = arith.constant 0 : i32
          %dma_wait3A_792 = arith.constant 0 : i32
          %dma_wait3A_793 = tpu.memref_slice %arg4[%dma_wait3A_785, %dma_wait3A_791, %dma_wait3A_792] : memref<4x8192x1024xf32, #tpu.memory_space<hbm>> -> memref<1x8x1024xf32, #tpu.memory_space<hbm>>
          %dma_wait3A_794 = tpu.memref_squeeze %dma_wait3A_793 : memref<1x8x1024xf32, #tpu.memory_space<hbm>> -> memref<8x1024xf32, #tpu.memory_space<hbm>>
          %dma_wait3A_795 = tpu.memref_slice %arg8[%dma_wait3A_786] : memref<8x!tpu.dma_semaphore, #tpu.memory_space<semaphore_mem>> -> memref<1x!tpu.dma_semaphore, #tpu.memory_space<semaphore_mem>>
          %dma_wait3A_796 = tpu.memref_squeeze %dma_wait3A_795 : memref<1x!tpu.dma_semaphore, #tpu.memory_space<semaphore_mem>> -> memref<!tpu.dma_semaphore, #tpu.memory_space<semaphore_mem>>
          %dma_wait3A_797 = arith.constant 0 : i32
          %dma_wait3A_798 = arith.constant 0 : i32
          %dma_wait3A_799 = tpu.memref_slice %arg4[%dma_wait3A_785, %dma_wait3A_797, %dma_wait3A_798] : memref<4x8192x1024xf32, #tpu.memory_space<hbm>> -> memref<1x8x1024xf32, #tpu.memory_space<hbm>>
          %dma_wait3A_800 = tpu.memref_squeeze %dma_wait3A_799 : memref<1x8x1024xf32, #tpu.memory_space<hbm>> -> memref<8x1024xf32, #tpu.memory_space<hbm>>
          %dma_wait3A_801 = arith.constant 0 : i32
          %dma_wait3A_802 = arith.constant 0 : i32
          %dma_wait3A_803 = tpu.memref_slice %arg5[%dma_wait3A_784, %dma_wait3A_801, %dma_wait3A_802] : memref<8x8x1024xf32, #tpu.memory_space<vmem>> -> memref<1x8x1024xf32, #tpu.memory_space<vmem>>
          %dma_wait3A_804 = tpu.memref_squeeze %dma_wait3A_803 : memref<1x8x1024xf32, #tpu.memory_space<vmem>> -> memref<8x1024xf32, #tpu.memory_space<vmem>>
          tpu.wait_dma2 semaphore(%dma_wait3A_796 : memref<!tpu.dma_semaphore, #tpu.memory_space<semaphore_mem>>) src(%dma_wait3A_804 : memref<8x1024xf32, #tpu.memory_space<vmem>>) dst(%dma_wait3A_800 : memref<8x1024xf32, #tpu.memory_space<hbm>>)
        } else {
        }
        %add3A_760 = arith.constant 1 : i32
        %add3A_761 = arith.addi %add3A_301, %add3A_760 : i32
        %mul3A_762 = arith.constant 8 : i32
        %mul3A_763 = arith.muli %add3A_761, %mul3A_762 : i32
        %add3A_764 = arith.addi %mul3A_2, %mul3A_763 : i32
        %dma_start3A_765 = arith.constant 0 : i32
        %dma_start3A_766 = arith.constant 4 : i32
        %dma_start3A_767 = arith.constant 4 : i32
        %dma_start3A_768 = arith.constant 0 : i32
        %dma_start3A_769 = arith.constant 0 : i32
        %dma_start3A_770 = tpu.memref_slice %arg5[%dma_start3A_766, %dma_start3A_768, %dma_start3A_769] : memref<8x8x1024xf32, #tpu.memory_space<vmem>> -> memref<1x8x1024xf32, #tpu.memory_space<vmem>>
        %dma_start3A_771 = tpu.memref_squeeze %dma_start3A_770 : memref<1x8x1024xf32, #tpu.memory_space<vmem>> -> memref<8x1024xf32, #tpu.memory_space<vmem>>
        %dma_start3A_772 = arith.constant 0 : i32
        %dma_start3A_773 = tpu.memref_slice %arg2[%dma_start3A_765, %add3A_764, %dma_start3A_772] : memref<4x8192x1024xf32, #tpu.memory_space<hbm>> -> memref<1x8x1024xf32, #tpu.memory_space<hbm>>
        %dma_start3A_774 = tpu.memref_squeeze %dma_start3A_773 : memref<1x8x1024xf32, #tpu.memory_space<hbm>> -> memref<8x1024xf32, #tpu.memory_space<hbm>>
        %dma_start3A_775 = tpu.memref_slice %arg7[%dma_start3A_767] : memref<8x!tpu.dma_semaphore, #tpu.memory_space<semaphore_mem>> -> memref<1x!tpu.dma_semaphore, #tpu.memory_space<semaphore_mem>>
        %dma_start3A_776 = tpu.memref_squeeze %dma_start3A_775 : memref<1x!tpu.dma_semaphore, #tpu.memory_space<semaphore_mem>> -> memref<!tpu.dma_semaphore, #tpu.memory_space<semaphore_mem>>
        %dma_start3A_777 = arith.constant 0 : i32
        %dma_start3A_778 = arith.constant 0 : i32
        %dma_start3A_779 = tpu.memref_slice %arg5[%dma_start3A_766, %dma_start3A_777, %dma_start3A_778] : memref<8x8x1024xf32, #tpu.memory_space<vmem>> -> memref<1x8x1024xf32, #tpu.memory_space<vmem>>
        %dma_start3A_780 = tpu.memref_squeeze %dma_start3A_779 : memref<1x8x1024xf32, #tpu.memory_space<vmem>> -> memref<8x1024xf32, #tpu.memory_space<vmem>>
        %dma_start3A_781 = arith.constant 0 : i32
        %dma_start3A_782 = tpu.memref_slice %arg2[%dma_start3A_765, %add3A_764, %dma_start3A_781] : memref<4x8192x1024xf32, #tpu.memory_space<hbm>> -> memref<1x8x1024xf32, #tpu.memory_space<hbm>>
        %dma_start3A_783 = tpu.memref_squeeze %dma_start3A_782 : memref<1x8x1024xf32, #tpu.memory_space<hbm>> -> memref<8x1024xf32, #tpu.memory_space<hbm>>
        tpu.enqueue_dma source(%dma_start3A_783 : memref<8x1024xf32, #tpu.memory_space<hbm>>) target(%dma_start3A_780 : memref<8x1024xf32, #tpu.memory_space<vmem>>) target_semaphore(%dma_start3A_776 : memref<!tpu.dma_semaphore, #tpu.memory_space<semaphore_mem>>)
      } else {
      }
      %dma_wait3A_322 = arith.constant 0 : i32
      %dma_wait3A_323 = arith.constant 0 : i32
      %dma_wait3A_324 = arith.constant 0 : i32
      %dma_wait3A_325 = arith.constant 0 : i32
      %dma_wait3A_326 = arith.constant 0 : i32
      %dma_wait3A_327 = tpu.memref_slice %arg5[%dma_wait3A_323, %dma_wait3A_325, %dma_wait3A_326] : memref<8x8x1024xf32, #tpu.memory_space<vmem>> -> memref<1x8x1024xf32, #tpu.memory_space<vmem>>
      %dma_wait3A_328 = tpu.memref_squeeze %dma_wait3A_327 : memref<1x8x1024xf32, #tpu.memory_space<vmem>> -> memref<8x1024xf32, #tpu.memory_space<vmem>>
      %dma_wait3A_329 = arith.constant 0 : i32
      %dma_wait3A_330 = arith.constant 0 : i32
      %dma_wait3A_331 = tpu.memref_slice %arg2[%dma_wait3A_322, %dma_wait3A_329, %dma_wait3A_330] : memref<4x8192x1024xf32, #tpu.memory_space<hbm>> -> memref<1x8x1024xf32, #tpu.memory_space<hbm>>
      %dma_wait3A_332 = tpu.memref_squeeze %dma_wait3A_331 : memref<1x8x1024xf32, #tpu.memory_space<hbm>> -> memref<8x1024xf32, #tpu.memory_space<hbm>>
      %dma_wait3A_333 = tpu.memref_slice %arg7[%dma_wait3A_324] : memref<8x!tpu.dma_semaphore, #tpu.memory_space<semaphore_mem>> -> memref<1x!tpu.dma_semaphore, #tpu.memory_space<semaphore_mem>>
      %dma_wait3A_334 = tpu.memref_squeeze %dma_wait3A_333 : memref<1x!tpu.dma_semaphore, #tpu.memory_space<semaphore_mem>> -> memref<!tpu.dma_semaphore, #tpu.memory_space<semaphore_mem>>
      %dma_wait3A_335 = arith.constant 0 : i32
      %dma_wait3A_336 = arith.constant 0 : i32
      %dma_wait3A_337 = tpu.memref_slice %arg5[%dma_wait3A_323, %dma_wait3A_335, %dma_wait3A_336] : memref<8x8x1024xf32, #tpu.memory_space<vmem>> -> memref<1x8x1024xf32, #tpu.memory_space<vmem>>
      %dma_wait3A_338 = tpu.memref_squeeze %dma_wait3A_337 : memref<1x8x1024xf32, #tpu.memory_space<vmem>> -> memref<8x1024xf32, #tpu.memory_space<vmem>>
      %dma_wait3A_339 = arith.constant 0 : i32
      %dma_wait3A_340 = arith.constant 0 : i32
      %dma_wait3A_341 = tpu.memref_slice %arg2[%dma_wait3A_322, %dma_wait3A_339, %dma_wait3A_340] : memref<4x8192x1024xf32, #tpu.memory_space<hbm>> -> memref<1x8x1024xf32, #tpu.memory_space<hbm>>
      %dma_wait3A_342 = tpu.memref_squeeze %dma_wait3A_341 : memref<1x8x1024xf32, #tpu.memory_space<hbm>> -> memref<8x1024xf32, #tpu.memory_space<hbm>>
      tpu.wait_dma2 semaphore(%dma_wait3A_334 : memref<!tpu.dma_semaphore, #tpu.memory_space<semaphore_mem>>) src(%dma_wait3A_342 : memref<8x1024xf32, #tpu.memory_space<hbm>>) dst(%dma_wait3A_338 : memref<8x1024xf32, #tpu.memory_space<vmem>>)
      %parallel_loop3A = arith.constant 0 : i32
      %parallel_loop3A_343 = arith.constant 512 : i32
      %parallel_loop3A_344 = arith.constant 1 : i32
      scf.for %parallel_loop3A_756 = %parallel_loop3A to %parallel_loop3A_343 step %parallel_loop3A_344  : i32 {
        %parallel_loop3A_757 = arith.constant 64 : i32
        %parallel_loop3A_758 = arith.divsi %parallel_loop3A_756, %parallel_loop3A_757 : i32
        %parallel_loop3A_759 = arith.constant 0 : i32
        %parallel_loop3A_760 = arith.cmpi sgt, %parallel_loop3A_756, %parallel_loop3A_759 : i32
        %parallel_loop3A_761 = arith.extui %parallel_loop3A_760 : i1 to i32
        %parallel_loop3A_762 = arith.constant 0 : i32
        %parallel_loop3A_763 = arith.cmpi slt, %parallel_loop3A_756, %parallel_loop3A_762 : i32
        %parallel_loop3A_764 = arith.extui %parallel_loop3A_763 : i1 to i32
        %parallel_loop3A_765 = arith.subi %parallel_loop3A_761, %parallel_loop3A_764 : i32
        %parallel_loop3A_766 = arith.constant 0 : i32
        %parallel_loop3A_767 = arith.cmpi sgt, %parallel_loop3A_757, %parallel_loop3A_766 : i32
        %parallel_loop3A_768 = arith.extui %parallel_loop3A_767 : i1 to i32
        %parallel_loop3A_769 = arith.constant 0 : i32
        %parallel_loop3A_770 = arith.cmpi slt, %parallel_loop3A_757, %parallel_loop3A_769 : i32
        %parallel_loop3A_771 = arith.extui %parallel_loop3A_770 : i1 to i32
        %parallel_loop3A_772 = arith.subi %parallel_loop3A_768, %parallel_loop3A_771 : i32
        %parallel_loop3A_773 = arith.cmpi ne, %parallel_loop3A_765, %parallel_loop3A_772 : i32
        %parallel_loop3A_774 = arith.remsi %parallel_loop3A_756, %parallel_loop3A_757 : i32
        %parallel_loop3A_775 = arith.constant 0 : i32
        %parallel_loop3A_776 = arith.cmpi ne, %parallel_loop3A_774, %parallel_loop3A_775 : i32
        %parallel_loop3A_777 = arith.andi %parallel_loop3A_773, %parallel_loop3A_776 : i1
        %parallel_loop3A_778 = arith.constant 1 : i32
        %parallel_loop3A_779 = arith.subi %parallel_loop3A_758, %parallel_loop3A_778 : i32
        %parallel_loop3A_780 = arith.select %parallel_loop3A_777, %parallel_loop3A_779, %parallel_loop3A_758 : i32
        %parallel_loop3A_781 = arith.constant 64 : i32
        %parallel_loop3A_782 = arith.constant 0 : i32
        %parallel_loop3A_783 = arith.cmpi eq, %parallel_loop3A_781, %parallel_loop3A_782 : i32
        %parallel_loop3A_784 = arith.constant 1 : i32
        %parallel_loop3A_785 = arith.select %parallel_loop3A_783, %parallel_loop3A_784, %parallel_loop3A_781 : i32
        %parallel_loop3A_786 = arith.remsi %parallel_loop3A_756, %parallel_loop3A_785 : i32
        %parallel_loop3A_787 = arith.constant 0 : i32
        %parallel_loop3A_788 = arith.cmpi ne, %parallel_loop3A_786, %parallel_loop3A_787 : i32
        %parallel_loop3A_789 = arith.constant 0 : i32
        %parallel_loop3A_790 = arith.cmpi slt, %parallel_loop3A_786, %parallel_loop3A_789 : i32
        %parallel_loop3A_791 = arith.constant 0 : i32
        %parallel_loop3A_792 = arith.cmpi slt, %parallel_loop3A_785, %parallel_loop3A_791 : i32
        %parallel_loop3A_793 = arith.xori %parallel_loop3A_790, %parallel_loop3A_792 : i1
        %parallel_loop3A_794 = arith.andi %parallel_loop3A_793, %parallel_loop3A_788 : i1
        %parallel_loop3A_795 = arith.addi %parallel_loop3A_786, %parallel_loop3A_785 : i32
        %parallel_loop3A_796 = arith.select %parallel_loop3A_794, %parallel_loop3A_795, %parallel_loop3A_786 : i32
        %parallel_loop3A_797 = arith.constant 16 : i32
        %parallel_loop3A_798 = arith.muli %parallel_loop3A_796, %parallel_loop3A_797 : i32
        %parallel_loop3A_799 = arith.constant 0 : i32
        %parallel_loop3A_800 = arith.index_cast %parallel_loop3A_799 : i32 to index
        %parallel_loop3A_801 = arith.index_cast %parallel_loop3A_780 : i32 to index
        %parallel_loop3A_802 = arith.index_cast %parallel_loop3A_798 : i32 to index
        %parallel_loop3A_803 = tpu.vector_load %arg6[%parallel_loop3A_800, %parallel_loop3A_801, %parallel_loop3A_802] {strides = array<i32>} : memref<2x8x1024xf32, #tpu.memory_space<vmem>>, vector<1x1x16xf32>,
        %parallel_loop3A_804 = vector.shape_cast %parallel_loop3A_803 : vector<1x1x16xf32> to vector<16xf32>
        %parallel_loop3A_805 = arith.constant 0 : i32
        %parallel_loop3A_806 = arith.constant 0 : i32
        %parallel_loop3A_807 = arith.constant 0 : i32
        %parallel_loop3A_808 = tpu.memref_slice %arg5[%parallel_loop3A_805, %parallel_loop3A_806, %parallel_loop3A_807] : memref<8x8x1024xf32, #tpu.memory_space<vmem>> -> memref<1x8x1024xf32, #tpu.memory_space<vmem>>
        %parallel_loop3A_809 = tpu.memref_squeeze %parallel_loop3A_808 : memref<1x8x1024xf32, #tpu.memory_space<vmem>> -> memref<8x1024xf32, #tpu.memory_space<vmem>>
        %parallel_loop3A_810 = arith.constant 0 : i32
        %parallel_loop3A_811 = tpu.memref_slice %parallel_loop3A_809[%parallel_loop3A_780, %parallel_loop3A_810] : memref<8x1024xf32, #tpu.memory_space<vmem>> -> memref<1x1024xf32, #tpu.memory_space<vmem>>
        %parallel_loop3A_812 = tpu.memref_squeeze %parallel_loop3A_811 : memref<1x1024xf32, #tpu.memory_space<vmem>> -> memref<1024xf32, #tpu.memory_space<vmem>>
        %parallel_loop3A_813 = arith.index_cast %parallel_loop3A_798 : i32 to index
        %parallel_loop3A_814 = tpu.vector_load %parallel_loop3A_812[%parallel_loop3A_813] {strides = array<i32>} : memref<1024xf32, #tpu.memory_space<vmem>>, vector<16xf32>,
        %parallel_loop3A_815 = vector.shape_cast %parallel_loop3A_814 : vector<16xf32> to vector<16xf32>
        %parallel_loop3A_816 = vector.shape_cast %parallel_loop3A_804 : vector<16xf32> to vector<16xf32>
        tpu.vector_store %parallel_loop3A_812[%parallel_loop3A_813], %parallel_loop3A_816 {add = true, strides = array<i32>} : memref<1024xf32, #tpu.memory_space<vmem>>, vector<16xf32>,
      } {sc.loop_unroll_factor = 16 : i64, sc.parallel_access}
      %mul3A_345 = arith.constant 8 : i32
      %mul3A_346 = arith.muli %add3A_301, %mul3A_345 : i32
      %add3A_347 = arith.addi %mul3A_2, %mul3A_346 : i32
      %dma_start3A_348 = arith.constant 0 : i32
      %dma_start3A_349 = arith.constant 0 : i32
      %dma_start3A_350 = arith.constant 0 : i32
      %dma_start3A_351 = arith.constant 0 : i32
      %dma_start3A_352 = arith.constant 0 : i32
      %dma_start3A_353 = tpu.memref_slice %arg5[%dma_start3A_348, %dma_start3A_351, %dma_start3A_352] : memref<8x8x1024xf32, #tpu.memory_space<vmem>> -> memref<1x8x1024xf32, #tpu.memory_space<vmem>>
      %dma_start3A_354 = tpu.memref_squeeze %dma_start3A_353 : memref<1x8x1024xf32, #tpu.memory_space<vmem>> -> memref<8x1024xf32, #tpu.memory_space<vmem>>
      %dma_start3A_355 = arith.constant 0 : i32
      %dma_start3A_356 = tpu.memref_slice %arg4[%dma_start3A_349, %add3A_347, %dma_start3A_355] : memref<4x8192x1024xf32, #tpu.memory_space<hbm>> -> memref<1x8x1024xf32, #tpu.memory_space<hbm>>
      %dma_start3A_357 = tpu.memref_squeeze %dma_start3A_356 : memref<1x8x1024xf32, #tpu.memory_space<hbm>> -> memref<8x1024xf32, #tpu.memory_space<hbm>>
      %dma_start3A_358 = tpu.memref_slice %arg8[%dma_start3A_350] : memref<8x!tpu.dma_semaphore, #tpu.memory_space<semaphore_mem>> -> memref<1x!tpu.dma_semaphore, #tpu.memory_space<semaphore_mem>>
      %dma_start3A_359 = tpu.memref_squeeze %dma_start3A_358 : memref<1x!tpu.dma_semaphore, #tpu.memory_space<semaphore_mem>> -> memref<!tpu.dma_semaphore, #tpu.memory_space<semaphore_mem>>
      %dma_start3A_360 = arith.constant 0 : i32
      %dma_start3A_361 = tpu.memref_slice %arg4[%dma_start3A_349, %add3A_347, %dma_start3A_360] : memref<4x8192x1024xf32, #tpu.memory_space<hbm>> -> memref<1x8x1024xf32, #tpu.memory_space<hbm>>
      %dma_start3A_362 = tpu.memref_squeeze %dma_start3A_361 : memref<1x8x1024xf32, #tpu.memory_space<hbm>> -> memref<8x1024xf32, #tpu.memory_space<hbm>>
      %dma_start3A_363 = arith.constant 0 : i32
      %dma_start3A_364 = arith.constant 0 : i32
      %dma_start3A_365 = tpu.memref_slice %arg5[%dma_start3A_348, %dma_start3A_363, %dma_start3A_364] : memref<8x8x1024xf32, #tpu.memory_space<vmem>> -> memref<1x8x1024xf32, #tpu.memory_space<vmem>>
      %dma_start3A_366 = tpu.memref_squeeze %dma_start3A_365 : memref<1x8x1024xf32, #tpu.memory_space<vmem>> -> memref<8x1024xf32, #tpu.memory_space<vmem>>
      tpu.enqueue_dma source(%dma_start3A_366 : memref<8x1024xf32, #tpu.memory_space<vmem>>) target(%dma_start3A_362 : memref<8x1024xf32, #tpu.memory_space<hbm>>) target_semaphore(%dma_start3A_359 : memref<!tpu.dma_semaphore, #tpu.memory_space<semaphore_mem>>)
      %lt3A_367 = arith.constant 31 : i32
      %lt3A_368 = arith.cmpi slt, %add3A_301, %lt3A_367 : i32
      %convert_element_type3A_369 = arith.extui %lt3A_368 : i1 to i32
      %cond3A_370 = arith.constant 0 : i32
      %cond3A_371 = arith.cmpi ne, %convert_element_type3A_369, %cond3A_370 : i32
      scf.if %cond3A_371 {
        %ge3A = arith.constant 1 : i32
        %ge3A_756 = arith.cmpi sge, %add3A_301, %ge3A : i32
        %convert_element_type3A_757 = arith.extui %ge3A_756 : i1 to i32
        %cond3A_758 = arith.constant 0 : i32
        %cond3A_759 = arith.cmpi ne, %convert_element_type3A_757, %cond3A_758 : i32
        scf.if %cond3A_759 {
          %dma_wait3A_784 = arith.constant 5 : i32
          %dma_wait3A_785 = arith.constant 0 : i32
          %dma_wait3A_786 = arith.constant 5 : i32
          %dma_wait3A_787 = arith.constant 0 : i32
          %dma_wait3A_788 = arith.constant 0 : i32
          %dma_wait3A_789 = tpu.memref_slice %arg5[%dma_wait3A_784, %dma_wait3A_787, %dma_wait3A_788] : memref<8x8x1024xf32, #tpu.memory_space<vmem>> -> memref<1x8x1024xf32, #tpu.memory_space<vmem>>
          %dma_wait3A_790 = tpu.memref_squeeze %dma_wait3A_789 : memref<1x8x1024xf32, #tpu.memory_space<vmem>> -> memref<8x1024xf32, #tpu.memory_space<vmem>>
          %dma_wait3A_791 = arith.constant 0 : i32
          %dma_wait3A_792 = arith.constant 0 : i32
          %dma_wait3A_793 = tpu.memref_slice %arg4[%dma_wait3A_785, %dma_wait3A_791, %dma_wait3A_792] : memref<4x8192x1024xf32, #tpu.memory_space<hbm>> -> memref<1x8x1024xf32, #tpu.memory_space<hbm>>
          %dma_wait3A_794 = tpu.memref_squeeze %dma_wait3A_793 : memref<1x8x1024xf32, #tpu.memory_space<hbm>> -> memref<8x1024xf32, #tpu.memory_space<hbm>>
          %dma_wait3A_795 = tpu.memref_slice %arg8[%dma_wait3A_786] : memref<8x!tpu.dma_semaphore, #tpu.memory_space<semaphore_mem>> -> memref<1x!tpu.dma_semaphore, #tpu.memory_space<semaphore_mem>>
          %dma_wait3A_796 = tpu.memref_squeeze %dma_wait3A_795 : memref<1x!tpu.dma_semaphore, #tpu.memory_space<semaphore_mem>> -> memref<!tpu.dma_semaphore, #tpu.memory_space<semaphore_mem>>
          %dma_wait3A_797 = arith.constant 0 : i32
          %dma_wait3A_798 = arith.constant 0 : i32
          %dma_wait3A_799 = tpu.memref_slice %arg4[%dma_wait3A_785, %dma_wait3A_797, %dma_wait3A_798] : memref<4x8192x1024xf32, #tpu.memory_space<hbm>> -> memref<1x8x1024xf32, #tpu.memory_space<hbm>>
          %dma_wait3A_800 = tpu.memref_squeeze %dma_wait3A_799 : memref<1x8x1024xf32, #tpu.memory_space<hbm>> -> memref<8x1024xf32, #tpu.memory_space<hbm>>
          %dma_wait3A_801 = arith.constant 0 : i32
          %dma_wait3A_802 = arith.constant 0 : i32
          %dma_wait3A_803 = tpu.memref_slice %arg5[%dma_wait3A_784, %dma_wait3A_801, %dma_wait3A_802] : memref<8x8x1024xf32, #tpu.memory_space<vmem>> -> memref<1x8x1024xf32, #tpu.memory_space<vmem>>
          %dma_wait3A_804 = tpu.memref_squeeze %dma_wait3A_803 : memref<1x8x1024xf32, #tpu.memory_space<vmem>> -> memref<8x1024xf32, #tpu.memory_space<vmem>>
          tpu.wait_dma2 semaphore(%dma_wait3A_796 : memref<!tpu.dma_semaphore, #tpu.memory_space<semaphore_mem>>) src(%dma_wait3A_804 : memref<8x1024xf32, #tpu.memory_space<vmem>>) dst(%dma_wait3A_800 : memref<8x1024xf32, #tpu.memory_space<hbm>>)
        } else {
        }
        %add3A_760 = arith.constant 1 : i32
        %add3A_761 = arith.addi %add3A_301, %add3A_760 : i32
        %mul3A_762 = arith.constant 8 : i32
        %mul3A_763 = arith.muli %add3A_761, %mul3A_762 : i32
        %add3A_764 = arith.addi %mul3A_2, %mul3A_763 : i32
        %dma_start3A_765 = arith.constant 1 : i32
        %dma_start3A_766 = arith.constant 5 : i32
        %dma_start3A_767 = arith.constant 5 : i32
        %dma_start3A_768 = arith.constant 0 : i32
        %dma_start3A_769 = arith.constant 0 : i32
        %dma_start3A_770 = tpu.memref_slice %arg5[%dma_start3A_766, %dma_start3A_768, %dma_start3A_769] : memref<8x8x1024xf32, #tpu.memory_space<vmem>> -> memref<1x8x1024xf32, #tpu.memory_space<vmem>>
        %dma_start3A_771 = tpu.memref_squeeze %dma_start3A_770 : memref<1x8x1024xf32, #tpu.memory_space<vmem>> -> memref<8x1024xf32, #tpu.memory_space<vmem>>
        %dma_start3A_772 = arith.constant 0 : i32
        %dma_start3A_773 = tpu.memref_slice %arg2[%dma_start3A_765, %add3A_764, %dma_start3A_772] : memref<4x8192x1024xf32, #tpu.memory_space<hbm>> -> memref<1x8x1024xf32, #tpu.memory_space<hbm>>
        %dma_start3A_774 = tpu.memref_squeeze %dma_start3A_773 : memref<1x8x1024xf32, #tpu.memory_space<hbm>> -> memref<8x1024xf32, #tpu.memory_space<hbm>>
        %dma_start3A_775 = tpu.memref_slice %arg7[%dma_start3A_767] : memref<8x!tpu.dma_semaphore, #tpu.memory_space<semaphore_mem>> -> memref<1x!tpu.dma_semaphore, #tpu.memory_space<semaphore_mem>>
        %dma_start3A_776 = tpu.memref_squeeze %dma_start3A_775 : memref<1x!tpu.dma_semaphore, #tpu.memory_space<semaphore_mem>> -> memref<!tpu.dma_semaphore, #tpu.memory_space<semaphore_mem>>
        %dma_start3A_777 = arith.constant 0 : i32
        %dma_start3A_778 = arith.constant 0 : i32
        %dma_start3A_779 = tpu.memref_slice %arg5[%dma_start3A_766, %dma_start3A_777, %dma_start3A_778] : memref<8x8x1024xf32, #tpu.memory_space<vmem>> -> memref<1x8x1024xf32, #tpu.memory_space<vmem>>
        %dma_start3A_780 = tpu.memref_squeeze %dma_start3A_779 : memref<1x8x1024xf32, #tpu.memory_space<vmem>> -> memref<8x1024xf32, #tpu.memory_space<vmem>>
        %dma_start3A_781 = arith.constant 0 : i32
        %dma_start3A_782 = tpu.memref_slice %arg2[%dma_start3A_765, %add3A_764, %dma_start3A_781] : memref<4x8192x1024xf32, #tpu.memory_space<hbm>> -> memref<1x8x1024xf32, #tpu.memory_space<hbm>>
        %dma_start3A_783 = tpu.memref_squeeze %dma_start3A_782 : memref<1x8x1024xf32, #tpu.memory_space<hbm>> -> memref<8x1024xf32, #tpu.memory_space<hbm>>
        tpu.enqueue_dma source(%dma_start3A_783 : memref<8x1024xf32, #tpu.memory_space<hbm>>) target(%dma_start3A_780 : memref<8x1024xf32, #tpu.memory_space<vmem>>) target_semaphore(%dma_start3A_776 : memref<!tpu.dma_semaphore, #tpu.memory_space<semaphore_mem>>)
      } else {
      }
      %dma_wait3A_372 = arith.constant 0 : i32
      %dma_wait3A_373 = arith.constant 1 : i32
      %dma_wait3A_374 = arith.constant 1 : i32
      %dma_wait3A_375 = arith.constant 0 : i32
      %dma_wait3A_376 = arith.constant 0 : i32
      %dma_wait3A_377 = tpu.memref_slice %arg5[%dma_wait3A_373, %dma_wait3A_375, %dma_wait3A_376] : memref<8x8x1024xf32, #tpu.memory_space<vmem>> -> memref<1x8x1024xf32, #tpu.memory_space<vmem>>
      %dma_wait3A_378 = tpu.memref_squeeze %dma_wait3A_377 : memref<1x8x1024xf32, #tpu.memory_space<vmem>> -> memref<8x1024xf32, #tpu.memory_space<vmem>>
      %dma_wait3A_379 = arith.constant 0 : i32
      %dma_wait3A_380 = arith.constant 0 : i32
      %dma_wait3A_381 = tpu.memref_slice %arg2[%dma_wait3A_372, %dma_wait3A_379, %dma_wait3A_380] : memref<4x8192x1024xf32, #tpu.memory_space<hbm>> -> memref<1x8x1024xf32, #tpu.memory_space<hbm>>
      %dma_wait3A_382 = tpu.memref_squeeze %dma_wait3A_381 : memref<1x8x1024xf32, #tpu.memory_space<hbm>> -> memref<8x1024xf32, #tpu.memory_space<hbm>>
      %dma_wait3A_383 = tpu.memref_slice %arg7[%dma_wait3A_374] : memref<8x!tpu.dma_semaphore, #tpu.memory_space<semaphore_mem>> -> memref<1x!tpu.dma_semaphore, #tpu.memory_space<semaphore_mem>>
      %dma_wait3A_384 = tpu.memref_squeeze %dma_wait3A_383 : memref<1x!tpu.dma_semaphore, #tpu.memory_space<semaphore_mem>> -> memref<!tpu.dma_semaphore, #tpu.memory_space<semaphore_mem>>
      %dma_wait3A_385 = arith.constant 0 : i32
      %dma_wait3A_386 = arith.constant 0 : i32
      %dma_wait3A_387 = tpu.memref_slice %arg5[%dma_wait3A_373, %dma_wait3A_385, %dma_wait3A_386] : memref<8x8x1024xf32, #tpu.memory_space<vmem>> -> memref<1x8x1024xf32, #tpu.memory_space<vmem>>
      %dma_wait3A_388 = tpu.memref_squeeze %dma_wait3A_387 : memref<1x8x1024xf32, #tpu.memory_space<vmem>> -> memref<8x1024xf32, #tpu.memory_space<vmem>>
      %dma_wait3A_389 = arith.constant 0 : i32
      %dma_wait3A_390 = arith.constant 0 : i32
      %dma_wait3A_391 = tpu.memref_slice %arg2[%dma_wait3A_372, %dma_wait3A_389, %dma_wait3A_390] : memref<4x8192x1024xf32, #tpu.memory_space<hbm>> -> memref<1x8x1024xf32, #tpu.memory_space<hbm>>
      %dma_wait3A_392 = tpu.memref_squeeze %dma_wait3A_391 : memref<1x8x1024xf32, #tpu.memory_space<hbm>> -> memref<8x1024xf32, #tpu.memory_space<hbm>>
      tpu.wait_dma2 semaphore(%dma_wait3A_384 : memref<!tpu.dma_semaphore, #tpu.memory_space<semaphore_mem>>) src(%dma_wait3A_392 : memref<8x1024xf32, #tpu.memory_space<hbm>>) dst(%dma_wait3A_388 : memref<8x1024xf32, #tpu.memory_space<vmem>>)
      %parallel_loop3A_393 = arith.constant 0 : i32
      %parallel_loop3A_394 = arith.constant 512 : i32
      %parallel_loop3A_395 = arith.constant 1 : i32
      scf.for %parallel_loop3A_756 = %parallel_loop3A_393 to %parallel_loop3A_394 step %parallel_loop3A_395  : i32 {
        %parallel_loop3A_757 = arith.constant 64 : i32
        %parallel_loop3A_758 = arith.divsi %parallel_loop3A_756, %parallel_loop3A_757 : i32
        %parallel_loop3A_759 = arith.constant 0 : i32
        %parallel_loop3A_760 = arith.cmpi sgt, %parallel_loop3A_756, %parallel_loop3A_759 : i32
        %parallel_loop3A_761 = arith.extui %parallel_loop3A_760 : i1 to i32
        %parallel_loop3A_762 = arith.constant 0 : i32
        %parallel_loop3A_763 = arith.cmpi slt, %parallel_loop3A_756, %parallel_loop3A_762 : i32
        %parallel_loop3A_764 = arith.extui %parallel_loop3A_763 : i1 to i32
        %parallel_loop3A_765 = arith.subi %parallel_loop3A_761, %parallel_loop3A_764 : i32
        %parallel_loop3A_766 = arith.constant 0 : i32
        %parallel_loop3A_767 = arith.cmpi sgt, %parallel_loop3A_757, %parallel_loop3A_766 : i32
        %parallel_loop3A_768 = arith.extui %parallel_loop3A_767 : i1 to i32
        %parallel_loop3A_769 = arith.constant 0 : i32
        %parallel_loop3A_770 = arith.cmpi slt, %parallel_loop3A_757, %parallel_loop3A_769 : i32
        %parallel_loop3A_771 = arith.extui %parallel_loop3A_770 : i1 to i32
        %parallel_loop3A_772 = arith.subi %parallel_loop3A_768, %parallel_loop3A_771 : i32
        %parallel_loop3A_773 = arith.cmpi ne, %parallel_loop3A_765, %parallel_loop3A_772 : i32
        %parallel_loop3A_774 = arith.remsi %parallel_loop3A_756, %parallel_loop3A_757 : i32
        %parallel_loop3A_775 = arith.constant 0 : i32
        %parallel_loop3A_776 = arith.cmpi ne, %parallel_loop3A_774, %parallel_loop3A_775 : i32
        %parallel_loop3A_777 = arith.andi %parallel_loop3A_773, %parallel_loop3A_776 : i1
        %parallel_loop3A_778 = arith.constant 1 : i32
        %parallel_loop3A_779 = arith.subi %parallel_loop3A_758, %parallel_loop3A_778 : i32
        %parallel_loop3A_780 = arith.select %parallel_loop3A_777, %parallel_loop3A_779, %parallel_loop3A_758 : i32
        %parallel_loop3A_781 = arith.constant 64 : i32
        %parallel_loop3A_782 = arith.constant 0 : i32
        %parallel_loop3A_783 = arith.cmpi eq, %parallel_loop3A_781, %parallel_loop3A_782 : i32
        %parallel_loop3A_784 = arith.constant 1 : i32
        %parallel_loop3A_785 = arith.select %parallel_loop3A_783, %parallel_loop3A_784, %parallel_loop3A_781 : i32
        %parallel_loop3A_786 = arith.remsi %parallel_loop3A_756, %parallel_loop3A_785 : i32
        %parallel_loop3A_787 = arith.constant 0 : i32
        %parallel_loop3A_788 = arith.cmpi ne, %parallel_loop3A_786, %parallel_loop3A_787 : i32
        %parallel_loop3A_789 = arith.constant 0 : i32
        %parallel_loop3A_790 = arith.cmpi slt, %parallel_loop3A_786, %parallel_loop3A_789 : i32
        %parallel_loop3A_791 = arith.constant 0 : i32
        %parallel_loop3A_792 = arith.cmpi slt, %parallel_loop3A_785, %parallel_loop3A_791 : i32
        %parallel_loop3A_793 = arith.xori %parallel_loop3A_790, %parallel_loop3A_792 : i1
        %parallel_loop3A_794 = arith.andi %parallel_loop3A_793, %parallel_loop3A_788 : i1
        %parallel_loop3A_795 = arith.addi %parallel_loop3A_786, %parallel_loop3A_785 : i32
        %parallel_loop3A_796 = arith.select %parallel_loop3A_794, %parallel_loop3A_795, %parallel_loop3A_786 : i32
        %parallel_loop3A_797 = arith.constant 16 : i32
        %parallel_loop3A_798 = arith.muli %parallel_loop3A_796, %parallel_loop3A_797 : i32
        %parallel_loop3A_799 = arith.constant 0 : i32
        %parallel_loop3A_800 = arith.index_cast %parallel_loop3A_799 : i32 to index
        %parallel_loop3A_801 = arith.index_cast %parallel_loop3A_780 : i32 to index
        %parallel_loop3A_802 = arith.index_cast %parallel_loop3A_798 : i32 to index
        %parallel_loop3A_803 = tpu.vector_load %arg6[%parallel_loop3A_800, %parallel_loop3A_801, %parallel_loop3A_802] {strides = array<i32>} : memref<2x8x1024xf32, #tpu.memory_space<vmem>>, vector<1x1x16xf32>,
        %parallel_loop3A_804 = vector.shape_cast %parallel_loop3A_803 : vector<1x1x16xf32> to vector<16xf32>
        %parallel_loop3A_805 = arith.constant 1 : i32
        %parallel_loop3A_806 = arith.constant 0 : i32
        %parallel_loop3A_807 = arith.constant 0 : i32
        %parallel_loop3A_808 = tpu.memref_slice %arg5[%parallel_loop3A_805, %parallel_loop3A_806, %parallel_loop3A_807] : memref<8x8x1024xf32, #tpu.memory_space<vmem>> -> memref<1x8x1024xf32, #tpu.memory_space<vmem>>
        %parallel_loop3A_809 = tpu.memref_squeeze %parallel_loop3A_808 : memref<1x8x1024xf32, #tpu.memory_space<vmem>> -> memref<8x1024xf32, #tpu.memory_space<vmem>>
        %parallel_loop3A_810 = arith.constant 0 : i32
        %parallel_loop3A_811 = tpu.memref_slice %parallel_loop3A_809[%parallel_loop3A_780, %parallel_loop3A_810] : memref<8x1024xf32, #tpu.memory_space<vmem>> -> memref<1x1024xf32, #tpu.memory_space<vmem>>
        %parallel_loop3A_812 = tpu.memref_squeeze %parallel_loop3A_811 : memref<1x1024xf32, #tpu.memory_space<vmem>> -> memref<1024xf32, #tpu.memory_space<vmem>>
        %parallel_loop3A_813 = arith.index_cast %parallel_loop3A_798 : i32 to index
        %parallel_loop3A_814 = tpu.vector_load %parallel_loop3A_812[%parallel_loop3A_813] {strides = array<i32>} : memref<1024xf32, #tpu.memory_space<vmem>>, vector<16xf32>,
        %parallel_loop3A_815 = vector.shape_cast %parallel_loop3A_814 : vector<16xf32> to vector<16xf32>
        %parallel_loop3A_816 = vector.shape_cast %parallel_loop3A_804 : vector<16xf32> to vector<16xf32>
        tpu.vector_store %parallel_loop3A_812[%parallel_loop3A_813], %parallel_loop3A_816 {add = true, strides = array<i32>} : memref<1024xf32, #tpu.memory_space<vmem>>, vector<16xf32>,
      } {sc.loop_unroll_factor = 16 : i64, sc.parallel_access}
      %mul3A_396 = arith.constant 8 : i32
      %mul3A_397 = arith.muli %add3A_301, %mul3A_396 : i32
      %add3A_398 = arith.addi %mul3A_2, %mul3A_397 : i32
      %dma_start3A_399 = arith.constant 1 : i32
      %dma_start3A_400 = arith.constant 1 : i32
      %dma_start3A_401 = arith.constant 1 : i32
      %dma_start3A_402 = arith.constant 0 : i32
      %dma_start3A_403 = arith.constant 0 : i32
      %dma_start3A_404 = tpu.memref_slice %arg5[%dma_start3A_399, %dma_start3A_402, %dma_start3A_403] : memref<8x8x1024xf32, #tpu.memory_space<vmem>> -> memref<1x8x1024xf32, #tpu.memory_space<vmem>>
      %dma_start3A_405 = tpu.memref_squeeze %dma_start3A_404 : memref<1x8x1024xf32, #tpu.memory_space<vmem>> -> memref<8x1024xf32, #tpu.memory_space<vmem>>
      %dma_start3A_406 = arith.constant 0 : i32
      %dma_start3A_407 = tpu.memref_slice %arg4[%dma_start3A_400, %add3A_398, %dma_start3A_406] : memref<4x8192x1024xf32, #tpu.memory_space<hbm>> -> memref<1x8x1024xf32, #tpu.memory_space<hbm>>
      %dma_start3A_408 = tpu.memref_squeeze %dma_start3A_407 : memref<1x8x1024xf32, #tpu.memory_space<hbm>> -> memref<8x1024xf32, #tpu.memory_space<hbm>>
      %dma_start3A_409 = tpu.memref_slice %arg8[%dma_start3A_401] : memref<8x!tpu.dma_semaphore, #tpu.memory_space<semaphore_mem>> -> memref<1x!tpu.dma_semaphore, #tpu.memory_space<semaphore_mem>>
      %dma_start3A_410 = tpu.memref_squeeze %dma_start3A_409 : memref<1x!tpu.dma_semaphore, #tpu.memory_space<semaphore_mem>> -> memref<!tpu.dma_semaphore, #tpu.memory_space<semaphore_mem>>
      %dma_start3A_411 = arith.constant 0 : i32
      %dma_start3A_412 = tpu.memref_slice %arg4[%dma_start3A_400, %add3A_398, %dma_start3A_411] : memref<4x8192x1024xf32, #tpu.memory_space<hbm>> -> memref<1x8x1024xf32, #tpu.memory_space<hbm>>
      %dma_start3A_413 = tpu.memref_squeeze %dma_start3A_412 : memref<1x8x1024xf32, #tpu.memory_space<hbm>> -> memref<8x1024xf32, #tpu.memory_space<hbm>>
      %dma_start3A_414 = arith.constant 0 : i32
      %dma_start3A_415 = arith.constant 0 : i32
      %dma_start3A_416 = tpu.memref_slice %arg5[%dma_start3A_399, %dma_start3A_414, %dma_start3A_415] : memref<8x8x1024xf32, #tpu.memory_space<vmem>> -> memref<1x8x1024xf32, #tpu.memory_space<vmem>>
      %dma_start3A_417 = tpu.memref_squeeze %dma_start3A_416 : memref<1x8x1024xf32, #tpu.memory_space<vmem>> -> memref<8x1024xf32, #tpu.memory_space<vmem>>
      tpu.enqueue_dma source(%dma_start3A_417 : memref<8x1024xf32, #tpu.memory_space<vmem>>) target(%dma_start3A_413 : memref<8x1024xf32, #tpu.memory_space<hbm>>) target_semaphore(%dma_start3A_410 : memref<!tpu.dma_semaphore, #tpu.memory_space<semaphore_mem>>)
      %lt3A_418 = arith.constant 31 : i32
      %lt3A_419 = arith.cmpi slt, %add3A_301, %lt3A_418 : i32
      %convert_element_type3A_420 = arith.extui %lt3A_419 : i1 to i32
      %cond3A_421 = arith.constant 0 : i32
      %cond3A_422 = arith.cmpi ne, %convert_element_type3A_420, %cond3A_421 : i32
      scf.if %cond3A_422 {
        %ge3A = arith.constant 1 : i32
        %ge3A_756 = arith.cmpi sge, %add3A_301, %ge3A : i32
        %convert_element_type3A_757 = arith.extui %ge3A_756 : i1 to i32
        %cond3A_758 = arith.constant 0 : i32
        %cond3A_759 = arith.cmpi ne, %convert_element_type3A_757, %cond3A_758 : i32
        scf.if %cond3A_759 {
          %dma_wait3A_784 = arith.constant 6 : i32
          %dma_wait3A_785 = arith.constant 0 : i32
          %dma_wait3A_786 = arith.constant 6 : i32
          %dma_wait3A_787 = arith.constant 0 : i32
          %dma_wait3A_788 = arith.constant 0 : i32
          %dma_wait3A_789 = tpu.memref_slice %arg5[%dma_wait3A_784, %dma_wait3A_787, %dma_wait3A_788] : memref<8x8x1024xf32, #tpu.memory_space<vmem>> -> memref<1x8x1024xf32, #tpu.memory_space<vmem>>
          %dma_wait3A_790 = tpu.memref_squeeze %dma_wait3A_789 : memref<1x8x1024xf32, #tpu.memory_space<vmem>> -> memref<8x1024xf32, #tpu.memory_space<vmem>>
          %dma_wait3A_791 = arith.constant 0 : i32
          %dma_wait3A_792 = arith.constant 0 : i32
          %dma_wait3A_793 = tpu.memref_slice %arg4[%dma_wait3A_785, %dma_wait3A_791, %dma_wait3A_792] : memref<4x8192x1024xf32, #tpu.memory_space<hbm>> -> memref<1x8x1024xf32, #tpu.memory_space<hbm>>
          %dma_wait3A_794 = tpu.memref_squeeze %dma_wait3A_793 : memref<1x8x1024xf32, #tpu.memory_space<hbm>> -> memref<8x1024xf32, #tpu.memory_space<hbm>>
          %dma_wait3A_795 = tpu.memref_slice %arg8[%dma_wait3A_786] : memref<8x!tpu.dma_semaphore, #tpu.memory_space<semaphore_mem>> -> memref<1x!tpu.dma_semaphore, #tpu.memory_space<semaphore_mem>>
          %dma_wait3A_796 = tpu.memref_squeeze %dma_wait3A_795 : memref<1x!tpu.dma_semaphore, #tpu.memory_space<semaphore_mem>> -> memref<!tpu.dma_semaphore, #tpu.memory_space<semaphore_mem>>
          %dma_wait3A_797 = arith.constant 0 : i32
          %dma_wait3A_798 = arith.constant 0 : i32
          %dma_wait3A_799 = tpu.memref_slice %arg4[%dma_wait3A_785, %dma_wait3A_797, %dma_wait3A_798] : memref<4x8192x1024xf32, #tpu.memory_space<hbm>> -> memref<1x8x1024xf32, #tpu.memory_space<hbm>>
          %dma_wait3A_800 = tpu.memref_squeeze %dma_wait3A_799 : memref<1x8x1024xf32, #tpu.memory_space<hbm>> -> memref<8x1024xf32, #tpu.memory_space<hbm>>
          %dma_wait3A_801 = arith.constant 0 : i32
          %dma_wait3A_802 = arith.constant 0 : i32
          %dma_wait3A_803 = tpu.memref_slice %arg5[%dma_wait3A_784, %dma_wait3A_801, %dma_wait3A_802] : memref<8x8x1024xf32, #tpu.memory_space<vmem>> -> memref<1x8x1024xf32, #tpu.memory_space<vmem>>
          %dma_wait3A_804 = tpu.memref_squeeze %dma_wait3A_803 : memref<1x8x1024xf32, #tpu.memory_space<vmem>> -> memref<8x1024xf32, #tpu.memory_space<vmem>>
          tpu.wait_dma2 semaphore(%dma_wait3A_796 : memref<!tpu.dma_semaphore, #tpu.memory_space<semaphore_mem>>) src(%dma_wait3A_804 : memref<8x1024xf32, #tpu.memory_space<vmem>>) dst(%dma_wait3A_800 : memref<8x1024xf32, #tpu.memory_space<hbm>>)
        } else {
        }
        %add3A_760 = arith.constant 1 : i32
        %add3A_761 = arith.addi %add3A_301, %add3A_760 : i32
        %mul3A_762 = arith.constant 8 : i32
        %mul3A_763 = arith.muli %add3A_761, %mul3A_762 : i32
        %add3A_764 = arith.addi %mul3A_2, %mul3A_763 : i32
        %dma_start3A_765 = arith.constant 2 : i32
        %dma_start3A_766 = arith.constant 6 : i32
        %dma_start3A_767 = arith.constant 6 : i32
        %dma_start3A_768 = arith.constant 0 : i32
        %dma_start3A_769 = arith.constant 0 : i32
        %dma_start3A_770 = tpu.memref_slice %arg5[%dma_start3A_766, %dma_start3A_768, %dma_start3A_769] : memref<8x8x1024xf32, #tpu.memory_space<vmem>> -> memref<1x8x1024xf32, #tpu.memory_space<vmem>>
        %dma_start3A_771 = tpu.memref_squeeze %dma_start3A_770 : memref<1x8x1024xf32, #tpu.memory_space<vmem>> -> memref<8x1024xf32, #tpu.memory_space<vmem>>
        %dma_start3A_772 = arith.constant 0 : i32
        %dma_start3A_773 = tpu.memref_slice %arg2[%dma_start3A_765, %add3A_764, %dma_start3A_772] : memref<4x8192x1024xf32, #tpu.memory_space<hbm>> -> memref<1x8x1024xf32, #tpu.memory_space<hbm>>
        %dma_start3A_774 = tpu.memref_squeeze %dma_start3A_773 : memref<1x8x1024xf32, #tpu.memory_space<hbm>> -> memref<8x1024xf32, #tpu.memory_space<hbm>>
        %dma_start3A_775 = tpu.memref_slice %arg7[%dma_start3A_767] : memref<8x!tpu.dma_semaphore, #tpu.memory_space<semaphore_mem>> -> memref<1x!tpu.dma_semaphore, #tpu.memory_space<semaphore_mem>>
        %dma_start3A_776 = tpu.memref_squeeze %dma_start3A_775 : memref<1x!tpu.dma_semaphore, #tpu.memory_space<semaphore_mem>> -> memref<!tpu.dma_semaphore, #tpu.memory_space<semaphore_mem>>
        %dma_start3A_777 = arith.constant 0 : i32
        %dma_start3A_778 = arith.constant 0 : i32
        %dma_start3A_779 = tpu.memref_slice %arg5[%dma_start3A_766, %dma_start3A_777, %dma_start3A_778] : memref<8x8x1024xf32, #tpu.memory_space<vmem>> -> memref<1x8x1024xf32, #tpu.memory_space<vmem>>
        %dma_start3A_780 = tpu.memref_squeeze %dma_start3A_779 : memref<1x8x1024xf32, #tpu.memory_space<vmem>> -> memref<8x1024xf32, #tpu.memory_space<vmem>>
        %dma_start3A_781 = arith.constant 0 : i32
        %dma_start3A_782 = tpu.memref_slice %arg2[%dma_start3A_765, %add3A_764, %dma_start3A_781] : memref<4x8192x1024xf32, #tpu.memory_space<hbm>> -> memref<1x8x1024xf32, #tpu.memory_space<hbm>>
        %dma_start3A_783 = tpu.memref_squeeze %dma_start3A_782 : memref<1x8x1024xf32, #tpu.memory_space<hbm>> -> memref<8x1024xf32, #tpu.memory_space<hbm>>
        tpu.enqueue_dma source(%dma_start3A_783 : memref<8x1024xf32, #tpu.memory_space<hbm>>) target(%dma_start3A_780 : memref<8x1024xf32, #tpu.memory_space<vmem>>) target_semaphore(%dma_start3A_776 : memref<!tpu.dma_semaphore, #tpu.memory_space<semaphore_mem>>)
      } else {
      }
      %dma_wait3A_423 = arith.constant 0 : i32
      %dma_wait3A_424 = arith.constant 2 : i32
      %dma_wait3A_425 = arith.constant 2 : i32
      %dma_wait3A_426 = arith.constant 0 : i32
      %dma_wait3A_427 = arith.constant 0 : i32
      %dma_wait3A_428 = tpu.memref_slice %arg5[%dma_wait3A_424, %dma_wait3A_426, %dma_wait3A_427] : memref<8x8x1024xf32, #tpu.memory_space<vmem>> -> memref<1x8x1024xf32, #tpu.memory_space<vmem>>
      %dma_wait3A_429 = tpu.memref_squeeze %dma_wait3A_428 : memref<1x8x1024xf32, #tpu.memory_space<vmem>> -> memref<8x1024xf32, #tpu.memory_space<vmem>>
      %dma_wait3A_430 = arith.constant 0 : i32
      %dma_wait3A_431 = arith.constant 0 : i32
      %dma_wait3A_432 = tpu.memref_slice %arg2[%dma_wait3A_423, %dma_wait3A_430, %dma_wait3A_431] : memref<4x8192x1024xf32, #tpu.memory_space<hbm>> -> memref<1x8x1024xf32, #tpu.memory_space<hbm>>
      %dma_wait3A_433 = tpu.memref_squeeze %dma_wait3A_432 : memref<1x8x1024xf32, #tpu.memory_space<hbm>> -> memref<8x1024xf32, #tpu.memory_space<hbm>>
      %dma_wait3A_434 = tpu.memref_slice %arg7[%dma_wait3A_425] : memref<8x!tpu.dma_semaphore, #tpu.memory_space<semaphore_mem>> -> memref<1x!tpu.dma_semaphore, #tpu.memory_space<semaphore_mem>>
      %dma_wait3A_435 = tpu.memref_squeeze %dma_wait3A_434 : memref<1x!tpu.dma_semaphore, #tpu.memory_space<semaphore_mem>> -> memref<!tpu.dma_semaphore, #tpu.memory_space<semaphore_mem>>
      %dma_wait3A_436 = arith.constant 0 : i32
      %dma_wait3A_437 = arith.constant 0 : i32
      %dma_wait3A_438 = tpu.memref_slice %arg5[%dma_wait3A_424, %dma_wait3A_436, %dma_wait3A_437] : memref<8x8x1024xf32, #tpu.memory_space<vmem>> -> memref<1x8x1024xf32, #tpu.memory_space<vmem>>
      %dma_wait3A_439 = tpu.memref_squeeze %dma_wait3A_438 : memref<1x8x1024xf32, #tpu.memory_space<vmem>> -> memref<8x1024xf32, #tpu.memory_space<vmem>>
      %dma_wait3A_440 = arith.constant 0 : i32
      %dma_wait3A_441 = arith.constant 0 : i32
      %dma_wait3A_442 = tpu.memref_slice %arg2[%dma_wait3A_423, %dma_wait3A_440, %dma_wait3A_441] : memref<4x8192x1024xf32, #tpu.memory_space<hbm>> -> memref<1x8x1024xf32, #tpu.memory_space<hbm>>
      %dma_wait3A_443 = tpu.memref_squeeze %dma_wait3A_442 : memref<1x8x1024xf32, #tpu.memory_space<hbm>> -> memref<8x1024xf32, #tpu.memory_space<hbm>>
      tpu.wait_dma2 semaphore(%dma_wait3A_435 : memref<!tpu.dma_semaphore, #tpu.memory_space<semaphore_mem>>) src(%dma_wait3A_443 : memref<8x1024xf32, #tpu.memory_space<hbm>>) dst(%dma_wait3A_439 : memref<8x1024xf32, #tpu.memory_space<vmem>>)
      %parallel_loop3A_444 = arith.constant 0 : i32
      %parallel_loop3A_445 = arith.constant 512 : i32
      %parallel_loop3A_446 = arith.constant 1 : i32
      scf.for %parallel_loop3A_756 = %parallel_loop3A_444 to %parallel_loop3A_445 step %parallel_loop3A_446  : i32 {
        %parallel_loop3A_757 = arith.constant 64 : i32
        %parallel_loop3A_758 = arith.divsi %parallel_loop3A_756, %parallel_loop3A_757 : i32
        %parallel_loop3A_759 = arith.constant 0 : i32
        %parallel_loop3A_760 = arith.cmpi sgt, %parallel_loop3A_756, %parallel_loop3A_759 : i32
        %parallel_loop3A_761 = arith.extui %parallel_loop3A_760 : i1 to i32
        %parallel_loop3A_762 = arith.constant 0 : i32
        %parallel_loop3A_763 = arith.cmpi slt, %parallel_loop3A_756, %parallel_loop3A_762 : i32
        %parallel_loop3A_764 = arith.extui %parallel_loop3A_763 : i1 to i32
        %parallel_loop3A_765 = arith.subi %parallel_loop3A_761, %parallel_loop3A_764 : i32
        %parallel_loop3A_766 = arith.constant 0 : i32
        %parallel_loop3A_767 = arith.cmpi sgt, %parallel_loop3A_757, %parallel_loop3A_766 : i32
        %parallel_loop3A_768 = arith.extui %parallel_loop3A_767 : i1 to i32
        %parallel_loop3A_769 = arith.constant 0 : i32
        %parallel_loop3A_770 = arith.cmpi slt, %parallel_loop3A_757, %parallel_loop3A_769 : i32
        %parallel_loop3A_771 = arith.extui %parallel_loop3A_770 : i1 to i32
        %parallel_loop3A_772 = arith.subi %parallel_loop3A_768, %parallel_loop3A_771 : i32
        %parallel_loop3A_773 = arith.cmpi ne, %parallel_loop3A_765, %parallel_loop3A_772 : i32
        %parallel_loop3A_774 = arith.remsi %parallel_loop3A_756, %parallel_loop3A_757 : i32
        %parallel_loop3A_775 = arith.constant 0 : i32
        %parallel_loop3A_776 = arith.cmpi ne, %parallel_loop3A_774, %parallel_loop3A_775 : i32
        %parallel_loop3A_777 = arith.andi %parallel_loop3A_773, %parallel_loop3A_776 : i1
        %parallel_loop3A_778 = arith.constant 1 : i32
        %parallel_loop3A_779 = arith.subi %parallel_loop3A_758, %parallel_loop3A_778 : i32
        %parallel_loop3A_780 = arith.select %parallel_loop3A_777, %parallel_loop3A_779, %parallel_loop3A_758 : i32
        %parallel_loop3A_781 = arith.constant 64 : i32
        %parallel_loop3A_782 = arith.constant 0 : i32
        %parallel_loop3A_783 = arith.cmpi eq, %parallel_loop3A_781, %parallel_loop3A_782 : i32
        %parallel_loop3A_784 = arith.constant 1 : i32
        %parallel_loop3A_785 = arith.select %parallel_loop3A_783, %parallel_loop3A_784, %parallel_loop3A_781 : i32
        %parallel_loop3A_786 = arith.remsi %parallel_loop3A_756, %parallel_loop3A_785 : i32
        %parallel_loop3A_787 = arith.constant 0 : i32
        %parallel_loop3A_788 = arith.cmpi ne, %parallel_loop3A_786, %parallel_loop3A_787 : i32
        %parallel_loop3A_789 = arith.constant 0 : i32
        %parallel_loop3A_790 = arith.cmpi slt, %parallel_loop3A_786, %parallel_loop3A_789 : i32
        %parallel_loop3A_791 = arith.constant 0 : i32
        %parallel_loop3A_792 = arith.cmpi slt, %parallel_loop3A_785, %parallel_loop3A_791 : i32
        %parallel_loop3A_793 = arith.xori %parallel_loop3A_790, %parallel_loop3A_792 : i1
        %parallel_loop3A_794 = arith.andi %parallel_loop3A_793, %parallel_loop3A_788 : i1
        %parallel_loop3A_795 = arith.addi %parallel_loop3A_786, %parallel_loop3A_785 : i32
        %parallel_loop3A_796 = arith.select %parallel_loop3A_794, %parallel_loop3A_795, %parallel_loop3A_786 : i32
        %parallel_loop3A_797 = arith.constant 16 : i32
        %parallel_loop3A_798 = arith.muli %parallel_loop3A_796, %parallel_loop3A_797 : i32
        %parallel_loop3A_799 = arith.constant 0 : i32
        %parallel_loop3A_800 = arith.index_cast %parallel_loop3A_799 : i32 to index
        %parallel_loop3A_801 = arith.index_cast %parallel_loop3A_780 : i32 to index
        %parallel_loop3A_802 = arith.index_cast %parallel_loop3A_798 : i32 to index
        %parallel_loop3A_803 = tpu.vector_load %arg6[%parallel_loop3A_800, %parallel_loop3A_801, %parallel_loop3A_802] {strides = array<i32>} : memref<2x8x1024xf32, #tpu.memory_space<vmem>>, vector<1x1x16xf32>,
        %parallel_loop3A_804 = vector.shape_cast %parallel_loop3A_803 : vector<1x1x16xf32> to vector<16xf32>
        %parallel_loop3A_805 = arith.constant 2 : i32
        %parallel_loop3A_806 = arith.constant 0 : i32
        %parallel_loop3A_807 = arith.constant 0 : i32
        %parallel_loop3A_808 = tpu.memref_slice %arg5[%parallel_loop3A_805, %parallel_loop3A_806, %parallel_loop3A_807] : memref<8x8x1024xf32, #tpu.memory_space<vmem>> -> memref<1x8x1024xf32, #tpu.memory_space<vmem>>
        %parallel_loop3A_809 = tpu.memref_squeeze %parallel_loop3A_808 : memref<1x8x1024xf32, #tpu.memory_space<vmem>> -> memref<8x1024xf32, #tpu.memory_space<vmem>>
        %parallel_loop3A_810 = arith.constant 0 : i32
        %parallel_loop3A_811 = tpu.memref_slice %parallel_loop3A_809[%parallel_loop3A_780, %parallel_loop3A_810] : memref<8x1024xf32, #tpu.memory_space<vmem>> -> memref<1x1024xf32, #tpu.memory_space<vmem>>
        %parallel_loop3A_812 = tpu.memref_squeeze %parallel_loop3A_811 : memref<1x1024xf32, #tpu.memory_space<vmem>> -> memref<1024xf32, #tpu.memory_space<vmem>>
        %parallel_loop3A_813 = arith.index_cast %parallel_loop3A_798 : i32 to index
        %parallel_loop3A_814 = tpu.vector_load %parallel_loop3A_812[%parallel_loop3A_813] {strides = array<i32>} : memref<1024xf32, #tpu.memory_space<vmem>>, vector<16xf32>,
        %parallel_loop3A_815 = vector.shape_cast %parallel_loop3A_814 : vector<16xf32> to vector<16xf32>
        %parallel_loop3A_816 = vector.shape_cast %parallel_loop3A_804 : vector<16xf32> to vector<16xf32>
        tpu.vector_store %parallel_loop3A_812[%parallel_loop3A_813], %parallel_loop3A_816 {add = true, strides = array<i32>} : memref<1024xf32, #tpu.memory_space<vmem>>, vector<16xf32>,
      } {sc.loop_unroll_factor = 16 : i64, sc.parallel_access}
      %mul3A_447 = arith.constant 8 : i32
      %mul3A_448 = arith.muli %add3A_301, %mul3A_447 : i32
      %add3A_449 = arith.addi %mul3A_2, %mul3A_448 : i32
      %dma_start3A_450 = arith.constant 2 : i32
      %dma_start3A_451 = arith.constant 2 : i32
      %dma_start3A_452 = arith.constant 2 : i32
      %dma_start3A_453 = arith.constant 0 : i32
      %dma_start3A_454 = arith.constant 0 : i32
      %dma_start3A_455 = tpu.memref_slice %arg5[%dma_start3A_450, %dma_start3A_453, %dma_start3A_454] : memref<8x8x1024xf32, #tpu.memory_space<vmem>> -> memref<1x8x1024xf32, #tpu.memory_space<vmem>>
      %dma_start3A_456 = tpu.memref_squeeze %dma_start3A_455 : memref<1x8x1024xf32, #tpu.memory_space<vmem>> -> memref<8x1024xf32, #tpu.memory_space<vmem>>
      %dma_start3A_457 = arith.constant 0 : i32
      %dma_start3A_458 = tpu.memref_slice %arg4[%dma_start3A_451, %add3A_449, %dma_start3A_457] : memref<4x8192x1024xf32, #tpu.memory_space<hbm>> -> memref<1x8x1024xf32, #tpu.memory_space<hbm>>
      %dma_start3A_459 = tpu.memref_squeeze %dma_start3A_458 : memref<1x8x1024xf32, #tpu.memory_space<hbm>> -> memref<8x1024xf32, #tpu.memory_space<hbm>>
      %dma_start3A_460 = tpu.memref_slice %arg8[%dma_start3A_452] : memref<8x!tpu.dma_semaphore, #tpu.memory_space<semaphore_mem>> -> memref<1x!tpu.dma_semaphore, #tpu.memory_space<semaphore_mem>>
      %dma_start3A_461 = tpu.memref_squeeze %dma_start3A_460 : memref<1x!tpu.dma_semaphore, #tpu.memory_space<semaphore_mem>> -> memref<!tpu.dma_semaphore, #tpu.memory_space<semaphore_mem>>
      %dma_start3A_462 = arith.constant 0 : i32
      %dma_start3A_463 = tpu.memref_slice %arg4[%dma_start3A_451, %add3A_449, %dma_start3A_462] : memref<4x8192x1024xf32, #tpu.memory_space<hbm>> -> memref<1x8x1024xf32, #tpu.memory_space<hbm>>
      %dma_start3A_464 = tpu.memref_squeeze %dma_start3A_463 : memref<1x8x1024xf32, #tpu.memory_space<hbm>> -> memref<8x1024xf32, #tpu.memory_space<hbm>>
      %dma_start3A_465 = arith.constant 0 : i32
      %dma_start3A_466 = arith.constant 0 : i32
      %dma_start3A_467 = tpu.memref_slice %arg5[%dma_start3A_450, %dma_start3A_465, %dma_start3A_466] : memref<8x8x1024xf32, #tpu.memory_space<vmem>> -> memref<1x8x1024xf32, #tpu.memory_space<vmem>>
      %dma_start3A_468 = tpu.memref_squeeze %dma_start3A_467 : memref<1x8x1024xf32, #tpu.memory_space<vmem>> -> memref<8x1024xf32, #tpu.memory_space<vmem>>
      tpu.enqueue_dma source(%dma_start3A_468 : memref<8x1024xf32, #tpu.memory_space<vmem>>) target(%dma_start3A_464 : memref<8x1024xf32, #tpu.memory_space<hbm>>) target_semaphore(%dma_start3A_461 : memref<!tpu.dma_semaphore, #tpu.memory_space<semaphore_mem>>)
      %lt3A_469 = arith.constant 31 : i32
      %lt3A_470 = arith.cmpi slt, %add3A_301, %lt3A_469 : i32
      %convert_element_type3A_471 = arith.extui %lt3A_470 : i1 to i32
      %cond3A_472 = arith.constant 0 : i32
      %cond3A_473 = arith.cmpi ne, %convert_element_type3A_471, %cond3A_472 : i32
      scf.if %cond3A_473 {
        %ge3A = arith.constant 1 : i32
        %ge3A_756 = arith.cmpi sge, %add3A_301, %ge3A : i32
        %convert_element_type3A_757 = arith.extui %ge3A_756 : i1 to i32
        %cond3A_758 = arith.constant 0 : i32
        %cond3A_759 = arith.cmpi ne, %convert_element_type3A_757, %cond3A_758 : i32
        scf.if %cond3A_759 {
          %dma_wait3A_784 = arith.constant 7 : i32
          %dma_wait3A_785 = arith.constant 0 : i32
          %dma_wait3A_786 = arith.constant 7 : i32
          %dma_wait3A_787 = arith.constant 0 : i32
          %dma_wait3A_788 = arith.constant 0 : i32
          %dma_wait3A_789 = tpu.memref_slice %arg5[%dma_wait3A_784, %dma_wait3A_787, %dma_wait3A_788] : memref<8x8x1024xf32, #tpu.memory_space<vmem>> -> memref<1x8x1024xf32, #tpu.memory_space<vmem>>
          %dma_wait3A_790 = tpu.memref_squeeze %dma_wait3A_789 : memref<1x8x1024xf32, #tpu.memory_space<vmem>> -> memref<8x1024xf32, #tpu.memory_space<vmem>>
          %dma_wait3A_791 = arith.constant 0 : i32
          %dma_wait3A_792 = arith.constant 0 : i32
          %dma_wait3A_793 = tpu.memref_slice %arg4[%dma_wait3A_785, %dma_wait3A_791, %dma_wait3A_792] : memref<4x8192x1024xf32, #tpu.memory_space<hbm>> -> memref<1x8x1024xf32, #tpu.memory_space<hbm>>
          %dma_wait3A_794 = tpu.memref_squeeze %dma_wait3A_793 : memref<1x8x1024xf32, #tpu.memory_space<hbm>> -> memref<8x1024xf32, #tpu.memory_space<hbm>>
          %dma_wait3A_795 = tpu.memref_slice %arg8[%dma_wait3A_786] : memref<8x!tpu.dma_semaphore, #tpu.memory_space<semaphore_mem>> -> memref<1x!tpu.dma_semaphore, #tpu.memory_space<semaphore_mem>>
          %dma_wait3A_796 = tpu.memref_squeeze %dma_wait3A_795 : memref<1x!tpu.dma_semaphore, #tpu.memory_space<semaphore_mem>> -> memref<!tpu.dma_semaphore, #tpu.memory_space<semaphore_mem>>
          %dma_wait3A_797 = arith.constant 0 : i32
          %dma_wait3A_798 = arith.constant 0 : i32
          %dma_wait3A_799 = tpu.memref_slice %arg4[%dma_wait3A_785, %dma_wait3A_797, %dma_wait3A_798] : memref<4x8192x1024xf32, #tpu.memory_space<hbm>> -> memref<1x8x1024xf32, #tpu.memory_space<hbm>>
          %dma_wait3A_800 = tpu.memref_squeeze %dma_wait3A_799 : memref<1x8x1024xf32, #tpu.memory_space<hbm>> -> memref<8x1024xf32, #tpu.memory_space<hbm>>
          %dma_wait3A_801 = arith.constant 0 : i32
          %dma_wait3A_802 = arith.constant 0 : i32
          %dma_wait3A_803 = tpu.memref_slice %arg5[%dma_wait3A_784, %dma_wait3A_801, %dma_wait3A_802] : memref<8x8x1024xf32, #tpu.memory_space<vmem>> -> memref<1x8x1024xf32, #tpu.memory_space<vmem>>
          %dma_wait3A_804 = tpu.memref_squeeze %dma_wait3A_803 : memref<1x8x1024xf32, #tpu.memory_space<vmem>> -> memref<8x1024xf32, #tpu.memory_space<vmem>>
          tpu.wait_dma2 semaphore(%dma_wait3A_796 : memref<!tpu.dma_semaphore, #tpu.memory_space<semaphore_mem>>) src(%dma_wait3A_804 : memref<8x1024xf32, #tpu.memory_space<vmem>>) dst(%dma_wait3A_800 : memref<8x1024xf32, #tpu.memory_space<hbm>>)
        } else {
        }
        %add3A_760 = arith.constant 1 : i32
        %add3A_761 = arith.addi %add3A_301, %add3A_760 : i32
        %mul3A_762 = arith.constant 8 : i32
        %mul3A_763 = arith.muli %add3A_761, %mul3A_762 : i32
        %add3A_764 = arith.addi %mul3A_2, %mul3A_763 : i32
        %dma_start3A_765 = arith.constant 3 : i32
        %dma_start3A_766 = arith.constant 7 : i32
        %dma_start3A_767 = arith.constant 7 : i32
        %dma_start3A_768 = arith.constant 0 : i32
        %dma_start3A_769 = arith.constant 0 : i32
        %dma_start3A_770 = tpu.memref_slice %arg5[%dma_start3A_766, %dma_start3A_768, %dma_start3A_769] : memref<8x8x1024xf32, #tpu.memory_space<vmem>> -> memref<1x8x1024xf32, #tpu.memory_space<vmem>>
        %dma_start3A_771 = tpu.memref_squeeze %dma_start3A_770 : memref<1x8x1024xf32, #tpu.memory_space<vmem>> -> memref<8x1024xf32, #tpu.memory_space<vmem>>
        %dma_start3A_772 = arith.constant 0 : i32
        %dma_start3A_773 = tpu.memref_slice %arg2[%dma_start3A_765, %add3A_764, %dma_start3A_772] : memref<4x8192x1024xf32, #tpu.memory_space<hbm>> -> memref<1x8x1024xf32, #tpu.memory_space<hbm>>
        %dma_start3A_774 = tpu.memref_squeeze %dma_start3A_773 : memref<1x8x1024xf32, #tpu.memory_space<hbm>> -> memref<8x1024xf32, #tpu.memory_space<hbm>>
        %dma_start3A_775 = tpu.memref_slice %arg7[%dma_start3A_767] : memref<8x!tpu.dma_semaphore, #tpu.memory_space<semaphore_mem>> -> memref<1x!tpu.dma_semaphore, #tpu.memory_space<semaphore_mem>>
        %dma_start3A_776 = tpu.memref_squeeze %dma_start3A_775 : memref<1x!tpu.dma_semaphore, #tpu.memory_space<semaphore_mem>> -> memref<!tpu.dma_semaphore, #tpu.memory_space<semaphore_mem>>
        %dma_start3A_777 = arith.constant 0 : i32
        %dma_start3A_778 = arith.constant 0 : i32
        %dma_start3A_779 = tpu.memref_slice %arg5[%dma_start3A_766, %dma_start3A_777, %dma_start3A_778] : memref<8x8x1024xf32, #tpu.memory_space<vmem>> -> memref<1x8x1024xf32, #tpu.memory_space<vmem>>
        %dma_start3A_780 = tpu.memref_squeeze %dma_start3A_779 : memref<1x8x1024xf32, #tpu.memory_space<vmem>> -> memref<8x1024xf32, #tpu.memory_space<vmem>>
        %dma_start3A_781 = arith.constant 0 : i32
        %dma_start3A_782 = tpu.memref_slice %arg2[%dma_start3A_765, %add3A_764, %dma_start3A_781] : memref<4x8192x1024xf32, #tpu.memory_space<hbm>> -> memref<1x8x1024xf32, #tpu.memory_space<hbm>>
        %dma_start3A_783 = tpu.memref_squeeze %dma_start3A_782 : memref<1x8x1024xf32, #tpu.memory_space<hbm>> -> memref<8x1024xf32, #tpu.memory_space<hbm>>
        tpu.enqueue_dma source(%dma_start3A_783 : memref<8x1024xf32, #tpu.memory_space<hbm>>) target(%dma_start3A_780 : memref<8x1024xf32, #tpu.memory_space<vmem>>) target_semaphore(%dma_start3A_776 : memref<!tpu.dma_semaphore, #tpu.memory_space<semaphore_mem>>)
      } else {
      }
      %dma_wait3A_474 = arith.constant 0 : i32
      %dma_wait3A_475 = arith.constant 3 : i32
      %dma_wait3A_476 = arith.constant 3 : i32
      %dma_wait3A_477 = arith.constant 0 : i32
      %dma_wait3A_478 = arith.constant 0 : i32
      %dma_wait3A_479 = tpu.memref_slice %arg5[%dma_wait3A_475, %dma_wait3A_477, %dma_wait3A_478] : memref<8x8x1024xf32, #tpu.memory_space<vmem>> -> memref<1x8x1024xf32, #tpu.memory_space<vmem>>
      %dma_wait3A_480 = tpu.memref_squeeze %dma_wait3A_479 : memref<1x8x1024xf32, #tpu.memory_space<vmem>> -> memref<8x1024xf32, #tpu.memory_space<vmem>>
      %dma_wait3A_481 = arith.constant 0 : i32
      %dma_wait3A_482 = arith.constant 0 : i32
      %dma_wait3A_483 = tpu.memref_slice %arg2[%dma_wait3A_474, %dma_wait3A_481, %dma_wait3A_482] : memref<4x8192x1024xf32, #tpu.memory_space<hbm>> -> memref<1x8x1024xf32, #tpu.memory_space<hbm>>
      %dma_wait3A_484 = tpu.memref_squeeze %dma_wait3A_483 : memref<1x8x1024xf32, #tpu.memory_space<hbm>> -> memref<8x1024xf32, #tpu.memory_space<hbm>>
      %dma_wait3A_485 = tpu.memref_slice %arg7[%dma_wait3A_476] : memref<8x!tpu.dma_semaphore, #tpu.memory_space<semaphore_mem>> -> memref<1x!tpu.dma_semaphore, #tpu.memory_space<semaphore_mem>>
      %dma_wait3A_486 = tpu.memref_squeeze %dma_wait3A_485 : memref<1x!tpu.dma_semaphore, #tpu.memory_space<semaphore_mem>> -> memref<!tpu.dma_semaphore, #tpu.memory_space<semaphore_mem>>
      %dma_wait3A_487 = arith.constant 0 : i32
      %dma_wait3A_488 = arith.constant 0 : i32
      %dma_wait3A_489 = tpu.memref_slice %arg5[%dma_wait3A_475, %dma_wait3A_487, %dma_wait3A_488] : memref<8x8x1024xf32, #tpu.memory_space<vmem>> -> memref<1x8x1024xf32, #tpu.memory_space<vmem>>
      %dma_wait3A_490 = tpu.memref_squeeze %dma_wait3A_489 : memref<1x8x1024xf32, #tpu.memory_space<vmem>> -> memref<8x1024xf32, #tpu.memory_space<vmem>>
      %dma_wait3A_491 = arith.constant 0 : i32
      %dma_wait3A_492 = arith.constant 0 : i32
      %dma_wait3A_493 = tpu.memref_slice %arg2[%dma_wait3A_474, %dma_wait3A_491, %dma_wait3A_492] : memref<4x8192x1024xf32, #tpu.memory_space<hbm>> -> memref<1x8x1024xf32, #tpu.memory_space<hbm>>
      %dma_wait3A_494 = tpu.memref_squeeze %dma_wait3A_493 : memref<1x8x1024xf32, #tpu.memory_space<hbm>> -> memref<8x1024xf32, #tpu.memory_space<hbm>>
      tpu.wait_dma2 semaphore(%dma_wait3A_486 : memref<!tpu.dma_semaphore, #tpu.memory_space<semaphore_mem>>) src(%dma_wait3A_494 : memref<8x1024xf32, #tpu.memory_space<hbm>>) dst(%dma_wait3A_490 : memref<8x1024xf32, #tpu.memory_space<vmem>>)
      %parallel_loop3A_495 = arith.constant 0 : i32
      %parallel_loop3A_496 = arith.constant 512 : i32
      %parallel_loop3A_497 = arith.constant 1 : i32
      scf.for %parallel_loop3A_756 = %parallel_loop3A_495 to %parallel_loop3A_496 step %parallel_loop3A_497  : i32 {
        %parallel_loop3A_757 = arith.constant 64 : i32
        %parallel_loop3A_758 = arith.divsi %parallel_loop3A_756, %parallel_loop3A_757 : i32
        %parallel_loop3A_759 = arith.constant 0 : i32
        %parallel_loop3A_760 = arith.cmpi sgt, %parallel_loop3A_756, %parallel_loop3A_759 : i32
        %parallel_loop3A_761 = arith.extui %parallel_loop3A_760 : i1 to i32
        %parallel_loop3A_762 = arith.constant 0 : i32
        %parallel_loop3A_763 = arith.cmpi slt, %parallel_loop3A_756, %parallel_loop3A_762 : i32
        %parallel_loop3A_764 = arith.extui %parallel_loop3A_763 : i1 to i32
        %parallel_loop3A_765 = arith.subi %parallel_loop3A_761, %parallel_loop3A_764 : i32
        %parallel_loop3A_766 = arith.constant 0 : i32
        %parallel_loop3A_767 = arith.cmpi sgt, %parallel_loop3A_757, %parallel_loop3A_766 : i32
        %parallel_loop3A_768 = arith.extui %parallel_loop3A_767 : i1 to i32
        %parallel_loop3A_769 = arith.constant 0 : i32
        %parallel_loop3A_770 = arith.cmpi slt, %parallel_loop3A_757, %parallel_loop3A_769 : i32
        %parallel_loop3A_771 = arith.extui %parallel_loop3A_770 : i1 to i32
        %parallel_loop3A_772 = arith.subi %parallel_loop3A_768, %parallel_loop3A_771 : i32
        %parallel_loop3A_773 = arith.cmpi ne, %parallel_loop3A_765, %parallel_loop3A_772 : i32
        %parallel_loop3A_774 = arith.remsi %parallel_loop3A_756, %parallel_loop3A_757 : i32
        %parallel_loop3A_775 = arith.constant 0 : i32
        %parallel_loop3A_776 = arith.cmpi ne, %parallel_loop3A_774, %parallel_loop3A_775 : i32
        %parallel_loop3A_777 = arith.andi %parallel_loop3A_773, %parallel_loop3A_776 : i1
        %parallel_loop3A_778 = arith.constant 1 : i32
        %parallel_loop3A_779 = arith.subi %parallel_loop3A_758, %parallel_loop3A_778 : i32
        %parallel_loop3A_780 = arith.select %parallel_loop3A_777, %parallel_loop3A_779, %parallel_loop3A_758 : i32
        %parallel_loop3A_781 = arith.constant 64 : i32
        %parallel_loop3A_782 = arith.constant 0 : i32
        %parallel_loop3A_783 = arith.cmpi eq, %parallel_loop3A_781, %parallel_loop3A_782 : i32
        %parallel_loop3A_784 = arith.constant 1 : i32
        %parallel_loop3A_785 = arith.select %parallel_loop3A_783, %parallel_loop3A_784, %parallel_loop3A_781 : i32
        %parallel_loop3A_786 = arith.remsi %parallel_loop3A_756, %parallel_loop3A_785 : i32
        %parallel_loop3A_787 = arith.constant 0 : i32
        %parallel_loop3A_788 = arith.cmpi ne, %parallel_loop3A_786, %parallel_loop3A_787 : i32
        %parallel_loop3A_789 = arith.constant 0 : i32
        %parallel_loop3A_790 = arith.cmpi slt, %parallel_loop3A_786, %parallel_loop3A_789 : i32
        %parallel_loop3A_791 = arith.constant 0 : i32
        %parallel_loop3A_792 = arith.cmpi slt, %parallel_loop3A_785, %parallel_loop3A_791 : i32
        %parallel_loop3A_793 = arith.xori %parallel_loop3A_790, %parallel_loop3A_792 : i1
        %parallel_loop3A_794 = arith.andi %parallel_loop3A_793, %parallel_loop3A_788 : i1
        %parallel_loop3A_795 = arith.addi %parallel_loop3A_786, %parallel_loop3A_785 : i32
        %parallel_loop3A_796 = arith.select %parallel_loop3A_794, %parallel_loop3A_795, %parallel_loop3A_786 : i32
        %parallel_loop3A_797 = arith.constant 16 : i32
        %parallel_loop3A_798 = arith.muli %parallel_loop3A_796, %parallel_loop3A_797 : i32
        %parallel_loop3A_799 = arith.constant 0 : i32
        %parallel_loop3A_800 = arith.index_cast %parallel_loop3A_799 : i32 to index
        %parallel_loop3A_801 = arith.index_cast %parallel_loop3A_780 : i32 to index
        %parallel_loop3A_802 = arith.index_cast %parallel_loop3A_798 : i32 to index
        %parallel_loop3A_803 = tpu.vector_load %arg6[%parallel_loop3A_800, %parallel_loop3A_801, %parallel_loop3A_802] {strides = array<i32>} : memref<2x8x1024xf32, #tpu.memory_space<vmem>>, vector<1x1x16xf32>,
        %parallel_loop3A_804 = vector.shape_cast %parallel_loop3A_803 : vector<1x1x16xf32> to vector<16xf32>
        %parallel_loop3A_805 = arith.constant 3 : i32
        %parallel_loop3A_806 = arith.constant 0 : i32
        %parallel_loop3A_807 = arith.constant 0 : i32
        %parallel_loop3A_808 = tpu.memref_slice %arg5[%parallel_loop3A_805, %parallel_loop3A_806, %parallel_loop3A_807] : memref<8x8x1024xf32, #tpu.memory_space<vmem>> -> memref<1x8x1024xf32, #tpu.memory_space<vmem>>
        %parallel_loop3A_809 = tpu.memref_squeeze %parallel_loop3A_808 : memref<1x8x1024xf32, #tpu.memory_space<vmem>> -> memref<8x1024xf32, #tpu.memory_space<vmem>>
        %parallel_loop3A_810 = arith.constant 0 : i32
        %parallel_loop3A_811 = tpu.memref_slice %parallel_loop3A_809[%parallel_loop3A_780, %parallel_loop3A_810] : memref<8x1024xf32, #tpu.memory_space<vmem>> -> memref<1x1024xf32, #tpu.memory_space<vmem>>
        %parallel_loop3A_812 = tpu.memref_squeeze %parallel_loop3A_811 : memref<1x1024xf32, #tpu.memory_space<vmem>> -> memref<1024xf32, #tpu.memory_space<vmem>>
        %parallel_loop3A_813 = arith.index_cast %parallel_loop3A_798 : i32 to index
        %parallel_loop3A_814 = tpu.vector_load %parallel_loop3A_812[%parallel_loop3A_813] {strides = array<i32>} : memref<1024xf32, #tpu.memory_space<vmem>>, vector<16xf32>,
        %parallel_loop3A_815 = vector.shape_cast %parallel_loop3A_814 : vector<16xf32> to vector<16xf32>
        %parallel_loop3A_816 = vector.shape_cast %parallel_loop3A_804 : vector<16xf32> to vector<16xf32>
        tpu.vector_store %parallel_loop3A_812[%parallel_loop3A_813], %parallel_loop3A_816 {add = true, strides = array<i32>} : memref<1024xf32, #tpu.memory_space<vmem>>, vector<16xf32>,
      } {sc.loop_unroll_factor = 16 : i64, sc.parallel_access}
      %mul3A_498 = arith.constant 8 : i32
      %mul3A_499 = arith.muli %add3A_301, %mul3A_498 : i32
      %add3A_500 = arith.addi %mul3A_2, %mul3A_499 : i32
      %dma_start3A_501 = arith.constant 3 : i32
      %dma_start3A_502 = arith.constant 3 : i32
      %dma_start3A_503 = arith.constant 3 : i32
      %dma_start3A_504 = arith.constant 0 : i32
      %dma_start3A_505 = arith.constant 0 : i32
      %dma_start3A_506 = tpu.memref_slice %arg5[%dma_start3A_501, %dma_start3A_504, %dma_start3A_505] : memref<8x8x1024xf32, #tpu.memory_space<vmem>> -> memref<1x8x1024xf32, #tpu.memory_space<vmem>>
      %dma_start3A_507 = tpu.memref_squeeze %dma_start3A_506 : memref<1x8x1024xf32, #tpu.memory_space<vmem>> -> memref<8x1024xf32, #tpu.memory_space<vmem>>
      %dma_start3A_508 = arith.constant 0 : i32
      %dma_start3A_509 = tpu.memref_slice %arg4[%dma_start3A_502, %add3A_500, %dma_start3A_508] : memref<4x8192x1024xf32, #tpu.memory_space<hbm>> -> memref<1x8x1024xf32, #tpu.memory_space<hbm>>
      %dma_start3A_510 = tpu.memref_squeeze %dma_start3A_509 : memref<1x8x1024xf32, #tpu.memory_space<hbm>> -> memref<8x1024xf32, #tpu.memory_space<hbm>>
      %dma_start3A_511 = tpu.memref_slice %arg8[%dma_start3A_503] : memref<8x!tpu.dma_semaphore, #tpu.memory_space<semaphore_mem>> -> memref<1x!tpu.dma_semaphore, #tpu.memory_space<semaphore_mem>>
      %dma_start3A_512 = tpu.memref_squeeze %dma_start3A_511 : memref<1x!tpu.dma_semaphore, #tpu.memory_space<semaphore_mem>> -> memref<!tpu.dma_semaphore, #tpu.memory_space<semaphore_mem>>
      %dma_start3A_513 = arith.constant 0 : i32
      %dma_start3A_514 = tpu.memref_slice %arg4[%dma_start3A_502, %add3A_500, %dma_start3A_513] : memref<4x8192x1024xf32, #tpu.memory_space<hbm>> -> memref<1x8x1024xf32, #tpu.memory_space<hbm>>
      %dma_start3A_515 = tpu.memref_squeeze %dma_start3A_514 : memref<1x8x1024xf32, #tpu.memory_space<hbm>> -> memref<8x1024xf32, #tpu.memory_space<hbm>>
      %dma_start3A_516 = arith.constant 0 : i32
      %dma_start3A_517 = arith.constant 0 : i32
      %dma_start3A_518 = tpu.memref_slice %arg5[%dma_start3A_501, %dma_start3A_516, %dma_start3A_517] : memref<8x8x1024xf32, #tpu.memory_space<vmem>> -> memref<1x8x1024xf32, #tpu.memory_space<vmem>>
      %dma_start3A_519 = tpu.memref_squeeze %dma_start3A_518 : memref<1x8x1024xf32, #tpu.memory_space<vmem>> -> memref<8x1024xf32, #tpu.memory_space<vmem>>
      tpu.enqueue_dma source(%dma_start3A_519 : memref<8x1024xf32, #tpu.memory_space<vmem>>) target(%dma_start3A_515 : memref<8x1024xf32, #tpu.memory_space<hbm>>) target_semaphore(%dma_start3A_512 : memref<!tpu.dma_semaphore, #tpu.memory_space<semaphore_mem>>)
      %lt3A_520 = arith.constant 30 : i32
      %lt3A_521 = arith.cmpi slt, %add3A_301, %lt3A_520 : i32
      %convert_element_type3A_522 = arith.extui %lt3A_521 : i1 to i32
      %cond3A_523 = arith.constant 0 : i32
      %cond3A_524 = arith.cmpi ne, %convert_element_type3A_522, %cond3A_523 : i32
      scf.if %cond3A_524 {
        %add3A_756 = arith.constant 2 : i32
        %add3A_757 = arith.addi %add3A_301, %add3A_756 : i32
        %mul3A_758 = arith.constant 8 : i32
        %mul3A_759 = arith.muli %add3A_757, %mul3A_758 : i32
        %add3A_760 = arith.addi %mul3A_2, %mul3A_759 : i32
        %dma_start3A_761 = arith.constant 0 : i32
        %dma_start3A_762 = arith.constant 0 : i32
        %dma_start3A_763 = arith.constant 0 : i32
        %dma_start3A_764 = arith.constant 0 : i32
        %dma_start3A_765 = tpu.memref_slice %arg6[%dma_start3A_761, %dma_start3A_763, %dma_start3A_764] : memref<2x8x1024xf32, #tpu.memory_space<vmem>> -> memref<1x8x1024xf32, #tpu.memory_space<vmem>>
        %dma_start3A_766 = tpu.memref_squeeze %dma_start3A_765 : memref<1x8x1024xf32, #tpu.memory_space<vmem>> -> memref<8x1024xf32, #tpu.memory_space<vmem>>
        %dma_start3A_767 = arith.constant 0 : i32
        %dma_start3A_768 = tpu.memref_slice %arg3[%add3A_760, %dma_start3A_767] : memref<8192x1024xf32, #tpu.memory_space<hbm>> -> memref<8x1024xf32, #tpu.memory_space<hbm>>
        %dma_start3A_769 = tpu.memref_slice %arg9[%dma_start3A_762] : memref<2x!tpu.dma_semaphore, #tpu.memory_space<semaphore_mem>> -> memref<1x!tpu.dma_semaphore, #tpu.memory_space<semaphore_mem>>
        %dma_start3A_770 = tpu.memref_squeeze %dma_start3A_769 : memref<1x!tpu.dma_semaphore, #tpu.memory_space<semaphore_mem>> -> memref<!tpu.dma_semaphore, #tpu.memory_space<semaphore_mem>>
        %dma_start3A_771 = arith.constant 0 : i32
        %dma_start3A_772 = arith.constant 0 : i32
        %dma_start3A_773 = tpu.memref_slice %arg6[%dma_start3A_761, %dma_start3A_771, %dma_start3A_772] : memref<2x8x1024xf32, #tpu.memory_space<vmem>> -> memref<1x8x1024xf32, #tpu.memory_space<vmem>>
        %dma_start3A_774 = tpu.memref_squeeze %dma_start3A_773 : memref<1x8x1024xf32, #tpu.memory_space<vmem>> -> memref<8x1024xf32, #tpu.memory_space<vmem>>
        %dma_start3A_775 = arith.constant 0 : i32
        %dma_start3A_776 = tpu.memref_slice %arg3[%add3A_760, %dma_start3A_775] : memref<8192x1024xf32, #tpu.memory_space<hbm>> -> memref<8x1024xf32, #tpu.memory_space<hbm>>
        tpu.enqueue_dma source(%dma_start3A_776 : memref<8x1024xf32, #tpu.memory_space<hbm>>) target(%dma_start3A_774 : memref<8x1024xf32, #tpu.memory_space<vmem>>) target_semaphore(%dma_start3A_770 : memref<!tpu.dma_semaphore, #tpu.memory_space<semaphore_mem>>)
      } else {
      }
      %mul3A_525 = arith.constant 2 : i32
      %mul3A_526 = arith.muli %mul3A_525, %add3A_297 : i32
      %add3A_527 = arith.constant 1 : i32
      %add3A_528 = arith.addi %mul3A_526, %add3A_527 : i32
      %dma_wait3A_529 = arith.constant 1 : i32
      %dma_wait3A_530 = arith.constant 1 : i32
      %dma_wait3A_531 = arith.constant 0 : i32
      %dma_wait3A_532 = arith.constant 0 : i32
      %dma_wait3A_533 = tpu.memref_slice %arg6[%dma_wait3A_529, %dma_wait3A_531, %dma_wait3A_532] : memref<2x8x1024xf32, #tpu.memory_space<vmem>> -> memref<1x8x1024xf32, #tpu.memory_space<vmem>>
      %dma_wait3A_534 = tpu.memref_squeeze %dma_wait3A_533 : memref<1x8x1024xf32, #tpu.memory_space<vmem>> -> memref<8x1024xf32, #tpu.memory_space<vmem>>
      %dma_wait3A_535 = arith.constant 0 : i32
      %dma_wait3A_536 = arith.constant 0 : i32
      %dma_wait3A_537 = tpu.memref_slice %arg3[%dma_wait3A_535, %dma_wait3A_536] : memref<8192x1024xf32, #tpu.memory_space<hbm>> -> memref<8x1024xf32, #tpu.memory_space<hbm>>
      %dma_wait3A_538 = tpu.memref_slice %arg9[%dma_wait3A_530] : memref<2x!tpu.dma_semaphore, #tpu.memory_space<semaphore_mem>> -> memref<1x!tpu.dma_semaphore, #tpu.memory_space<semaphore_mem>>
      %dma_wait3A_539 = tpu.memref_squeeze %dma_wait3A_538 : memref<1x!tpu.dma_semaphore, #tpu.memory_space<semaphore_mem>> -> memref<!tpu.dma_semaphore, #tpu.memory_space<semaphore_mem>>
      %dma_wait3A_540 = arith.constant 0 : i32
      %dma_wait3A_541 = arith.constant 0 : i32
      %dma_wait3A_542 = tpu.memref_slice %arg6[%dma_wait3A_529, %dma_wait3A_540, %dma_wait3A_541] : memref<2x8x1024xf32, #tpu.memory_space<vmem>> -> memref<1x8x1024xf32, #tpu.memory_space<vmem>>
      %dma_wait3A_543 = tpu.memref_squeeze %dma_wait3A_542 : memref<1x8x1024xf32, #tpu.memory_space<vmem>> -> memref<8x1024xf32, #tpu.memory_space<vmem>>
      %dma_wait3A_544 = arith.constant 0 : i32
      %dma_wait3A_545 = arith.constant 0 : i32
      %dma_wait3A_546 = tpu.memref_slice %arg3[%dma_wait3A_544, %dma_wait3A_545] : memref<8192x1024xf32, #tpu.memory_space<hbm>> -> memref<8x1024xf32, #tpu.memory_space<hbm>>
      tpu.wait_dma2 semaphore(%dma_wait3A_539 : memref<!tpu.dma_semaphore, #tpu.memory_space<semaphore_mem>>) src(%dma_wait3A_546 : memref<8x1024xf32, #tpu.memory_space<hbm>>) dst(%dma_wait3A_543 : memref<8x1024xf32, #tpu.memory_space<vmem>>)
      %lt3A_547 = arith.constant 31 : i32
      %lt3A_548 = arith.cmpi slt, %add3A_528, %lt3A_547 : i32
      %convert_element_type3A_549 = arith.extui %lt3A_548 : i1 to i32
      %cond3A_550 = arith.constant 0 : i32
      %cond3A_551 = arith.cmpi ne, %convert_element_type3A_549, %cond3A_550 : i32
      scf.if %cond3A_551 {
        %ge3A = arith.constant 1 : i32
        %ge3A_756 = arith.cmpi sge, %add3A_528, %ge3A : i32
        %convert_element_type3A_757 = arith.extui %ge3A_756 : i1 to i32
        %cond3A_758 = arith.constant 0 : i32
        %cond3A_759 = arith.cmpi ne, %convert_element_type3A_757, %cond3A_758 : i32
        scf.if %cond3A_759 {
          %dma_wait3A_784 = arith.constant 0 : i32
          %dma_wait3A_785 = arith.constant 0 : i32
          %dma_wait3A_786 = arith.constant 0 : i32
          %dma_wait3A_787 = arith.constant 0 : i32
          %dma_wait3A_788 = arith.constant 0 : i32
          %dma_wait3A_789 = tpu.memref_slice %arg5[%dma_wait3A_784, %dma_wait3A_787, %dma_wait3A_788] : memref<8x8x1024xf32, #tpu.memory_space<vmem>> -> memref<1x8x1024xf32, #tpu.memory_space<vmem>>
          %dma_wait3A_790 = tpu.memref_squeeze %dma_wait3A_789 : memref<1x8x1024xf32, #tpu.memory_space<vmem>> -> memref<8x1024xf32, #tpu.memory_space<vmem>>
          %dma_wait3A_791 = arith.constant 0 : i32
          %dma_wait3A_792 = arith.constant 0 : i32
          %dma_wait3A_793 = tpu.memref_slice %arg4[%dma_wait3A_785, %dma_wait3A_791, %dma_wait3A_792] : memref<4x8192x1024xf32, #tpu.memory_space<hbm>> -> memref<1x8x1024xf32, #tpu.memory_space<hbm>>
          %dma_wait3A_794 = tpu.memref_squeeze %dma_wait3A_793 : memref<1x8x1024xf32, #tpu.memory_space<hbm>> -> memref<8x1024xf32, #tpu.memory_space<hbm>>
          %dma_wait3A_795 = tpu.memref_slice %arg8[%dma_wait3A_786] : memref<8x!tpu.dma_semaphore, #tpu.memory_space<semaphore_mem>> -> memref<1x!tpu.dma_semaphore, #tpu.memory_space<semaphore_mem>>
          %dma_wait3A_796 = tpu.memref_squeeze %dma_wait3A_795 : memref<1x!tpu.dma_semaphore, #tpu.memory_space<semaphore_mem>> -> memref<!tpu.dma_semaphore, #tpu.memory_space<semaphore_mem>>
          %dma_wait3A_797 = arith.constant 0 : i32
          %dma_wait3A_798 = arith.constant 0 : i32
          %dma_wait3A_799 = tpu.memref_slice %arg4[%dma_wait3A_785, %dma_wait3A_797, %dma_wait3A_798] : memref<4x8192x1024xf32, #tpu.memory_space<hbm>> -> memref<1x8x1024xf32, #tpu.memory_space<hbm>>
          %dma_wait3A_800 = tpu.memref_squeeze %dma_wait3A_799 : memref<1x8x1024xf32, #tpu.memory_space<hbm>> -> memref<8x1024xf32, #tpu.memory_space<hbm>>
          %dma_wait3A_801 = arith.constant 0 : i32
          %dma_wait3A_802 = arith.constant 0 : i32
          %dma_wait3A_803 = tpu.memref_slice %arg5[%dma_wait3A_784, %dma_wait3A_801, %dma_wait3A_802] : memref<8x8x1024xf32, #tpu.memory_space<vmem>> -> memref<1x8x1024xf32, #tpu.memory_space<vmem>>
          %dma_wait3A_804 = tpu.memref_squeeze %dma_wait3A_803 : memref<1x8x1024xf32, #tpu.memory_space<vmem>> -> memref<8x1024xf32, #tpu.memory_space<vmem>>
          tpu.wait_dma2 semaphore(%dma_wait3A_796 : memref<!tpu.dma_semaphore, #tpu.memory_space<semaphore_mem>>) src(%dma_wait3A_804 : memref<8x1024xf32, #tpu.memory_space<vmem>>) dst(%dma_wait3A_800 : memref<8x1024xf32, #tpu.memory_space<hbm>>)
        } else {
        }
        %add3A_760 = arith.constant 1 : i32
        %add3A_761 = arith.addi %add3A_528, %add3A_760 : i32
        %mul3A_762 = arith.constant 8 : i32
        %mul3A_763 = arith.muli %add3A_761, %mul3A_762 : i32
        %add3A_764 = arith.addi %mul3A_2, %mul3A_763 : i32
        %dma_start3A_765 = arith.constant 0 : i32
        %dma_start3A_766 = arith.constant 0 : i32
        %dma_start3A_767 = arith.constant 0 : i32
        %dma_start3A_768 = arith.constant 0 : i32
        %dma_start3A_769 = arith.constant 0 : i32
        %dma_start3A_770 = tpu.memref_slice %arg5[%dma_start3A_766, %dma_start3A_768, %dma_start3A_769] : memref<8x8x1024xf32, #tpu.memory_space<vmem>> -> memref<1x8x1024xf32, #tpu.memory_space<vmem>>
        %dma_start3A_771 = tpu.memref_squeeze %dma_start3A_770 : memref<1x8x1024xf32, #tpu.memory_space<vmem>> -> memref<8x1024xf32, #tpu.memory_space<vmem>>
        %dma_start3A_772 = arith.constant 0 : i32
        %dma_start3A_773 = tpu.memref_slice %arg2[%dma_start3A_765, %add3A_764, %dma_start3A_772] : memref<4x8192x1024xf32, #tpu.memory_space<hbm>> -> memref<1x8x1024xf32, #tpu.memory_space<hbm>>
        %dma_start3A_774 = tpu.memref_squeeze %dma_start3A_773 : memref<1x8x1024xf32, #tpu.memory_space<hbm>> -> memref<8x1024xf32, #tpu.memory_space<hbm>>
        %dma_start3A_775 = tpu.memref_slice %arg7[%dma_start3A_767] : memref<8x!tpu.dma_semaphore, #tpu.memory_space<semaphore_mem>> -> memref<1x!tpu.dma_semaphore, #tpu.memory_space<semaphore_mem>>
        %dma_start3A_776 = tpu.memref_squeeze %dma_start3A_775 : memref<1x!tpu.dma_semaphore, #tpu.memory_space<semaphore_mem>> -> memref<!tpu.dma_semaphore, #tpu.memory_space<semaphore_mem>>
        %dma_start3A_777 = arith.constant 0 : i32
        %dma_start3A_778 = arith.constant 0 : i32
        %dma_start3A_779 = tpu.memref_slice %arg5[%dma_start3A_766, %dma_start3A_777, %dma_start3A_778] : memref<8x8x1024xf32, #tpu.memory_space<vmem>> -> memref<1x8x1024xf32, #tpu.memory_space<vmem>>
        %dma_start3A_780 = tpu.memref_squeeze %dma_start3A_779 : memref<1x8x1024xf32, #tpu.memory_space<vmem>> -> memref<8x1024xf32, #tpu.memory_space<vmem>>
        %dma_start3A_781 = arith.constant 0 : i32
        %dma_start3A_782 = tpu.memref_slice %arg2[%dma_start3A_765, %add3A_764, %dma_start3A_781] : memref<4x8192x1024xf32, #tpu.memory_space<hbm>> -> memref<1x8x1024xf32, #tpu.memory_space<hbm>>
        %dma_start3A_783 = tpu.memref_squeeze %dma_start3A_782 : memref<1x8x1024xf32, #tpu.memory_space<hbm>> -> memref<8x1024xf32, #tpu.memory_space<hbm>>
        tpu.enqueue_dma source(%dma_start3A_783 : memref<8x1024xf32, #tpu.memory_space<hbm>>) target(%dma_start3A_780 : memref<8x1024xf32, #tpu.memory_space<vmem>>) target_semaphore(%dma_start3A_776 : memref<!tpu.dma_semaphore, #tpu.memory_space<semaphore_mem>>)
      } else {
      }
      %dma_wait3A_552 = arith.constant 0 : i32
      %dma_wait3A_553 = arith.constant 4 : i32
      %dma_wait3A_554 = arith.constant 4 : i32
      %dma_wait3A_555 = arith.constant 0 : i32
      %dma_wait3A_556 = arith.constant 0 : i32
      %dma_wait3A_557 = tpu.memref_slice %arg5[%dma_wait3A_553, %dma_wait3A_555, %dma_wait3A_556] : memref<8x8x1024xf32, #tpu.memory_space<vmem>> -> memref<1x8x1024xf32, #tpu.memory_space<vmem>>
      %dma_wait3A_558 = tpu.memref_squeeze %dma_wait3A_557 : memref<1x8x1024xf32, #tpu.memory_space<vmem>> -> memref<8x1024xf32, #tpu.memory_space<vmem>>
      %dma_wait3A_559 = arith.constant 0 : i32
      %dma_wait3A_560 = arith.constant 0 : i32
      %dma_wait3A_561 = tpu.memref_slice %arg2[%dma_wait3A_552, %dma_wait3A_559, %dma_wait3A_560] : memref<4x8192x1024xf32, #tpu.memory_space<hbm>> -> memref<1x8x1024xf32, #tpu.memory_space<hbm>>
      %dma_wait3A_562 = tpu.memref_squeeze %dma_wait3A_561 : memref<1x8x1024xf32, #tpu.memory_space<hbm>> -> memref<8x1024xf32, #tpu.memory_space<hbm>>
      %dma_wait3A_563 = tpu.memref_slice %arg7[%dma_wait3A_554] : memref<8x!tpu.dma_semaphore, #tpu.memory_space<semaphore_mem>> -> memref<1x!tpu.dma_semaphore, #tpu.memory_space<semaphore_mem>>
      %dma_wait3A_564 = tpu.memref_squeeze %dma_wait3A_563 : memref<1x!tpu.dma_semaphore, #tpu.memory_space<semaphore_mem>> -> memref<!tpu.dma_semaphore, #tpu.memory_space<semaphore_mem>>
      %dma_wait3A_565 = arith.constant 0 : i32
      %dma_wait3A_566 = arith.constant 0 : i32
      %dma_wait3A_567 = tpu.memref_slice %arg5[%dma_wait3A_553, %dma_wait3A_565, %dma_wait3A_566] : memref<8x8x1024xf32, #tpu.memory_space<vmem>> -> memref<1x8x1024xf32, #tpu.memory_space<vmem>>
      %dma_wait3A_568 = tpu.memref_squeeze %dma_wait3A_567 : memref<1x8x1024xf32, #tpu.memory_space<vmem>> -> memref<8x1024xf32, #tpu.memory_space<vmem>>
      %dma_wait3A_569 = arith.constant 0 : i32
      %dma_wait3A_570 = arith.constant 0 : i32
      %dma_wait3A_571 = tpu.memref_slice %arg2[%dma_wait3A_552, %dma_wait3A_569, %dma_wait3A_570] : memref<4x8192x1024xf32, #tpu.memory_space<hbm>> -> memref<1x8x1024xf32, #tpu.memory_space<hbm>>
      %dma_wait3A_572 = tpu.memref_squeeze %dma_wait3A_571 : memref<1x8x1024xf32, #tpu.memory_space<hbm>> -> memref<8x1024xf32, #tpu.memory_space<hbm>>
      tpu.wait_dma2 semaphore(%dma_wait3A_564 : memref<!tpu.dma_semaphore, #tpu.memory_space<semaphore_mem>>) src(%dma_wait3A_572 : memref<8x1024xf32, #tpu.memory_space<hbm>>) dst(%dma_wait3A_568 : memref<8x1024xf32, #tpu.memory_space<vmem>>)
      %parallel_loop3A_573 = arith.constant 0 : i32
      %parallel_loop3A_574 = arith.constant 512 : i32
      %parallel_loop3A_575 = arith.constant 1 : i32
      scf.for %parallel_loop3A_756 = %parallel_loop3A_573 to %parallel_loop3A_574 step %parallel_loop3A_575  : i32 {
        %parallel_loop3A_757 = arith.constant 64 : i32
        %parallel_loop3A_758 = arith.divsi %parallel_loop3A_756, %parallel_loop3A_757 : i32
        %parallel_loop3A_759 = arith.constant 0 : i32
        %parallel_loop3A_760 = arith.cmpi sgt, %parallel_loop3A_756, %parallel_loop3A_759 : i32
        %parallel_loop3A_761 = arith.extui %parallel_loop3A_760 : i1 to i32
        %parallel_loop3A_762 = arith.constant 0 : i32
        %parallel_loop3A_763 = arith.cmpi slt, %parallel_loop3A_756, %parallel_loop3A_762 : i32
        %parallel_loop3A_764 = arith.extui %parallel_loop3A_763 : i1 to i32
        %parallel_loop3A_765 = arith.subi %parallel_loop3A_761, %parallel_loop3A_764 : i32
        %parallel_loop3A_766 = arith.constant 0 : i32
        %parallel_loop3A_767 = arith.cmpi sgt, %parallel_loop3A_757, %parallel_loop3A_766 : i32
        %parallel_loop3A_768 = arith.extui %parallel_loop3A_767 : i1 to i32
        %parallel_loop3A_769 = arith.constant 0 : i32
        %parallel_loop3A_770 = arith.cmpi slt, %parallel_loop3A_757, %parallel_loop3A_769 : i32
        %parallel_loop3A_771 = arith.extui %parallel_loop3A_770 : i1 to i32
        %parallel_loop3A_772 = arith.subi %parallel_loop3A_768, %parallel_loop3A_771 : i32
        %parallel_loop3A_773 = arith.cmpi ne, %parallel_loop3A_765, %parallel_loop3A_772 : i32
        %parallel_loop3A_774 = arith.remsi %parallel_loop3A_756, %parallel_loop3A_757 : i32
        %parallel_loop3A_775 = arith.constant 0 : i32
        %parallel_loop3A_776 = arith.cmpi ne, %parallel_loop3A_774, %parallel_loop3A_775 : i32
        %parallel_loop3A_777 = arith.andi %parallel_loop3A_773, %parallel_loop3A_776 : i1
        %parallel_loop3A_778 = arith.constant 1 : i32
        %parallel_loop3A_779 = arith.subi %parallel_loop3A_758, %parallel_loop3A_778 : i32
        %parallel_loop3A_780 = arith.select %parallel_loop3A_777, %parallel_loop3A_779, %parallel_loop3A_758 : i32
        %parallel_loop3A_781 = arith.constant 64 : i32
        %parallel_loop3A_782 = arith.constant 0 : i32
        %parallel_loop3A_783 = arith.cmpi eq, %parallel_loop3A_781, %parallel_loop3A_782 : i32
        %parallel_loop3A_784 = arith.constant 1 : i32
        %parallel_loop3A_785 = arith.select %parallel_loop3A_783, %parallel_loop3A_784, %parallel_loop3A_781 : i32
        %parallel_loop3A_786 = arith.remsi %parallel_loop3A_756, %parallel_loop3A_785 : i32
        %parallel_loop3A_787 = arith.constant 0 : i32
        %parallel_loop3A_788 = arith.cmpi ne, %parallel_loop3A_786, %parallel_loop3A_787 : i32
        %parallel_loop3A_789 = arith.constant 0 : i32
        %parallel_loop3A_790 = arith.cmpi slt, %parallel_loop3A_786, %parallel_loop3A_789 : i32
        %parallel_loop3A_791 = arith.constant 0 : i32
        %parallel_loop3A_792 = arith.cmpi slt, %parallel_loop3A_785, %parallel_loop3A_791 : i32
        %parallel_loop3A_793 = arith.xori %parallel_loop3A_790, %parallel_loop3A_792 : i1
        %parallel_loop3A_794 = arith.andi %parallel_loop3A_793, %parallel_loop3A_788 : i1
        %parallel_loop3A_795 = arith.addi %parallel_loop3A_786, %parallel_loop3A_785 : i32
        %parallel_loop3A_796 = arith.select %parallel_loop3A_794, %parallel_loop3A_795, %parallel_loop3A_786 : i32
        %parallel_loop3A_797 = arith.constant 16 : i32
        %parallel_loop3A_798 = arith.muli %parallel_loop3A_796, %parallel_loop3A_797 : i32
        %parallel_loop3A_799 = arith.constant 1 : i32
        %parallel_loop3A_800 = arith.index_cast %parallel_loop3A_799 : i32 to index
        %parallel_loop3A_801 = arith.index_cast %parallel_loop3A_780 : i32 to index
        %parallel_loop3A_802 = arith.index_cast %parallel_loop3A_798 : i32 to index
        %parallel_loop3A_803 = tpu.vector_load %arg6[%parallel_loop3A_800, %parallel_loop3A_801, %parallel_loop3A_802] {strides = array<i32>} : memref<2x8x1024xf32, #tpu.memory_space<vmem>>, vector<1x1x16xf32>,
        %parallel_loop3A_804 = vector.shape_cast %parallel_loop3A_803 : vector<1x1x16xf32> to vector<16xf32>
        %parallel_loop3A_805 = arith.constant 4 : i32
        %parallel_loop3A_806 = arith.constant 0 : i32
        %parallel_loop3A_807 = arith.constant 0 : i32
        %parallel_loop3A_808 = tpu.memref_slice %arg5[%parallel_loop3A_805, %parallel_loop3A_806, %parallel_loop3A_807] : memref<8x8x1024xf32, #tpu.memory_space<vmem>> -> memref<1x8x1024xf32, #tpu.memory_space<vmem>>
        %parallel_loop3A_809 = tpu.memref_squeeze %parallel_loop3A_808 : memref<1x8x1024xf32, #tpu.memory_space<vmem>> -> memref<8x1024xf32, #tpu.memory_space<vmem>>
        %parallel_loop3A_810 = arith.constant 0 : i32
        %parallel_loop3A_811 = tpu.memref_slice %parallel_loop3A_809[%parallel_loop3A_780, %parallel_loop3A_810] : memref<8x1024xf32, #tpu.memory_space<vmem>> -> memref<1x1024xf32, #tpu.memory_space<vmem>>
        %parallel_loop3A_812 = tpu.memref_squeeze %parallel_loop3A_811 : memref<1x1024xf32, #tpu.memory_space<vmem>> -> memref<1024xf32, #tpu.memory_space<vmem>>
        %parallel_loop3A_813 = arith.index_cast %parallel_loop3A_798 : i32 to index
        %parallel_loop3A_814 = tpu.vector_load %parallel_loop3A_812[%parallel_loop3A_813] {strides = array<i32>} : memref<1024xf32, #tpu.memory_space<vmem>>, vector<16xf32>,
        %parallel_loop3A_815 = vector.shape_cast %parallel_loop3A_814 : vector<16xf32> to vector<16xf32>
        %parallel_loop3A_816 = vector.shape_cast %parallel_loop3A_804 : vector<16xf32> to vector<16xf32>
        tpu.vector_store %parallel_loop3A_812[%parallel_loop3A_813], %parallel_loop3A_816 {add = true, strides = array<i32>} : memref<1024xf32, #tpu.memory_space<vmem>>, vector<16xf32>,
      } {sc.loop_unroll_factor = 16 : i64, sc.parallel_access}
      %mul3A_576 = arith.constant 8 : i32
      %mul3A_577 = arith.muli %add3A_528, %mul3A_576 : i32
      %add3A_578 = arith.addi %mul3A_2, %mul3A_577 : i32
      %dma_start3A_579 = arith.constant 4 : i32
      %dma_start3A_580 = arith.constant 0 : i32
      %dma_start3A_581 = arith.constant 4 : i32
      %dma_start3A_582 = arith.constant 0 : i32
      %dma_start3A_583 = arith.constant 0 : i32
      %dma_start3A_584 = tpu.memref_slice %arg5[%dma_start3A_579, %dma_start3A_582, %dma_start3A_583] : memref<8x8x1024xf32, #tpu.memory_space<vmem>> -> memref<1x8x1024xf32, #tpu.memory_space<vmem>>
      %dma_start3A_585 = tpu.memref_squeeze %dma_start3A_584 : memref<1x8x1024xf32, #tpu.memory_space<vmem>> -> memref<8x1024xf32, #tpu.memory_space<vmem>>
      %dma_start3A_586 = arith.constant 0 : i32
      %dma_start3A_587 = tpu.memref_slice %arg4[%dma_start3A_580, %add3A_578, %dma_start3A_586] : memref<4x8192x1024xf32, #tpu.memory_space<hbm>> -> memref<1x8x1024xf32, #tpu.memory_space<hbm>>
      %dma_start3A_588 = tpu.memref_squeeze %dma_start3A_587 : memref<1x8x1024xf32, #tpu.memory_space<hbm>> -> memref<8x1024xf32, #tpu.memory_space<hbm>>
      %dma_start3A_589 = tpu.memref_slice %arg8[%dma_start3A_581] : memref<8x!tpu.dma_semaphore, #tpu.memory_space<semaphore_mem>> -> memref<1x!tpu.dma_semaphore, #tpu.memory_space<semaphore_mem>>
      %dma_start3A_590 = tpu.memref_squeeze %dma_start3A_589 : memref<1x!tpu.dma_semaphore, #tpu.memory_space<semaphore_mem>> -> memref<!tpu.dma_semaphore, #tpu.memory_space<semaphore_mem>>
      %dma_start3A_591 = arith.constant 0 : i32
      %dma_start3A_592 = tpu.memref_slice %arg4[%dma_start3A_580, %add3A_578, %dma_start3A_591] : memref<4x8192x1024xf32, #tpu.memory_space<hbm>> -> memref<1x8x1024xf32, #tpu.memory_space<hbm>>
      %dma_start3A_593 = tpu.memref_squeeze %dma_start3A_592 : memref<1x8x1024xf32, #tpu.memory_space<hbm>> -> memref<8x1024xf32, #tpu.memory_space<hbm>>
      %dma_start3A_594 = arith.constant 0 : i32
      %dma_start3A_595 = arith.constant 0 : i32
      %dma_start3A_596 = tpu.memref_slice %arg5[%dma_start3A_579, %dma_start3A_594, %dma_start3A_595] : memref<8x8x1024xf32, #tpu.memory_space<vmem>> -> memref<1x8x1024xf32, #tpu.memory_space<vmem>>
      %dma_start3A_597 = tpu.memref_squeeze %dma_start3A_596 : memref<1x8x1024xf32, #tpu.memory_space<vmem>> -> memref<8x1024xf32, #tpu.memory_space<vmem>>
      tpu.enqueue_dma source(%dma_start3A_597 : memref<8x1024xf32, #tpu.memory_space<vmem>>) target(%dma_start3A_593 : memref<8x1024xf32, #tpu.memory_space<hbm>>) target_semaphore(%dma_start3A_590 : memref<!tpu.dma_semaphore, #tpu.memory_space<semaphore_mem>>)
      %lt3A_598 = arith.constant 31 : i32
      %lt3A_599 = arith.cmpi slt, %add3A_528, %lt3A_598 : i32
      %convert_element_type3A_600 = arith.extui %lt3A_599 : i1 to i32
      %cond3A_601 = arith.constant 0 : i32
      %cond3A_602 = arith.cmpi ne, %convert_element_type3A_600, %cond3A_601 : i32
      scf.if %cond3A_602 {
        %ge3A = arith.constant 1 : i32
        %ge3A_756 = arith.cmpi sge, %add3A_528, %ge3A : i32
        %convert_element_type3A_757 = arith.extui %ge3A_756 : i1 to i32
        %cond3A_758 = arith.constant 0 : i32
        %cond3A_759 = arith.cmpi ne, %convert_element_type3A_757, %cond3A_758 : i32
        scf.if %cond3A_759 {
          %dma_wait3A_784 = arith.constant 1 : i32
          %dma_wait3A_785 = arith.constant 0 : i32
          %dma_wait3A_786 = arith.constant 1 : i32
          %dma_wait3A_787 = arith.constant 0 : i32
          %dma_wait3A_788 = arith.constant 0 : i32
          %dma_wait3A_789 = tpu.memref_slice %arg5[%dma_wait3A_784, %dma_wait3A_787, %dma_wait3A_788] : memref<8x8x1024xf32, #tpu.memory_space<vmem>> -> memref<1x8x1024xf32, #tpu.memory_space<vmem>>
          %dma_wait3A_790 = tpu.memref_squeeze %dma_wait3A_789 : memref<1x8x1024xf32, #tpu.memory_space<vmem>> -> memref<8x1024xf32, #tpu.memory_space<vmem>>
          %dma_wait3A_791 = arith.constant 0 : i32
          %dma_wait3A_792 = arith.constant 0 : i32
          %dma_wait3A_793 = tpu.memref_slice %arg4[%dma_wait3A_785, %dma_wait3A_791, %dma_wait3A_792] : memref<4x8192x1024xf32, #tpu.memory_space<hbm>> -> memref<1x8x1024xf32, #tpu.memory_space<hbm>>
          %dma_wait3A_794 = tpu.memref_squeeze %dma_wait3A_793 : memref<1x8x1024xf32, #tpu.memory_space<hbm>> -> memref<8x1024xf32, #tpu.memory_space<hbm>>
          %dma_wait3A_795 = tpu.memref_slice %arg8[%dma_wait3A_786] : memref<8x!tpu.dma_semaphore, #tpu.memory_space<semaphore_mem>> -> memref<1x!tpu.dma_semaphore, #tpu.memory_space<semaphore_mem>>
          %dma_wait3A_796 = tpu.memref_squeeze %dma_wait3A_795 : memref<1x!tpu.dma_semaphore, #tpu.memory_space<semaphore_mem>> -> memref<!tpu.dma_semaphore, #tpu.memory_space<semaphore_mem>>
          %dma_wait3A_797 = arith.constant 0 : i32
          %dma_wait3A_798 = arith.constant 0 : i32
          %dma_wait3A_799 = tpu.memref_slice %arg4[%dma_wait3A_785, %dma_wait3A_797, %dma_wait3A_798] : memref<4x8192x1024xf32, #tpu.memory_space<hbm>> -> memref<1x8x1024xf32, #tpu.memory_space<hbm>>
          %dma_wait3A_800 = tpu.memref_squeeze %dma_wait3A_799 : memref<1x8x1024xf32, #tpu.memory_space<hbm>> -> memref<8x1024xf32, #tpu.memory_space<hbm>>
          %dma_wait3A_801 = arith.constant 0 : i32
          %dma_wait3A_802 = arith.constant 0 : i32
          %dma_wait3A_803 = tpu.memref_slice %arg5[%dma_wait3A_784, %dma_wait3A_801, %dma_wait3A_802] : memref<8x8x1024xf32, #tpu.memory_space<vmem>> -> memref<1x8x1024xf32, #tpu.memory_space<vmem>>
          %dma_wait3A_804 = tpu.memref_squeeze %dma_wait3A_803 : memref<1x8x1024xf32, #tpu.memory_space<vmem>> -> memref<8x1024xf32, #tpu.memory_space<vmem>>
          tpu.wait_dma2 semaphore(%dma_wait3A_796 : memref<!tpu.dma_semaphore, #tpu.memory_space<semaphore_mem>>) src(%dma_wait3A_804 : memref<8x1024xf32, #tpu.memory_space<vmem>>) dst(%dma_wait3A_800 : memref<8x1024xf32, #tpu.memory_space<hbm>>)
        } else {
        }
        %add3A_760 = arith.constant 1 : i32
        %add3A_761 = arith.addi %add3A_528, %add3A_760 : i32
        %mul3A_762 = arith.constant 8 : i32
        %mul3A_763 = arith.muli %add3A_761, %mul3A_762 : i32
        %add3A_764 = arith.addi %mul3A_2, %mul3A_763 : i32
        %dma_start3A_765 = arith.constant 1 : i32
        %dma_start3A_766 = arith.constant 1 : i32
        %dma_start3A_767 = arith.constant 1 : i32
        %dma_start3A_768 = arith.constant 0 : i32
        %dma_start3A_769 = arith.constant 0 : i32
        %dma_start3A_770 = tpu.memref_slice %arg5[%dma_start3A_766, %dma_start3A_768, %dma_start3A_769] : memref<8x8x1024xf32, #tpu.memory_space<vmem>> -> memref<1x8x1024xf32, #tpu.memory_space<vmem>>
        %dma_start3A_771 = tpu.memref_squeeze %dma_start3A_770 : memref<1x8x1024xf32, #tpu.memory_space<vmem>> -> memref<8x1024xf32, #tpu.memory_space<vmem>>
        %dma_start3A_772 = arith.constant 0 : i32
        %dma_start3A_773 = tpu.memref_slice %arg2[%dma_start3A_765, %add3A_764, %dma_start3A_772] : memref<4x8192x1024xf32, #tpu.memory_space<hbm>> -> memref<1x8x1024xf32, #tpu.memory_space<hbm>>
        %dma_start3A_774 = tpu.memref_squeeze %dma_start3A_773 : memref<1x8x1024xf32, #tpu.memory_space<hbm>> -> memref<8x1024xf32, #tpu.memory_space<hbm>>
        %dma_start3A_775 = tpu.memref_slice %arg7[%dma_start3A_767] : memref<8x!tpu.dma_semaphore, #tpu.memory_space<semaphore_mem>> -> memref<1x!tpu.dma_semaphore, #tpu.memory_space<semaphore_mem>>
        %dma_start3A_776 = tpu.memref_squeeze %dma_start3A_775 : memref<1x!tpu.dma_semaphore, #tpu.memory_space<semaphore_mem>> -> memref<!tpu.dma_semaphore, #tpu.memory_space<semaphore_mem>>
        %dma_start3A_777 = arith.constant 0 : i32
        %dma_start3A_778 = arith.constant 0 : i32
        %dma_start3A_779 = tpu.memref_slice %arg5[%dma_start3A_766, %dma_start3A_777, %dma_start3A_778] : memref<8x8x1024xf32, #tpu.memory_space<vmem>> -> memref<1x8x1024xf32, #tpu.memory_space<vmem>>
        %dma_start3A_780 = tpu.memref_squeeze %dma_start3A_779 : memref<1x8x1024xf32, #tpu.memory_space<vmem>> -> memref<8x1024xf32, #tpu.memory_space<vmem>>
        %dma_start3A_781 = arith.constant 0 : i32
        %dma_start3A_782 = tpu.memref_slice %arg2[%dma_start3A_765, %add3A_764, %dma_start3A_781] : memref<4x8192x1024xf32, #tpu.memory_space<hbm>> -> memref<1x8x1024xf32, #tpu.memory_space<hbm>>
        %dma_start3A_783 = tpu.memref_squeeze %dma_start3A_782 : memref<1x8x1024xf32, #tpu.memory_space<hbm>> -> memref<8x1024xf32, #tpu.memory_space<hbm>>
        tpu.enqueue_dma source(%dma_start3A_783 : memref<8x1024xf32, #tpu.memory_space<hbm>>) target(%dma_start3A_780 : memref<8x1024xf32, #tpu.memory_space<vmem>>) target_semaphore(%dma_start3A_776 : memref<!tpu.dma_semaphore, #tpu.memory_space<semaphore_mem>>)
      } else {
      }
      %dma_wait3A_603 = arith.constant 0 : i32
      %dma_wait3A_604 = arith.constant 5 : i32
      %dma_wait3A_605 = arith.constant 5 : i32
      %dma_wait3A_606 = arith.constant 0 : i32
      %dma_wait3A_607 = arith.constant 0 : i32
      %dma_wait3A_608 = tpu.memref_slice %arg5[%dma_wait3A_604, %dma_wait3A_606, %dma_wait3A_607] : memref<8x8x1024xf32, #tpu.memory_space<vmem>> -> memref<1x8x1024xf32, #tpu.memory_space<vmem>>
      %dma_wait3A_609 = tpu.memref_squeeze %dma_wait3A_608 : memref<1x8x1024xf32, #tpu.memory_space<vmem>> -> memref<8x1024xf32, #tpu.memory_space<vmem>>
      %dma_wait3A_610 = arith.constant 0 : i32
      %dma_wait3A_611 = arith.constant 0 : i32
      %dma_wait3A_612 = tpu.memref_slice %arg2[%dma_wait3A_603, %dma_wait3A_610, %dma_wait3A_611] : memref<4x8192x1024xf32, #tpu.memory_space<hbm>> -> memref<1x8x1024xf32, #tpu.memory_space<hbm>>
      %dma_wait3A_613 = tpu.memref_squeeze %dma_wait3A_612 : memref<1x8x1024xf32, #tpu.memory_space<hbm>> -> memref<8x1024xf32, #tpu.memory_space<hbm>>
      %dma_wait3A_614 = tpu.memref_slice %arg7[%dma_wait3A_605] : memref<8x!tpu.dma_semaphore, #tpu.memory_space<semaphore_mem>> -> memref<1x!tpu.dma_semaphore, #tpu.memory_space<semaphore_mem>>
      %dma_wait3A_615 = tpu.memref_squeeze %dma_wait3A_614 : memref<1x!tpu.dma_semaphore, #tpu.memory_space<semaphore_mem>> -> memref<!tpu.dma_semaphore, #tpu.memory_space<semaphore_mem>>
      %dma_wait3A_616 = arith.constant 0 : i32
      %dma_wait3A_617 = arith.constant 0 : i32
      %dma_wait3A_618 = tpu.memref_slice %arg5[%dma_wait3A_604, %dma_wait3A_616, %dma_wait3A_617] : memref<8x8x1024xf32, #tpu.memory_space<vmem>> -> memref<1x8x1024xf32, #tpu.memory_space<vmem>>
      %dma_wait3A_619 = tpu.memref_squeeze %dma_wait3A_618 : memref<1x8x1024xf32, #tpu.memory_space<vmem>> -> memref<8x1024xf32, #tpu.memory_space<vmem>>
      %dma_wait3A_620 = arith.constant 0 : i32
      %dma_wait3A_621 = arith.constant 0 : i32
      %dma_wait3A_622 = tpu.memref_slice %arg2[%dma_wait3A_603, %dma_wait3A_620, %dma_wait3A_621] : memref<4x8192x1024xf32, #tpu.memory_space<hbm>> -> memref<1x8x1024xf32, #tpu.memory_space<hbm>>
      %dma_wait3A_623 = tpu.memref_squeeze %dma_wait3A_622 : memref<1x8x1024xf32, #tpu.memory_space<hbm>> -> memref<8x1024xf32, #tpu.memory_space<hbm>>
      tpu.wait_dma2 semaphore(%dma_wait3A_615 : memref<!tpu.dma_semaphore, #tpu.memory_space<semaphore_mem>>) src(%dma_wait3A_623 : memref<8x1024xf32, #tpu.memory_space<hbm>>) dst(%dma_wait3A_619 : memref<8x1024xf32, #tpu.memory_space<vmem>>)
      %parallel_loop3A_624 = arith.constant 0 : i32
      %parallel_loop3A_625 = arith.constant 512 : i32
      %parallel_loop3A_626 = arith.constant 1 : i32
      scf.for %parallel_loop3A_756 = %parallel_loop3A_624 to %parallel_loop3A_625 step %parallel_loop3A_626  : i32 {
        %parallel_loop3A_757 = arith.constant 64 : i32
        %parallel_loop3A_758 = arith.divsi %parallel_loop3A_756, %parallel_loop3A_757 : i32
        %parallel_loop3A_759 = arith.constant 0 : i32
        %parallel_loop3A_760 = arith.cmpi sgt, %parallel_loop3A_756, %parallel_loop3A_759 : i32
        %parallel_loop3A_761 = arith.extui %parallel_loop3A_760 : i1 to i32
        %parallel_loop3A_762 = arith.constant 0 : i32
        %parallel_loop3A_763 = arith.cmpi slt, %parallel_loop3A_756, %parallel_loop3A_762 : i32
        %parallel_loop3A_764 = arith.extui %parallel_loop3A_763 : i1 to i32
        %parallel_loop3A_765 = arith.subi %parallel_loop3A_761, %parallel_loop3A_764 : i32
        %parallel_loop3A_766 = arith.constant 0 : i32
        %parallel_loop3A_767 = arith.cmpi sgt, %parallel_loop3A_757, %parallel_loop3A_766 : i32
        %parallel_loop3A_768 = arith.extui %parallel_loop3A_767 : i1 to i32
        %parallel_loop3A_769 = arith.constant 0 : i32
        %parallel_loop3A_770 = arith.cmpi slt, %parallel_loop3A_757, %parallel_loop3A_769 : i32
        %parallel_loop3A_771 = arith.extui %parallel_loop3A_770 : i1 to i32
        %parallel_loop3A_772 = arith.subi %parallel_loop3A_768, %parallel_loop3A_771 : i32
        %parallel_loop3A_773 = arith.cmpi ne, %parallel_loop3A_765, %parallel_loop3A_772 : i32
        %parallel_loop3A_774 = arith.remsi %parallel_loop3A_756, %parallel_loop3A_757 : i32
        %parallel_loop3A_775 = arith.constant 0 : i32
        %parallel_loop3A_776 = arith.cmpi ne, %parallel_loop3A_774, %parallel_loop3A_775 : i32
        %parallel_loop3A_777 = arith.andi %parallel_loop3A_773, %parallel_loop3A_776 : i1
        %parallel_loop3A_778 = arith.constant 1 : i32
        %parallel_loop3A_779 = arith.subi %parallel_loop3A_758, %parallel_loop3A_778 : i32
        %parallel_loop3A_780 = arith.select %parallel_loop3A_777, %parallel_loop3A_779, %parallel_loop3A_758 : i32
        %parallel_loop3A_781 = arith.constant 64 : i32
        %parallel_loop3A_782 = arith.constant 0 : i32
        %parallel_loop3A_783 = arith.cmpi eq, %parallel_loop3A_781, %parallel_loop3A_782 : i32
        %parallel_loop3A_784 = arith.constant 1 : i32
        %parallel_loop3A_785 = arith.select %parallel_loop3A_783, %parallel_loop3A_784, %parallel_loop3A_781 : i32
        %parallel_loop3A_786 = arith.remsi %parallel_loop3A_756, %parallel_loop3A_785 : i32
        %parallel_loop3A_787 = arith.constant 0 : i32
        %parallel_loop3A_788 = arith.cmpi ne, %parallel_loop3A_786, %parallel_loop3A_787 : i32
        %parallel_loop3A_789 = arith.constant 0 : i32
        %parallel_loop3A_790 = arith.cmpi slt, %parallel_loop3A_786, %parallel_loop3A_789 : i32
        %parallel_loop3A_791 = arith.constant 0 : i32
        %parallel_loop3A_792 = arith.cmpi slt, %parallel_loop3A_785, %parallel_loop3A_791 : i32
        %parallel_loop3A_793 = arith.xori %parallel_loop3A_790, %parallel_loop3A_792 : i1
        %parallel_loop3A_794 = arith.andi %parallel_loop3A_793, %parallel_loop3A_788 : i1
        %parallel_loop3A_795 = arith.addi %parallel_loop3A_786, %parallel_loop3A_785 : i32
        %parallel_loop3A_796 = arith.select %parallel_loop3A_794, %parallel_loop3A_795, %parallel_loop3A_786 : i32
        %parallel_loop3A_797 = arith.constant 16 : i32
        %parallel_loop3A_798 = arith.muli %parallel_loop3A_796, %parallel_loop3A_797 : i32
        %parallel_loop3A_799 = arith.constant 1 : i32
        %parallel_loop3A_800 = arith.index_cast %parallel_loop3A_799 : i32 to index
        %parallel_loop3A_801 = arith.index_cast %parallel_loop3A_780 : i32 to index
        %parallel_loop3A_802 = arith.index_cast %parallel_loop3A_798 : i32 to index
        %parallel_loop3A_803 = tpu.vector_load %arg6[%parallel_loop3A_800, %parallel_loop3A_801, %parallel_loop3A_802] {strides = array<i32>} : memref<2x8x1024xf32, #tpu.memory_space<vmem>>, vector<1x1x16xf32>,
        %parallel_loop3A_804 = vector.shape_cast %parallel_loop3A_803 : vector<1x1x16xf32> to vector<16xf32>
        %parallel_loop3A_805 = arith.constant 5 : i32
        %parallel_loop3A_806 = arith.constant 0 : i32
        %parallel_loop3A_807 = arith.constant 0 : i32
        %parallel_loop3A_808 = tpu.memref_slice %arg5[%parallel_loop3A_805, %parallel_loop3A_806, %parallel_loop3A_807] : memref<8x8x1024xf32, #tpu.memory_space<vmem>> -> memref<1x8x1024xf32, #tpu.memory_space<vmem>>
        %parallel_loop3A_809 = tpu.memref_squeeze %parallel_loop3A_808 : memref<1x8x1024xf32, #tpu.memory_space<vmem>> -> memref<8x1024xf32, #tpu.memory_space<vmem>>
        %parallel_loop3A_810 = arith.constant 0 : i32
        %parallel_loop3A_811 = tpu.memref_slice %parallel_loop3A_809[%parallel_loop3A_780, %parallel_loop3A_810] : memref<8x1024xf32, #tpu.memory_space<vmem>> -> memref<1x1024xf32, #tpu.memory_space<vmem>>
        %parallel_loop3A_812 = tpu.memref_squeeze %parallel_loop3A_811 : memref<1x1024xf32, #tpu.memory_space<vmem>> -> memref<1024xf32, #tpu.memory_space<vmem>>
        %parallel_loop3A_813 = arith.index_cast %parallel_loop3A_798 : i32 to index
        %parallel_loop3A_814 = tpu.vector_load %parallel_loop3A_812[%parallel_loop3A_813] {strides = array<i32>} : memref<1024xf32, #tpu.memory_space<vmem>>, vector<16xf32>,
        %parallel_loop3A_815 = vector.shape_cast %parallel_loop3A_814 : vector<16xf32> to vector<16xf32>
        %parallel_loop3A_816 = vector.shape_cast %parallel_loop3A_804 : vector<16xf32> to vector<16xf32>
        tpu.vector_store %parallel_loop3A_812[%parallel_loop3A_813], %parallel_loop3A_816 {add = true, strides = array<i32>} : memref<1024xf32, #tpu.memory_space<vmem>>, vector<16xf32>,
      } {sc.loop_unroll_factor = 16 : i64, sc.parallel_access}
      %mul3A_627 = arith.constant 8 : i32
      %mul3A_628 = arith.muli %add3A_528, %mul3A_627 : i32
      %add3A_629 = arith.addi %mul3A_2, %mul3A_628 : i32
      %dma_start3A_630 = arith.constant 5 : i32
      %dma_start3A_631 = arith.constant 1 : i32
      %dma_start3A_632 = arith.constant 5 : i32
      %dma_start3A_633 = arith.constant 0 : i32
      %dma_start3A_634 = arith.constant 0 : i32
      %dma_start3A_635 = tpu.memref_slice %arg5[%dma_start3A_630, %dma_start3A_633, %dma_start3A_634] : memref<8x8x1024xf32, #tpu.memory_space<vmem>> -> memref<1x8x1024xf32, #tpu.memory_space<vmem>>
      %dma_start3A_636 = tpu.memref_squeeze %dma_start3A_635 : memref<1x8x1024xf32, #tpu.memory_space<vmem>> -> memref<8x1024xf32, #tpu.memory_space<vmem>>
      %dma_start3A_637 = arith.constant 0 : i32
      %dma_start3A_638 = tpu.memref_slice %arg4[%dma_start3A_631, %add3A_629, %dma_start3A_637] : memref<4x8192x1024xf32, #tpu.memory_space<hbm>> -> memref<1x8x1024xf32, #tpu.memory_space<hbm>>
      %dma_start3A_639 = tpu.memref_squeeze %dma_start3A_638 : memref<1x8x1024xf32, #tpu.memory_space<hbm>> -> memref<8x1024xf32, #tpu.memory_space<hbm>>
      %dma_start3A_640 = tpu.memref_slice %arg8[%dma_start3A_632] : memref<8x!tpu.dma_semaphore, #tpu.memory_space<semaphore_mem>> -> memref<1x!tpu.dma_semaphore, #tpu.memory_space<semaphore_mem>>
      %dma_start3A_641 = tpu.memref_squeeze %dma_start3A_640 : memref<1x!tpu.dma_semaphore, #tpu.memory_space<semaphore_mem>> -> memref<!tpu.dma_semaphore, #tpu.memory_space<semaphore_mem>>
      %dma_start3A_642 = arith.constant 0 : i32
      %dma_start3A_643 = tpu.memref_slice %arg4[%dma_start3A_631, %add3A_629, %dma_start3A_642] : memref<4x8192x1024xf32, #tpu.memory_space<hbm>> -> memref<1x8x1024xf32, #tpu.memory_space<hbm>>
      %dma_start3A_644 = tpu.memref_squeeze %dma_start3A_643 : memref<1x8x1024xf32, #tpu.memory_space<hbm>> -> memref<8x1024xf32, #tpu.memory_space<hbm>>
      %dma_start3A_645 = arith.constant 0 : i32
      %dma_start3A_646 = arith.constant 0 : i32
      %dma_start3A_647 = tpu.memref_slice %arg5[%dma_start3A_630, %dma_start3A_645, %dma_start3A_646] : memref<8x8x1024xf32, #tpu.memory_space<vmem>> -> memref<1x8x1024xf32, #tpu.memory_space<vmem>>
      %dma_start3A_648 = tpu.memref_squeeze %dma_start3A_647 : memref<1x8x1024xf32, #tpu.memory_space<vmem>> -> memref<8x1024xf32, #tpu.memory_space<vmem>>
      tpu.enqueue_dma source(%dma_start3A_648 : memref<8x1024xf32, #tpu.memory_space<vmem>>) target(%dma_start3A_644 : memref<8x1024xf32, #tpu.memory_space<hbm>>) target_semaphore(%dma_start3A_641 : memref<!tpu.dma_semaphore, #tpu.memory_space<semaphore_mem>>)
      %lt3A_649 = arith.constant 31 : i32
      %lt3A_650 = arith.cmpi slt, %add3A_528, %lt3A_649 : i32
      %convert_element_type3A_651 = arith.extui %lt3A_650 : i1 to i32
      %cond3A_652 = arith.constant 0 : i32
      %cond3A_653 = arith.cmpi ne, %convert_element_type3A_651, %cond3A_652 : i32
      scf.if %cond3A_653 {
        %ge3A = arith.constant 1 : i32
        %ge3A_756 = arith.cmpi sge, %add3A_528, %ge3A : i32
        %convert_element_type3A_757 = arith.extui %ge3A_756 : i1 to i32
        %cond3A_758 = arith.constant 0 : i32
        %cond3A_759 = arith.cmpi ne, %convert_element_type3A_757, %cond3A_758 : i32
        scf.if %cond3A_759 {
          %dma_wait3A_784 = arith.constant 2 : i32
          %dma_wait3A_785 = arith.constant 0 : i32
          %dma_wait3A_786 = arith.constant 2 : i32
          %dma_wait3A_787 = arith.constant 0 : i32
          %dma_wait3A_788 = arith.constant 0 : i32
          %dma_wait3A_789 = tpu.memref_slice %arg5[%dma_wait3A_784, %dma_wait3A_787, %dma_wait3A_788] : memref<8x8x1024xf32, #tpu.memory_space<vmem>> -> memref<1x8x1024xf32, #tpu.memory_space<vmem>>
          %dma_wait3A_790 = tpu.memref_squeeze %dma_wait3A_789 : memref<1x8x1024xf32, #tpu.memory_space<vmem>> -> memref<8x1024xf32, #tpu.memory_space<vmem>>
          %dma_wait3A_791 = arith.constant 0 : i32
          %dma_wait3A_792 = arith.constant 0 : i32
          %dma_wait3A_793 = tpu.memref_slice %arg4[%dma_wait3A_785, %dma_wait3A_791, %dma_wait3A_792] : memref<4x8192x1024xf32, #tpu.memory_space<hbm>> -> memref<1x8x1024xf32, #tpu.memory_space<hbm>>
          %dma_wait3A_794 = tpu.memref_squeeze %dma_wait3A_793 : memref<1x8x1024xf32, #tpu.memory_space<hbm>> -> memref<8x1024xf32, #tpu.memory_space<hbm>>
          %dma_wait3A_795 = tpu.memref_slice %arg8[%dma_wait3A_786] : memref<8x!tpu.dma_semaphore, #tpu.memory_space<semaphore_mem>> -> memref<1x!tpu.dma_semaphore, #tpu.memory_space<semaphore_mem>>
          %dma_wait3A_796 = tpu.memref_squeeze %dma_wait3A_795 : memref<1x!tpu.dma_semaphore, #tpu.memory_space<semaphore_mem>> -> memref<!tpu.dma_semaphore, #tpu.memory_space<semaphore_mem>>
          %dma_wait3A_797 = arith.constant 0 : i32
          %dma_wait3A_798 = arith.constant 0 : i32
          %dma_wait3A_799 = tpu.memref_slice %arg4[%dma_wait3A_785, %dma_wait3A_797, %dma_wait3A_798] : memref<4x8192x1024xf32, #tpu.memory_space<hbm>> -> memref<1x8x1024xf32, #tpu.memory_space<hbm>>
          %dma_wait3A_800 = tpu.memref_squeeze %dma_wait3A_799 : memref<1x8x1024xf32, #tpu.memory_space<hbm>> -> memref<8x1024xf32, #tpu.memory_space<hbm>>
          %dma_wait3A_801 = arith.constant 0 : i32
          %dma_wait3A_802 = arith.constant 0 : i32
          %dma_wait3A_803 = tpu.memref_slice %arg5[%dma_wait3A_784, %dma_wait3A_801, %dma_wait3A_802] : memref<8x8x1024xf32, #tpu.memory_space<vmem>> -> memref<1x8x1024xf32, #tpu.memory_space<vmem>>
          %dma_wait3A_804 = tpu.memref_squeeze %dma_wait3A_803 : memref<1x8x1024xf32, #tpu.memory_space<vmem>> -> memref<8x1024xf32, #tpu.memory_space<vmem>>
          tpu.wait_dma2 semaphore(%dma_wait3A_796 : memref<!tpu.dma_semaphore, #tpu.memory_space<semaphore_mem>>) src(%dma_wait3A_804 : memref<8x1024xf32, #tpu.memory_space<vmem>>) dst(%dma_wait3A_800 : memref<8x1024xf32, #tpu.memory_space<hbm>>)
        } else {
        }
        %add3A_760 = arith.constant 1 : i32
        %add3A_761 = arith.addi %add3A_528, %add3A_760 : i32
        %mul3A_762 = arith.constant 8 : i32
        %mul3A_763 = arith.muli %add3A_761, %mul3A_762 : i32
        %add3A_764 = arith.addi %mul3A_2, %mul3A_763 : i32
        %dma_start3A_765 = arith.constant 2 : i32
        %dma_start3A_766 = arith.constant 2 : i32
        %dma_start3A_767 = arith.constant 2 : i32
        %dma_start3A_768 = arith.constant 0 : i32
        %dma_start3A_769 = arith.constant 0 : i32
        %dma_start3A_770 = tpu.memref_slice %arg5[%dma_start3A_766, %dma_start3A_768, %dma_start3A_769] : memref<8x8x1024xf32, #tpu.memory_space<vmem>> -> memref<1x8x1024xf32, #tpu.memory_space<vmem>>
        %dma_start3A_771 = tpu.memref_squeeze %dma_start3A_770 : memref<1x8x1024xf32, #tpu.memory_space<vmem>> -> memref<8x1024xf32, #tpu.memory_space<vmem>>
        %dma_start3A_772 = arith.constant 0 : i32
        %dma_start3A_773 = tpu.memref_slice %arg2[%dma_start3A_765, %add3A_764, %dma_start3A_772] : memref<4x8192x1024xf32, #tpu.memory_space<hbm>> -> memref<1x8x1024xf32, #tpu.memory_space<hbm>>
        %dma_start3A_774 = tpu.memref_squeeze %dma_start3A_773 : memref<1x8x1024xf32, #tpu.memory_space<hbm>> -> memref<8x1024xf32, #tpu.memory_space<hbm>>
        %dma_start3A_775 = tpu.memref_slice %arg7[%dma_start3A_767] : memref<8x!tpu.dma_semaphore, #tpu.memory_space<semaphore_mem>> -> memref<1x!tpu.dma_semaphore, #tpu.memory_space<semaphore_mem>>
        %dma_start3A_776 = tpu.memref_squeeze %dma_start3A_775 : memref<1x!tpu.dma_semaphore, #tpu.memory_space<semaphore_mem>> -> memref<!tpu.dma_semaphore, #tpu.memory_space<semaphore_mem>>
        %dma_start3A_777 = arith.constant 0 : i32
        %dma_start3A_778 = arith.constant 0 : i32
        %dma_start3A_779 = tpu.memref_slice %arg5[%dma_start3A_766, %dma_start3A_777, %dma_start3A_778] : memref<8x8x1024xf32, #tpu.memory_space<vmem>> -> memref<1x8x1024xf32, #tpu.memory_space<vmem>>
        %dma_start3A_780 = tpu.memref_squeeze %dma_start3A_779 : memref<1x8x1024xf32, #tpu.memory_space<vmem>> -> memref<8x1024xf32, #tpu.memory_space<vmem>>
        %dma_start3A_781 = arith.constant 0 : i32
        %dma_start3A_782 = tpu.memref_slice %arg2[%dma_start3A_765, %add3A_764, %dma_start3A_781] : memref<4x8192x1024xf32, #tpu.memory_space<hbm>> -> memref<1x8x1024xf32, #tpu.memory_space<hbm>>
        %dma_start3A_783 = tpu.memref_squeeze %dma_start3A_782 : memref<1x8x1024xf32, #tpu.memory_space<hbm>> -> memref<8x1024xf32, #tpu.memory_space<hbm>>
        tpu.enqueue_dma source(%dma_start3A_783 : memref<8x1024xf32, #tpu.memory_space<hbm>>) target(%dma_start3A_780 : memref<8x1024xf32, #tpu.memory_space<vmem>>) target_semaphore(%dma_start3A_776 : memref<!tpu.dma_semaphore, #tpu.memory_space<semaphore_mem>>)
      } else {
      }
      %dma_wait3A_654 = arith.constant 0 : i32
      %dma_wait3A_655 = arith.constant 6 : i32
      %dma_wait3A_656 = arith.constant 6 : i32
      %dma_wait3A_657 = arith.constant 0 : i32
      %dma_wait3A_658 = arith.constant 0 : i32
      %dma_wait3A_659 = tpu.memref_slice %arg5[%dma_wait3A_655, %dma_wait3A_657, %dma_wait3A_658] : memref<8x8x1024xf32, #tpu.memory_space<vmem>> -> memref<1x8x1024xf32, #tpu.memory_space<vmem>>
      %dma_wait3A_660 = tpu.memref_squeeze %dma_wait3A_659 : memref<1x8x1024xf32, #tpu.memory_space<vmem>> -> memref<8x1024xf32, #tpu.memory_space<vmem>>
      %dma_wait3A_661 = arith.constant 0 : i32
      %dma_wait3A_662 = arith.constant 0 : i32
      %dma_wait3A_663 = tpu.memref_slice %arg2[%dma_wait3A_654, %dma_wait3A_661, %dma_wait3A_662] : memref<4x8192x1024xf32, #tpu.memory_space<hbm>> -> memref<1x8x1024xf32, #tpu.memory_space<hbm>>
      %dma_wait3A_664 = tpu.memref_squeeze %dma_wait3A_663 : memref<1x8x1024xf32, #tpu.memory_space<hbm>> -> memref<8x1024xf32, #tpu.memory_space<hbm>>
      %dma_wait3A_665 = tpu.memref_slice %arg7[%dma_wait3A_656] : memref<8x!tpu.dma_semaphore, #tpu.memory_space<semaphore_mem>> -> memref<1x!tpu.dma_semaphore, #tpu.memory_space<semaphore_mem>>
      %dma_wait3A_666 = tpu.memref_squeeze %dma_wait3A_665 : memref<1x!tpu.dma_semaphore, #tpu.memory_space<semaphore_mem>> -> memref<!tpu.dma_semaphore, #tpu.memory_space<semaphore_mem>>
      %dma_wait3A_667 = arith.constant 0 : i32
      %dma_wait3A_668 = arith.constant 0 : i32
      %dma_wait3A_669 = tpu.memref_slice %arg5[%dma_wait3A_655, %dma_wait3A_667, %dma_wait3A_668] : memref<8x8x1024xf32, #tpu.memory_space<vmem>> -> memref<1x8x1024xf32, #tpu.memory_space<vmem>>
      %dma_wait3A_670 = tpu.memref_squeeze %dma_wait3A_669 : memref<1x8x1024xf32, #tpu.memory_space<vmem>> -> memref<8x1024xf32, #tpu.memory_space<vmem>>
      %dma_wait3A_671 = arith.constant 0 : i32
      %dma_wait3A_672 = arith.constant 0 : i32
      %dma_wait3A_673 = tpu.memref_slice %arg2[%dma_wait3A_654, %dma_wait3A_671, %dma_wait3A_672] : memref<4x8192x1024xf32, #tpu.memory_space<hbm>> -> memref<1x8x1024xf32, #tpu.memory_space<hbm>>
      %dma_wait3A_674 = tpu.memref_squeeze %dma_wait3A_673 : memref<1x8x1024xf32, #tpu.memory_space<hbm>> -> memref<8x1024xf32, #tpu.memory_space<hbm>>
      tpu.wait_dma2 semaphore(%dma_wait3A_666 : memref<!tpu.dma_semaphore, #tpu.memory_space<semaphore_mem>>) src(%dma_wait3A_674 : memref<8x1024xf32, #tpu.memory_space<hbm>>) dst(%dma_wait3A_670 : memref<8x1024xf32, #tpu.memory_space<vmem>>)
      %parallel_loop3A_675 = arith.constant 0 : i32
      %parallel_loop3A_676 = arith.constant 512 : i32
      %parallel_loop3A_677 = arith.constant 1 : i32
      scf.for %parallel_loop3A_756 = %parallel_loop3A_675 to %parallel_loop3A_676 step %parallel_loop3A_677  : i32 {
        %parallel_loop3A_757 = arith.constant 64 : i32
        %parallel_loop3A_758 = arith.divsi %parallel_loop3A_756, %parallel_loop3A_757 : i32
        %parallel_loop3A_759 = arith.constant 0 : i32
        %parallel_loop3A_760 = arith.cmpi sgt, %parallel_loop3A_756, %parallel_loop3A_759 : i32
        %parallel_loop3A_761 = arith.extui %parallel_loop3A_760 : i1 to i32
        %parallel_loop3A_762 = arith.constant 0 : i32
        %parallel_loop3A_763 = arith.cmpi slt, %parallel_loop3A_756, %parallel_loop3A_762 : i32
        %parallel_loop3A_764 = arith.extui %parallel_loop3A_763 : i1 to i32
        %parallel_loop3A_765 = arith.subi %parallel_loop3A_761, %parallel_loop3A_764 : i32
        %parallel_loop3A_766 = arith.constant 0 : i32
        %parallel_loop3A_767 = arith.cmpi sgt, %parallel_loop3A_757, %parallel_loop3A_766 : i32
        %parallel_loop3A_768 = arith.extui %parallel_loop3A_767 : i1 to i32
        %parallel_loop3A_769 = arith.constant 0 : i32
        %parallel_loop3A_770 = arith.cmpi slt, %parallel_loop3A_757, %parallel_loop3A_769 : i32
        %parallel_loop3A_771 = arith.extui %parallel_loop3A_770 : i1 to i32
        %parallel_loop3A_772 = arith.subi %parallel_loop3A_768, %parallel_loop3A_771 : i32
        %parallel_loop3A_773 = arith.cmpi ne, %parallel_loop3A_765, %parallel_loop3A_772 : i32
        %parallel_loop3A_774 = arith.remsi %parallel_loop3A_756, %parallel_loop3A_757 : i32
        %parallel_loop3A_775 = arith.constant 0 : i32
        %parallel_loop3A_776 = arith.cmpi ne, %parallel_loop3A_774, %parallel_loop3A_775 : i32
        %parallel_loop3A_777 = arith.andi %parallel_loop3A_773, %parallel_loop3A_776 : i1
        %parallel_loop3A_778 = arith.constant 1 : i32
        %parallel_loop3A_779 = arith.subi %parallel_loop3A_758, %parallel_loop3A_778 : i32
        %parallel_loop3A_780 = arith.select %parallel_loop3A_777, %parallel_loop3A_779, %parallel_loop3A_758 : i32
        %parallel_loop3A_781 = arith.constant 64 : i32
        %parallel_loop3A_782 = arith.constant 0 : i32
        %parallel_loop3A_783 = arith.cmpi eq, %parallel_loop3A_781, %parallel_loop3A_782 : i32
        %parallel_loop3A_784 = arith.constant 1 : i32
        %parallel_loop3A_785 = arith.select %parallel_loop3A_783, %parallel_loop3A_784, %parallel_loop3A_781 : i32
        %parallel_loop3A_786 = arith.remsi %parallel_loop3A_756, %parallel_loop3A_785 : i32
        %parallel_loop3A_787 = arith.constant 0 : i32
        %parallel_loop3A_788 = arith.cmpi ne, %parallel_loop3A_786, %parallel_loop3A_787 : i32
        %parallel_loop3A_789 = arith.constant 0 : i32
        %parallel_loop3A_790 = arith.cmpi slt, %parallel_loop3A_786, %parallel_loop3A_789 : i32
        %parallel_loop3A_791 = arith.constant 0 : i32
        %parallel_loop3A_792 = arith.cmpi slt, %parallel_loop3A_785, %parallel_loop3A_791 : i32
        %parallel_loop3A_793 = arith.xori %parallel_loop3A_790, %parallel_loop3A_792 : i1
        %parallel_loop3A_794 = arith.andi %parallel_loop3A_793, %parallel_loop3A_788 : i1
        %parallel_loop3A_795 = arith.addi %parallel_loop3A_786, %parallel_loop3A_785 : i32
        %parallel_loop3A_796 = arith.select %parallel_loop3A_794, %parallel_loop3A_795, %parallel_loop3A_786 : i32
        %parallel_loop3A_797 = arith.constant 16 : i32
        %parallel_loop3A_798 = arith.muli %parallel_loop3A_796, %parallel_loop3A_797 : i32
        %parallel_loop3A_799 = arith.constant 1 : i32
        %parallel_loop3A_800 = arith.index_cast %parallel_loop3A_799 : i32 to index
        %parallel_loop3A_801 = arith.index_cast %parallel_loop3A_780 : i32 to index
        %parallel_loop3A_802 = arith.index_cast %parallel_loop3A_798 : i32 to index
        %parallel_loop3A_803 = tpu.vector_load %arg6[%parallel_loop3A_800, %parallel_loop3A_801, %parallel_loop3A_802] {strides = array<i32>} : memref<2x8x1024xf32, #tpu.memory_space<vmem>>, vector<1x1x16xf32>,
        %parallel_loop3A_804 = vector.shape_cast %parallel_loop3A_803 : vector<1x1x16xf32> to vector<16xf32>
        %parallel_loop3A_805 = arith.constant 6 : i32
        %parallel_loop3A_806 = arith.constant 0 : i32
        %parallel_loop3A_807 = arith.constant 0 : i32
        %parallel_loop3A_808 = tpu.memref_slice %arg5[%parallel_loop3A_805, %parallel_loop3A_806, %parallel_loop3A_807] : memref<8x8x1024xf32, #tpu.memory_space<vmem>> -> memref<1x8x1024xf32, #tpu.memory_space<vmem>>
        %parallel_loop3A_809 = tpu.memref_squeeze %parallel_loop3A_808 : memref<1x8x1024xf32, #tpu.memory_space<vmem>> -> memref<8x1024xf32, #tpu.memory_space<vmem>>
        %parallel_loop3A_810 = arith.constant 0 : i32
        %parallel_loop3A_811 = tpu.memref_slice %parallel_loop3A_809[%parallel_loop3A_780, %parallel_loop3A_810] : memref<8x1024xf32, #tpu.memory_space<vmem>> -> memref<1x1024xf32, #tpu.memory_space<vmem>>
        %parallel_loop3A_812 = tpu.memref_squeeze %parallel_loop3A_811 : memref<1x1024xf32, #tpu.memory_space<vmem>> -> memref<1024xf32, #tpu.memory_space<vmem>>
        %parallel_loop3A_813 = arith.index_cast %parallel_loop3A_798 : i32 to index
        %parallel_loop3A_814 = tpu.vector_load %parallel_loop3A_812[%parallel_loop3A_813] {strides = array<i32>} : memref<1024xf32, #tpu.memory_space<vmem>>, vector<16xf32>,
        %parallel_loop3A_815 = vector.shape_cast %parallel_loop3A_814 : vector<16xf32> to vector<16xf32>
        %parallel_loop3A_816 = vector.shape_cast %parallel_loop3A_804 : vector<16xf32> to vector<16xf32>
        tpu.vector_store %parallel_loop3A_812[%parallel_loop3A_813], %parallel_loop3A_816 {add = true, strides = array<i32>} : memref<1024xf32, #tpu.memory_space<vmem>>, vector<16xf32>,
      } {sc.loop_unroll_factor = 16 : i64, sc.parallel_access}
      %mul3A_678 = arith.constant 8 : i32
      %mul3A_679 = arith.muli %add3A_528, %mul3A_678 : i32
      %add3A_680 = arith.addi %mul3A_2, %mul3A_679 : i32
      %dma_start3A_681 = arith.constant 6 : i32
      %dma_start3A_682 = arith.constant 2 : i32
      %dma_start3A_683 = arith.constant 6 : i32
      %dma_start3A_684 = arith.constant 0 : i32
      %dma_start3A_685 = arith.constant 0 : i32
      %dma_start3A_686 = tpu.memref_slice %arg5[%dma_start3A_681, %dma_start3A_684, %dma_start3A_685] : memref<8x8x1024xf32, #tpu.memory_space<vmem>> -> memref<1x8x1024xf32, #tpu.memory_space<vmem>>
      %dma_start3A_687 = tpu.memref_squeeze %dma_start3A_686 : memref<1x8x1024xf32, #tpu.memory_space<vmem>> -> memref<8x1024xf32, #tpu.memory_space<vmem>>
      %dma_start3A_688 = arith.constant 0 : i32
      %dma_start3A_689 = tpu.memref_slice %arg4[%dma_start3A_682, %add3A_680, %dma_start3A_688] : memref<4x8192x1024xf32, #tpu.memory_space<hbm>> -> memref<1x8x1024xf32, #tpu.memory_space<hbm>>
      %dma_start3A_690 = tpu.memref_squeeze %dma_start3A_689 : memref<1x8x1024xf32, #tpu.memory_space<hbm>> -> memref<8x1024xf32, #tpu.memory_space<hbm>>
      %dma_start3A_691 = tpu.memref_slice %arg8[%dma_start3A_683] : memref<8x!tpu.dma_semaphore, #tpu.memory_space<semaphore_mem>> -> memref<1x!tpu.dma_semaphore, #tpu.memory_space<semaphore_mem>>
      %dma_start3A_692 = tpu.memref_squeeze %dma_start3A_691 : memref<1x!tpu.dma_semaphore, #tpu.memory_space<semaphore_mem>> -> memref<!tpu.dma_semaphore, #tpu.memory_space<semaphore_mem>>
      %dma_start3A_693 = arith.constant 0 : i32
      %dma_start3A_694 = tpu.memref_slice %arg4[%dma_start3A_682, %add3A_680, %dma_start3A_693] : memref<4x8192x1024xf32, #tpu.memory_space<hbm>> -> memref<1x8x1024xf32, #tpu.memory_space<hbm>>
      %dma_start3A_695 = tpu.memref_squeeze %dma_start3A_694 : memref<1x8x1024xf32, #tpu.memory_space<hbm>> -> memref<8x1024xf32, #tpu.memory_space<hbm>>
      %dma_start3A_696 = arith.constant 0 : i32
      %dma_start3A_697 = arith.constant 0 : i32
      %dma_start3A_698 = tpu.memref_slice %arg5[%dma_start3A_681, %dma_start3A_696, %dma_start3A_697] : memref<8x8x1024xf32, #tpu.memory_space<vmem>> -> memref<1x8x1024xf32, #tpu.memory_space<vmem>>
      %dma_start3A_699 = tpu.memref_squeeze %dma_start3A_698 : memref<1x8x1024xf32, #tpu.memory_space<vmem>> -> memref<8x1024xf32, #tpu.memory_space<vmem>>
      tpu.enqueue_dma source(%dma_start3A_699 : memref<8x1024xf32, #tpu.memory_space<vmem>>) target(%dma_start3A_695 : memref<8x1024xf32, #tpu.memory_space<hbm>>) target_semaphore(%dma_start3A_692 : memref<!tpu.dma_semaphore, #tpu.memory_space<semaphore_mem>>)
      %lt3A_700 = arith.constant 31 : i32
      %lt3A_701 = arith.cmpi slt, %add3A_528, %lt3A_700 : i32
      %convert_element_type3A_702 = arith.extui %lt3A_701 : i1 to i32
      %cond3A_703 = arith.constant 0 : i32
      %cond3A_704 = arith.cmpi ne, %convert_element_type3A_702, %cond3A_703 : i32
      scf.if %cond3A_704 {
        %ge3A = arith.constant 1 : i32
        %ge3A_756 = arith.cmpi sge, %add3A_528, %ge3A : i32
        %convert_element_type3A_757 = arith.extui %ge3A_756 : i1 to i32
        %cond3A_758 = arith.constant 0 : i32
        %cond3A_759 = arith.cmpi ne, %convert_element_type3A_757, %cond3A_758 : i32
        scf.if %cond3A_759 {
          %dma_wait3A_784 = arith.constant 3 : i32
          %dma_wait3A_785 = arith.constant 0 : i32
          %dma_wait3A_786 = arith.constant 3 : i32
          %dma_wait3A_787 = arith.constant 0 : i32
          %dma_wait3A_788 = arith.constant 0 : i32
          %dma_wait3A_789 = tpu.memref_slice %arg5[%dma_wait3A_784, %dma_wait3A_787, %dma_wait3A_788] : memref<8x8x1024xf32, #tpu.memory_space<vmem>> -> memref<1x8x1024xf32, #tpu.memory_space<vmem>>
          %dma_wait3A_790 = tpu.memref_squeeze %dma_wait3A_789 : memref<1x8x1024xf32, #tpu.memory_space<vmem>> -> memref<8x1024xf32, #tpu.memory_space<vmem>>
          %dma_wait3A_791 = arith.constant 0 : i32
          %dma_wait3A_792 = arith.constant 0 : i32
          %dma_wait3A_793 = tpu.memref_slice %arg4[%dma_wait3A_785, %dma_wait3A_791, %dma_wait3A_792] : memref<4x8192x1024xf32, #tpu.memory_space<hbm>> -> memref<1x8x1024xf32, #tpu.memory_space<hbm>>
          %dma_wait3A_794 = tpu.memref_squeeze %dma_wait3A_793 : memref<1x8x1024xf32, #tpu.memory_space<hbm>> -> memref<8x1024xf32, #tpu.memory_space<hbm>>
          %dma_wait3A_795 = tpu.memref_slice %arg8[%dma_wait3A_786] : memref<8x!tpu.dma_semaphore, #tpu.memory_space<semaphore_mem>> -> memref<1x!tpu.dma_semaphore, #tpu.memory_space<semaphore_mem>>
          %dma_wait3A_796 = tpu.memref_squeeze %dma_wait3A_795 : memref<1x!tpu.dma_semaphore, #tpu.memory_space<semaphore_mem>> -> memref<!tpu.dma_semaphore, #tpu.memory_space<semaphore_mem>>
          %dma_wait3A_797 = arith.constant 0 : i32
          %dma_wait3A_798 = arith.constant 0 : i32
          %dma_wait3A_799 = tpu.memref_slice %arg4[%dma_wait3A_785, %dma_wait3A_797, %dma_wait3A_798] : memref<4x8192x1024xf32, #tpu.memory_space<hbm>> -> memref<1x8x1024xf32, #tpu.memory_space<hbm>>
          %dma_wait3A_800 = tpu.memref_squeeze %dma_wait3A_799 : memref<1x8x1024xf32, #tpu.memory_space<hbm>> -> memref<8x1024xf32, #tpu.memory_space<hbm>>
          %dma_wait3A_801 = arith.constant 0 : i32
          %dma_wait3A_802 = arith.constant 0 : i32
          %dma_wait3A_803 = tpu.memref_slice %arg5[%dma_wait3A_784, %dma_wait3A_801, %dma_wait3A_802] : memref<8x8x1024xf32, #tpu.memory_space<vmem>> -> memref<1x8x1024xf32, #tpu.memory_space<vmem>>
          %dma_wait3A_804 = tpu.memref_squeeze %dma_wait3A_803 : memref<1x8x1024xf32, #tpu.memory_space<vmem>> -> memref<8x1024xf32, #tpu.memory_space<vmem>>
          tpu.wait_dma2 semaphore(%dma_wait3A_796 : memref<!tpu.dma_semaphore, #tpu.memory_space<semaphore_mem>>) src(%dma_wait3A_804 : memref<8x1024xf32, #tpu.memory_space<vmem>>) dst(%dma_wait3A_800 : memref<8x1024xf32, #tpu.memory_space<hbm>>)
        } else {
        }
        %add3A_760 = arith.constant 1 : i32
        %add3A_761 = arith.addi %add3A_528, %add3A_760 : i32
        %mul3A_762 = arith.constant 8 : i32
        %mul3A_763 = arith.muli %add3A_761, %mul3A_762 : i32
        %add3A_764 = arith.addi %mul3A_2, %mul3A_763 : i32
        %dma_start3A_765 = arith.constant 3 : i32
        %dma_start3A_766 = arith.constant 3 : i32
        %dma_start3A_767 = arith.constant 3 : i32
        %dma_start3A_768 = arith.constant 0 : i32
        %dma_start3A_769 = arith.constant 0 : i32
        %dma_start3A_770 = tpu.memref_slice %arg5[%dma_start3A_766, %dma_start3A_768, %dma_start3A_769] : memref<8x8x1024xf32, #tpu.memory_space<vmem>> -> memref<1x8x1024xf32, #tpu.memory_space<vmem>>
        %dma_start3A_771 = tpu.memref_squeeze %dma_start3A_770 : memref<1x8x1024xf32, #tpu.memory_space<vmem>> -> memref<8x1024xf32, #tpu.memory_space<vmem>>
        %dma_start3A_772 = arith.constant 0 : i32
        %dma_start3A_773 = tpu.memref_slice %arg2[%dma_start3A_765, %add3A_764, %dma_start3A_772] : memref<4x8192x1024xf32, #tpu.memory_space<hbm>> -> memref<1x8x1024xf32, #tpu.memory_space<hbm>>
        %dma_start3A_774 = tpu.memref_squeeze %dma_start3A_773 : memref<1x8x1024xf32, #tpu.memory_space<hbm>> -> memref<8x1024xf32, #tpu.memory_space<hbm>>
        %dma_start3A_775 = tpu.memref_slice %arg7[%dma_start3A_767] : memref<8x!tpu.dma_semaphore, #tpu.memory_space<semaphore_mem>> -> memref<1x!tpu.dma_semaphore, #tpu.memory_space<semaphore_mem>>
        %dma_start3A_776 = tpu.memref_squeeze %dma_start3A_775 : memref<1x!tpu.dma_semaphore, #tpu.memory_space<semaphore_mem>> -> memref<!tpu.dma_semaphore, #tpu.memory_space<semaphore_mem>>
        %dma_start3A_777 = arith.constant 0 : i32
        %dma_start3A_778 = arith.constant 0 : i32
        %dma_start3A_779 = tpu.memref_slice %arg5[%dma_start3A_766, %dma_start3A_777, %dma_start3A_778] : memref<8x8x1024xf32, #tpu.memory_space<vmem>> -> memref<1x8x1024xf32, #tpu.memory_space<vmem>>
        %dma_start3A_780 = tpu.memref_squeeze %dma_start3A_779 : memref<1x8x1024xf32, #tpu.memory_space<vmem>> -> memref<8x1024xf32, #tpu.memory_space<vmem>>
        %dma_start3A_781 = arith.constant 0 : i32
        %dma_start3A_782 = tpu.memref_slice %arg2[%dma_start3A_765, %add3A_764, %dma_start3A_781] : memref<4x8192x1024xf32, #tpu.memory_space<hbm>> -> memref<1x8x1024xf32, #tpu.memory_space<hbm>>
        %dma_start3A_783 = tpu.memref_squeeze %dma_start3A_782 : memref<1x8x1024xf32, #tpu.memory_space<hbm>> -> memref<8x1024xf32, #tpu.memory_space<hbm>>
        tpu.enqueue_dma source(%dma_start3A_783 : memref<8x1024xf32, #tpu.memory_space<hbm>>) target(%dma_start3A_780 : memref<8x1024xf32, #tpu.memory_space<vmem>>) target_semaphore(%dma_start3A_776 : memref<!tpu.dma_semaphore, #tpu.memory_space<semaphore_mem>>)
      } else {
      }
      %dma_wait3A_705 = arith.constant 0 : i32
      %dma_wait3A_706 = arith.constant 7 : i32
      %dma_wait3A_707 = arith.constant 7 : i32
      %dma_wait3A_708 = arith.constant 0 : i32
      %dma_wait3A_709 = arith.constant 0 : i32
      %dma_wait3A_710 = tpu.memref_slice %arg5[%dma_wait3A_706, %dma_wait3A_708, %dma_wait3A_709] : memref<8x8x1024xf32, #tpu.memory_space<vmem>> -> memref<1x8x1024xf32, #tpu.memory_space<vmem>>
      %dma_wait3A_711 = tpu.memref_squeeze %dma_wait3A_710 : memref<1x8x1024xf32, #tpu.memory_space<vmem>> -> memref<8x1024xf32, #tpu.memory_space<vmem>>
      %dma_wait3A_712 = arith.constant 0 : i32
      %dma_wait3A_713 = arith.constant 0 : i32
      %dma_wait3A_714 = tpu.memref_slice %arg2[%dma_wait3A_705, %dma_wait3A_712, %dma_wait3A_713] : memref<4x8192x1024xf32, #tpu.memory_space<hbm>> -> memref<1x8x1024xf32, #tpu.memory_space<hbm>>
      %dma_wait3A_715 = tpu.memref_squeeze %dma_wait3A_714 : memref<1x8x1024xf32, #tpu.memory_space<hbm>> -> memref<8x1024xf32, #tpu.memory_space<hbm>>
      %dma_wait3A_716 = tpu.memref_slice %arg7[%dma_wait3A_707] : memref<8x!tpu.dma_semaphore, #tpu.memory_space<semaphore_mem>> -> memref<1x!tpu.dma_semaphore, #tpu.memory_space<semaphore_mem>>
      %dma_wait3A_717 = tpu.memref_squeeze %dma_wait3A_716 : memref<1x!tpu.dma_semaphore, #tpu.memory_space<semaphore_mem>> -> memref<!tpu.dma_semaphore, #tpu.memory_space<semaphore_mem>>
      %dma_wait3A_718 = arith.constant 0 : i32
      %dma_wait3A_719 = arith.constant 0 : i32
      %dma_wait3A_720 = tpu.memref_slice %arg5[%dma_wait3A_706, %dma_wait3A_718, %dma_wait3A_719] : memref<8x8x1024xf32, #tpu.memory_space<vmem>> -> memref<1x8x1024xf32, #tpu.memory_space<vmem>>
      %dma_wait3A_721 = tpu.memref_squeeze %dma_wait3A_720 : memref<1x8x1024xf32, #tpu.memory_space<vmem>> -> memref<8x1024xf32, #tpu.memory_space<vmem>>
      %dma_wait3A_722 = arith.constant 0 : i32
      %dma_wait3A_723 = arith.constant 0 : i32
      %dma_wait3A_724 = tpu.memref_slice %arg2[%dma_wait3A_705, %dma_wait3A_722, %dma_wait3A_723] : memref<4x8192x1024xf32, #tpu.memory_space<hbm>> -> memref<1x8x1024xf32, #tpu.memory_space<hbm>>
      %dma_wait3A_725 = tpu.memref_squeeze %dma_wait3A_724 : memref<1x8x1024xf32, #tpu.memory_space<hbm>> -> memref<8x1024xf32, #tpu.memory_space<hbm>>
      tpu.wait_dma2 semaphore(%dma_wait3A_717 : memref<!tpu.dma_semaphore, #tpu.memory_space<semaphore_mem>>) src(%dma_wait3A_725 : memref<8x1024xf32, #tpu.memory_space<hbm>>) dst(%dma_wait3A_721 : memref<8x1024xf32, #tpu.memory_space<vmem>>)
      %parallel_loop3A_726 = arith.constant 0 : i32
      %parallel_loop3A_727 = arith.constant 512 : i32
      %parallel_loop3A_728 = arith.constant 1 : i32
      scf.for %parallel_loop3A_756 = %parallel_loop3A_726 to %parallel_loop3A_727 step %parallel_loop3A_728  : i32 {
        %parallel_loop3A_757 = arith.constant 64 : i32
        %parallel_loop3A_758 = arith.divsi %parallel_loop3A_756, %parallel_loop3A_757 : i32
        %parallel_loop3A_759 = arith.constant 0 : i32
        %parallel_loop3A_760 = arith.cmpi sgt, %parallel_loop3A_756, %parallel_loop3A_759 : i32
        %parallel_loop3A_761 = arith.extui %parallel_loop3A_760 : i1 to i32
        %parallel_loop3A_762 = arith.constant 0 : i32
        %parallel_loop3A_763 = arith.cmpi slt, %parallel_loop3A_756, %parallel_loop3A_762 : i32
        %parallel_loop3A_764 = arith.extui %parallel_loop3A_763 : i1 to i32
        %parallel_loop3A_765 = arith.subi %parallel_loop3A_761, %parallel_loop3A_764 : i32
        %parallel_loop3A_766 = arith.constant 0 : i32
        %parallel_loop3A_767 = arith.cmpi sgt, %parallel_loop3A_757, %parallel_loop3A_766 : i32
        %parallel_loop3A_768 = arith.extui %parallel_loop3A_767 : i1 to i32
        %parallel_loop3A_769 = arith.constant 0 : i32
        %parallel_loop3A_770 = arith.cmpi slt, %parallel_loop3A_757, %parallel_loop3A_769 : i32
        %parallel_loop3A_771 = arith.extui %parallel_loop3A_770 : i1 to i32
        %parallel_loop3A_772 = arith.subi %parallel_loop3A_768, %parallel_loop3A_771 : i32
        %parallel_loop3A_773 = arith.cmpi ne, %parallel_loop3A_765, %parallel_loop3A_772 : i32
        %parallel_loop3A_774 = arith.remsi %parallel_loop3A_756, %parallel_loop3A_757 : i32
        %parallel_loop3A_775 = arith.constant 0 : i32
        %parallel_loop3A_776 = arith.cmpi ne, %parallel_loop3A_774, %parallel_loop3A_775 : i32
        %parallel_loop3A_777 = arith.andi %parallel_loop3A_773, %parallel_loop3A_776 : i1
        %parallel_loop3A_778 = arith.constant 1 : i32
        %parallel_loop3A_779 = arith.subi %parallel_loop3A_758, %parallel_loop3A_778 : i32
        %parallel_loop3A_780 = arith.select %parallel_loop3A_777, %parallel_loop3A_779, %parallel_loop3A_758 : i32
        %parallel_loop3A_781 = arith.constant 64 : i32
        %parallel_loop3A_782 = arith.constant 0 : i32
        %parallel_loop3A_783 = arith.cmpi eq, %parallel_loop3A_781, %parallel_loop3A_782 : i32
        %parallel_loop3A_784 = arith.constant 1 : i32
        %parallel_loop3A_785 = arith.select %parallel_loop3A_783, %parallel_loop3A_784, %parallel_loop3A_781 : i32
        %parallel_loop3A_786 = arith.remsi %parallel_loop3A_756, %parallel_loop3A_785 : i32
        %parallel_loop3A_787 = arith.constant 0 : i32
        %parallel_loop3A_788 = arith.cmpi ne, %parallel_loop3A_786, %parallel_loop3A_787 : i32
        %parallel_loop3A_789 = arith.constant 0 : i32
        %parallel_loop3A_790 = arith.cmpi slt, %parallel_loop3A_786, %parallel_loop3A_789 : i32
        %parallel_loop3A_791 = arith.constant 0 : i32
        %parallel_loop3A_792 = arith.cmpi slt, %parallel_loop3A_785, %parallel_loop3A_791 : i32
        %parallel_loop3A_793 = arith.xori %parallel_loop3A_790, %parallel_loop3A_792 : i1
        %parallel_loop3A_794 = arith.andi %parallel_loop3A_793, %parallel_loop3A_788 : i1
        %parallel_loop3A_795 = arith.addi %parallel_loop3A_786, %parallel_loop3A_785 : i32
        %parallel_loop3A_796 = arith.select %parallel_loop3A_794, %parallel_loop3A_795, %parallel_loop3A_786 : i32
        %parallel_loop3A_797 = arith.constant 16 : i32
        %parallel_loop3A_798 = arith.muli %parallel_loop3A_796, %parallel_loop3A_797 : i32
        %parallel_loop3A_799 = arith.constant 1 : i32
        %parallel_loop3A_800 = arith.index_cast %parallel_loop3A_799 : i32 to index
        %parallel_loop3A_801 = arith.index_cast %parallel_loop3A_780 : i32 to index
        %parallel_loop3A_802 = arith.index_cast %parallel_loop3A_798 : i32 to index
        %parallel_loop3A_803 = tpu.vector_load %arg6[%parallel_loop3A_800, %parallel_loop3A_801, %parallel_loop3A_802] {strides = array<i32>} : memref<2x8x1024xf32, #tpu.memory_space<vmem>>, vector<1x1x16xf32>,
        %parallel_loop3A_804 = vector.shape_cast %parallel_loop3A_803 : vector<1x1x16xf32> to vector<16xf32>
        %parallel_loop3A_805 = arith.constant 7 : i32
        %parallel_loop3A_806 = arith.constant 0 : i32
        %parallel_loop3A_807 = arith.constant 0 : i32
        %parallel_loop3A_808 = tpu.memref_slice %arg5[%parallel_loop3A_805, %parallel_loop3A_806, %parallel_loop3A_807] : memref<8x8x1024xf32, #tpu.memory_space<vmem>> -> memref<1x8x1024xf32, #tpu.memory_space<vmem>>
        %parallel_loop3A_809 = tpu.memref_squeeze %parallel_loop3A_808 : memref<1x8x1024xf32, #tpu.memory_space<vmem>> -> memref<8x1024xf32, #tpu.memory_space<vmem>>
        %parallel_loop3A_810 = arith.constant 0 : i32
        %parallel_loop3A_811 = tpu.memref_slice %parallel_loop3A_809[%parallel_loop3A_780, %parallel_loop3A_810] : memref<8x1024xf32, #tpu.memory_space<vmem>> -> memref<1x1024xf32, #tpu.memory_space<vmem>>
        %parallel_loop3A_812 = tpu.memref_squeeze %parallel_loop3A_811 : memref<1x1024xf32, #tpu.memory_space<vmem>> -> memref<1024xf32, #tpu.memory_space<vmem>>
        %parallel_loop3A_813 = arith.index_cast %parallel_loop3A_798 : i32 to index
        %parallel_loop3A_814 = tpu.vector_load %parallel_loop3A_812[%parallel_loop3A_813] {strides = array<i32>} : memref<1024xf32, #tpu.memory_space<vmem>>, vector<16xf32>,
        %parallel_loop3A_815 = vector.shape_cast %parallel_loop3A_814 : vector<16xf32> to vector<16xf32>
        %parallel_loop3A_816 = vector.shape_cast %parallel_loop3A_804 : vector<16xf32> to vector<16xf32>
        tpu.vector_store %parallel_loop3A_812[%parallel_loop3A_813], %parallel_loop3A_816 {add = true, strides = array<i32>} : memref<1024xf32, #tpu.memory_space<vmem>>, vector<16xf32>,
      } {sc.loop_unroll_factor = 16 : i64, sc.parallel_access}
      %mul3A_729 = arith.constant 8 : i32
      %mul3A_730 = arith.muli %add3A_528, %mul3A_729 : i32
      %add3A_731 = arith.addi %mul3A_2, %mul3A_730 : i32
      %dma_start3A_732 = arith.constant 7 : i32
      %dma_start3A_733 = arith.constant 3 : i32
      %dma_start3A_734 = arith.constant 7 : i32
      %dma_start3A_735 = arith.constant 0 : i32
      %dma_start3A_736 = arith.constant 0 : i32
      %dma_start3A_737 = tpu.memref_slice %arg5[%dma_start3A_732, %dma_start3A_735, %dma_start3A_736] : memref<8x8x1024xf32, #tpu.memory_space<vmem>> -> memref<1x8x1024xf32, #tpu.memory_space<vmem>>
      %dma_start3A_738 = tpu.memref_squeeze %dma_start3A_737 : memref<1x8x1024xf32, #tpu.memory_space<vmem>> -> memref<8x1024xf32, #tpu.memory_space<vmem>>
      %dma_start3A_739 = arith.constant 0 : i32
      %dma_start3A_740 = tpu.memref_slice %arg4[%dma_start3A_733, %add3A_731, %dma_start3A_739] : memref<4x8192x1024xf32, #tpu.memory_space<hbm>> -> memref<1x8x1024xf32, #tpu.memory_space<hbm>>
      %dma_start3A_741 = tpu.memref_squeeze %dma_start3A_740 : memref<1x8x1024xf32, #tpu.memory_space<hbm>> -> memref<8x1024xf32, #tpu.memory_space<hbm>>
      %dma_start3A_742 = tpu.memref_slice %arg8[%dma_start3A_734] : memref<8x!tpu.dma_semaphore, #tpu.memory_space<semaphore_mem>> -> memref<1x!tpu.dma_semaphore, #tpu.memory_space<semaphore_mem>>
      %dma_start3A_743 = tpu.memref_squeeze %dma_start3A_742 : memref<1x!tpu.dma_semaphore, #tpu.memory_space<semaphore_mem>> -> memref<!tpu.dma_semaphore, #tpu.memory_space<semaphore_mem>>
      %dma_start3A_744 = arith.constant 0 : i32
      %dma_start3A_745 = tpu.memref_slice %arg4[%dma_start3A_733, %add3A_731, %dma_start3A_744] : memref<4x8192x1024xf32, #tpu.memory_space<hbm>> -> memref<1x8x1024xf32, #tpu.memory_space<hbm>>
      %dma_start3A_746 = tpu.memref_squeeze %dma_start3A_745 : memref<1x8x1024xf32, #tpu.memory_space<hbm>> -> memref<8x1024xf32, #tpu.memory_space<hbm>>
      %dma_start3A_747 = arith.constant 0 : i32
      %dma_start3A_748 = arith.constant 0 : i32
      %dma_start3A_749 = tpu.memref_slice %arg5[%dma_start3A_732, %dma_start3A_747, %dma_start3A_748] : memref<8x8x1024xf32, #tpu.memory_space<vmem>> -> memref<1x8x1024xf32, #tpu.memory_space<vmem>>
      %dma_start3A_750 = tpu.memref_squeeze %dma_start3A_749 : memref<1x8x1024xf32, #tpu.memory_space<vmem>> -> memref<8x1024xf32, #tpu.memory_space<vmem>>
      tpu.enqueue_dma source(%dma_start3A_750 : memref<8x1024xf32, #tpu.memory_space<vmem>>) target(%dma_start3A_746 : memref<8x1024xf32, #tpu.memory_space<hbm>>) target_semaphore(%dma_start3A_743 : memref<!tpu.dma_semaphore, #tpu.memory_space<semaphore_mem>>)
      %lt3A_751 = arith.constant 30 : i32
      %lt3A_752 = arith.cmpi slt, %add3A_528, %lt3A_751 : i32
      %convert_element_type3A_753 = arith.extui %lt3A_752 : i1 to i32
      %cond3A_754 = arith.constant 0 : i32
      %cond3A_755 = arith.cmpi ne, %convert_element_type3A_753, %cond3A_754 : i32
      scf.if %cond3A_755 {
        %add3A_756 = arith.constant 2 : i32
        %add3A_757 = arith.addi %add3A_528, %add3A_756 : i32
        %mul3A_758 = arith.constant 8 : i32
        %mul3A_759 = arith.muli %add3A_757, %mul3A_758 : i32
        %add3A_760 = arith.addi %mul3A_2, %mul3A_759 : i32
        %dma_start3A_761 = arith.constant 1 : i32
        %dma_start3A_762 = arith.constant 1 : i32
        %dma_start3A_763 = arith.constant 0 : i32
        %dma_start3A_764 = arith.constant 0 : i32
        %dma_start3A_765 = tpu.memref_slice %arg6[%dma_start3A_761, %dma_start3A_763, %dma_start3A_764] : memref<2x8x1024xf32, #tpu.memory_space<vmem>> -> memref<1x8x1024xf32, #tpu.memory_space<vmem>>
        %dma_start3A_766 = tpu.memref_squeeze %dma_start3A_765 : memref<1x8x1024xf32, #tpu.memory_space<vmem>> -> memref<8x1024xf32, #tpu.memory_space<vmem>>
        %dma_start3A_767 = arith.constant 0 : i32
        %dma_start3A_768 = tpu.memref_slice %arg3[%add3A_760, %dma_start3A_767] : memref<8192x1024xf32, #tpu.memory_space<hbm>> -> memref<8x1024xf32, #tpu.memory_space<hbm>>
        %dma_start3A_769 = tpu.memref_slice %arg9[%dma_start3A_762] : memref<2x!tpu.dma_semaphore, #tpu.memory_space<semaphore_mem>> -> memref<1x!tpu.dma_semaphore, #tpu.memory_space<semaphore_mem>>
        %dma_start3A_770 = tpu.memref_squeeze %dma_start3A_769 : memref<1x!tpu.dma_semaphore, #tpu.memory_space<semaphore_mem>> -> memref<!tpu.dma_semaphore, #tpu.memory_space<semaphore_mem>>
        %dma_start3A_771 = arith.constant 0 : i32
        %dma_start3A_772 = arith.constant 0 : i32
        %dma_start3A_773 = tpu.memref_slice %arg6[%dma_start3A_761, %dma_start3A_771, %dma_start3A_772] : memref<2x8x1024xf32, #tpu.memory_space<vmem>> -> memref<1x8x1024xf32, #tpu.memory_space<vmem>>
        %dma_start3A_774 = tpu.memref_squeeze %dma_start3A_773 : memref<1x8x1024xf32, #tpu.memory_space<vmem>> -> memref<8x1024xf32, #tpu.memory_space<vmem>>
        %dma_start3A_775 = arith.constant 0 : i32
        %dma_start3A_776 = tpu.memref_slice %arg3[%add3A_760, %dma_start3A_775] : memref<8192x1024xf32, #tpu.memory_space<hbm>> -> memref<8x1024xf32, #tpu.memory_space<hbm>>
        tpu.enqueue_dma source(%dma_start3A_776 : memref<8x1024xf32, #tpu.memory_space<hbm>>) target(%dma_start3A_774 : memref<8x1024xf32, #tpu.memory_space<vmem>>) target_semaphore(%dma_start3A_770 : memref<!tpu.dma_semaphore, #tpu.memory_space<semaphore_mem>>)
      } else {
      }
    }
    %scan3A_125 = arith.constant 16 : i32
    %dma_wait3A = arith.constant 0 : i32
    %dma_wait3A_126 = arith.constant 0 : i32
    %dma_wait3A_127 = arith.constant 0 : i32
    %dma_wait3A_128 = arith.constant 0 : i32
    %dma_wait3A_129 = arith.constant 0 : i32
    %dma_wait3A_130 = tpu.memref_slice %arg5[%dma_wait3A, %dma_wait3A_128, %dma_wait3A_129] : memref<8x8x1024xf32, #tpu.memory_space<vmem>> -> memref<1x8x1024xf32, #tpu.memory_space<vmem>>
    %dma_wait3A_131 = tpu.memref_squeeze %dma_wait3A_130 : memref<1x8x1024xf32, #tpu.memory_space<vmem>> -> memref<8x1024xf32, #tpu.memory_space<vmem>>
    %dma_wait3A_132 = arith.constant 0 : i32
    %dma_wait3A_133 = arith.constant 0 : i32
    %dma_wait3A_134 = tpu.memref_slice %arg4[%dma_wait3A_126, %dma_wait3A_132, %dma_wait3A_133] : memref<4x8192x1024xf32, #tpu.memory_space<hbm>> -> memref<1x8x1024xf32, #tpu.memory_space<hbm>>
    %dma_wait3A_135 = tpu.memref_squeeze %dma_wait3A_134 : memref<1x8x1024xf32, #tpu.memory_space<hbm>> -> memref<8x1024xf32, #tpu.memory_space<hbm>>
    %dma_wait3A_136 = tpu.memref_slice %arg8[%dma_wait3A_127] : memref<8x!tpu.dma_semaphore, #tpu.memory_space<semaphore_mem>> -> memref<1x!tpu.dma_semaphore, #tpu.memory_space<semaphore_mem>>
    %dma_wait3A_137 = tpu.memref_squeeze %dma_wait3A_136 : memref<1x!tpu.dma_semaphore, #tpu.memory_space<semaphore_mem>> -> memref<!tpu.dma_semaphore, #tpu.memory_space<semaphore_mem>>
    %dma_wait3A_138 = arith.constant 0 : i32
    %dma_wait3A_139 = arith.constant 0 : i32
    %dma_wait3A_140 = tpu.memref_slice %arg4[%dma_wait3A_126, %dma_wait3A_138, %dma_wait3A_139] : memref<4x8192x1024xf32, #tpu.memory_space<hbm>> -> memref<1x8x1024xf32, #tpu.memory_space<hbm>>
    %dma_wait3A_141 = tpu.memref_squeeze %dma_wait3A_140 : memref<1x8x1024xf32, #tpu.memory_space<hbm>> -> memref<8x1024xf32, #tpu.memory_space<hbm>>
    %dma_wait3A_142 = arith.constant 0 : i32
    %dma_wait3A_143 = arith.constant 0 : i32
    %dma_wait3A_144 = tpu.memref_slice %arg5[%dma_wait3A, %dma_wait3A_142, %dma_wait3A_143] : memref<8x8x1024xf32, #tpu.memory_space<vmem>> -> memref<1x8x1024xf32, #tpu.memory_space<vmem>>
    %dma_wait3A_145 = tpu.memref_squeeze %dma_wait3A_144 : memref<1x8x1024xf32, #tpu.memory_space<vmem>> -> memref<8x1024xf32, #tpu.memory_space<vmem>>
    tpu.wait_dma2 semaphore(%dma_wait3A_137 : memref<!tpu.dma_semaphore, #tpu.memory_space<semaphore_mem>>) src(%dma_wait3A_145 : memref<8x1024xf32, #tpu.memory_space<vmem>>) dst(%dma_wait3A_141 : memref<8x1024xf32, #tpu.memory_space<hbm>>)
    %dma_wait3A_146 = arith.constant 1 : i32
    %dma_wait3A_147 = arith.constant 0 : i32
    %dma_wait3A_148 = arith.constant 1 : i32
    %dma_wait3A_149 = arith.constant 0 : i32
    %dma_wait3A_150 = arith.constant 0 : i32
    %dma_wait3A_151 = tpu.memref_slice %arg5[%dma_wait3A_146, %dma_wait3A_149, %dma_wait3A_150] : memref<8x8x1024xf32, #tpu.memory_space<vmem>> -> memref<1x8x1024xf32, #tpu.memory_space<vmem>>
    %dma_wait3A_152 = tpu.memref_squeeze %dma_wait3A_151 : memref<1x8x1024xf32, #tpu.memory_space<vmem>> -> memref<8x1024xf32, #tpu.memory_space<vmem>>
    %dma_wait3A_153 = arith.constant 0 : i32
    %dma_wait3A_154 = arith.constant 0 : i32
    %dma_wait3A_155 = tpu.memref_slice %arg4[%dma_wait3A_147, %dma_wait3A_153, %dma_wait3A_154] : memref<4x8192x1024xf32, #tpu.memory_space<hbm>> -> memref<1x8x1024xf32, #tpu.memory_space<hbm>>
    %dma_wait3A_156 = tpu.memref_squeeze %dma_wait3A_155 : memref<1x8x1024xf32, #tpu.memory_space<hbm>> -> memref<8x1024xf32, #tpu.memory_space<hbm>>
    %dma_wait3A_157 = tpu.memref_slice %arg8[%dma_wait3A_148] : memref<8x!tpu.dma_semaphore, #tpu.memory_space<semaphore_mem>> -> memref<1x!tpu.dma_semaphore, #tpu.memory_space<semaphore_mem>>
    %dma_wait3A_158 = tpu.memref_squeeze %dma_wait3A_157 : memref<1x!tpu.dma_semaphore, #tpu.memory_space<semaphore_mem>> -> memref<!tpu.dma_semaphore, #tpu.memory_space<semaphore_mem>>
    %dma_wait3A_159 = arith.constant 0 : i32
    %dma_wait3A_160 = arith.constant 0 : i32
    %dma_wait3A_161 = tpu.memref_slice %arg4[%dma_wait3A_147, %dma_wait3A_159, %dma_wait3A_160] : memref<4x8192x1024xf32, #tpu.memory_space<hbm>> -> memref<1x8x1024xf32, #tpu.memory_space<hbm>>
    %dma_wait3A_162 = tpu.memref_squeeze %dma_wait3A_161 : memref<1x8x1024xf32, #tpu.memory_space<hbm>> -> memref<8x1024xf32, #tpu.memory_space<hbm>>
    %dma_wait3A_163 = arith.constant 0 : i32
    %dma_wait3A_164 = arith.constant 0 : i32
    %dma_wait3A_165 = tpu.memref_slice %arg5[%dma_wait3A_146, %dma_wait3A_163, %dma_wait3A_164] : memref<8x8x1024xf32, #tpu.memory_space<vmem>> -> memref<1x8x1024xf32, #tpu.memory_space<vmem>>
    %dma_wait3A_166 = tpu.memref_squeeze %dma_wait3A_165 : memref<1x8x1024xf32, #tpu.memory_space<vmem>> -> memref<8x1024xf32, #tpu.memory_space<vmem>>
    tpu.wait_dma2 semaphore(%dma_wait3A_158 : memref<!tpu.dma_semaphore, #tpu.memory_space<semaphore_mem>>) src(%dma_wait3A_166 : memref<8x1024xf32, #tpu.memory_space<vmem>>) dst(%dma_wait3A_162 : memref<8x1024xf32, #tpu.memory_space<hbm>>)
    %dma_wait3A_167 = arith.constant 2 : i32
    %dma_wait3A_168 = arith.constant 0 : i32
    %dma_wait3A_169 = arith.constant 2 : i32
    %dma_wait3A_170 = arith.constant 0 : i32
    %dma_wait3A_171 = arith.constant 0 : i32
    %dma_wait3A_172 = tpu.memref_slice %arg5[%dma_wait3A_167, %dma_wait3A_170, %dma_wait3A_171] : memref<8x8x1024xf32, #tpu.memory_space<vmem>> -> memref<1x8x1024xf32, #tpu.memory_space<vmem>>
    %dma_wait3A_173 = tpu.memref_squeeze %dma_wait3A_172 : memref<1x8x1024xf32, #tpu.memory_space<vmem>> -> memref<8x1024xf32, #tpu.memory_space<vmem>>
    %dma_wait3A_174 = arith.constant 0 : i32
    %dma_wait3A_175 = arith.constant 0 : i32
    %dma_wait3A_176 = tpu.memref_slice %arg4[%dma_wait3A_168, %dma_wait3A_174, %dma_wait3A_175] : memref<4x8192x1024xf32, #tpu.memory_space<hbm>> -> memref<1x8x1024xf32, #tpu.memory_space<hbm>>
    %dma_wait3A_177 = tpu.memref_squeeze %dma_wait3A_176 : memref<1x8x1024xf32, #tpu.memory_space<hbm>> -> memref<8x1024xf32, #tpu.memory_space<hbm>>
    %dma_wait3A_178 = tpu.memref_slice %arg8[%dma_wait3A_169] : memref<8x!tpu.dma_semaphore, #tpu.memory_space<semaphore_mem>> -> memref<1x!tpu.dma_semaphore, #tpu.memory_space<semaphore_mem>>
    %dma_wait3A_179 = tpu.memref_squeeze %dma_wait3A_178 : memref<1x!tpu.dma_semaphore, #tpu.memory_space<semaphore_mem>> -> memref<!tpu.dma_semaphore, #tpu.memory_space<semaphore_mem>>
    %dma_wait3A_180 = arith.constant 0 : i32
    %dma_wait3A_181 = arith.constant 0 : i32
    %dma_wait3A_182 = tpu.memref_slice %arg4[%dma_wait3A_168, %dma_wait3A_180, %dma_wait3A_181] : memref<4x8192x1024xf32, #tpu.memory_space<hbm>> -> memref<1x8x1024xf32, #tpu.memory_space<hbm>>
    %dma_wait3A_183 = tpu.memref_squeeze %dma_wait3A_182 : memref<1x8x1024xf32, #tpu.memory_space<hbm>> -> memref<8x1024xf32, #tpu.memory_space<hbm>>
    %dma_wait3A_184 = arith.constant 0 : i32
    %dma_wait3A_185 = arith.constant 0 : i32
    %dma_wait3A_186 = tpu.memref_slice %arg5[%dma_wait3A_167, %dma_wait3A_184, %dma_wait3A_185] : memref<8x8x1024xf32, #tpu.memory_space<vmem>> -> memref<1x8x1024xf32, #tpu.memory_space<vmem>>
    %dma_wait3A_187 = tpu.memref_squeeze %dma_wait3A_186 : memref<1x8x1024xf32, #tpu.memory_space<vmem>> -> memref<8x1024xf32, #tpu.memory_space<vmem>>
    tpu.wait_dma2 semaphore(%dma_wait3A_179 : memref<!tpu.dma_semaphore, #tpu.memory_space<semaphore_mem>>) src(%dma_wait3A_187 : memref<8x1024xf32, #tpu.memory_space<vmem>>) dst(%dma_wait3A_183 : memref<8x1024xf32, #tpu.memory_space<hbm>>)
    %dma_wait3A_188 = arith.constant 3 : i32
    %dma_wait3A_189 = arith.constant 0 : i32
    %dma_wait3A_190 = arith.constant 3 : i32
    %dma_wait3A_191 = arith.constant 0 : i32
    %dma_wait3A_192 = arith.constant 0 : i32
    %dma_wait3A_193 = tpu.memref_slice %arg5[%dma_wait3A_188, %dma_wait3A_191, %dma_wait3A_192] : memref<8x8x1024xf32, #tpu.memory_space<vmem>> -> memref<1x8x1024xf32, #tpu.memory_space<vmem>>
    %dma_wait3A_194 = tpu.memref_squeeze %dma_wait3A_193 : memref<1x8x1024xf32, #tpu.memory_space<vmem>> -> memref<8x1024xf32, #tpu.memory_space<vmem>>
    %dma_wait3A_195 = arith.constant 0 : i32
    %dma_wait3A_196 = arith.constant 0 : i32
    %dma_wait3A_197 = tpu.memref_slice %arg4[%dma_wait3A_189, %dma_wait3A_195, %dma_wait3A_196] : memref<4x8192x1024xf32, #tpu.memory_space<hbm>> -> memref<1x8x1024xf32, #tpu.memory_space<hbm>>
    %dma_wait3A_198 = tpu.memref_squeeze %dma_wait3A_197 : memref<1x8x1024xf32, #tpu.memory_space<hbm>> -> memref<8x1024xf32, #tpu.memory_space<hbm>>
    %dma_wait3A_199 = tpu.memref_slice %arg8[%dma_wait3A_190] : memref<8x!tpu.dma_semaphore, #tpu.memory_space<semaphore_mem>> -> memref<1x!tpu.dma_semaphore, #tpu.memory_space<semaphore_mem>>
    %dma_wait3A_200 = tpu.memref_squeeze %dma_wait3A_199 : memref<1x!tpu.dma_semaphore, #tpu.memory_space<semaphore_mem>> -> memref<!tpu.dma_semaphore, #tpu.memory_space<semaphore_mem>>
    %dma_wait3A_201 = arith.constant 0 : i32
    %dma_wait3A_202 = arith.constant 0 : i32
    %dma_wait3A_203 = tpu.memref_slice %arg4[%dma_wait3A_189, %dma_wait3A_201, %dma_wait3A_202] : memref<4x8192x1024xf32, #tpu.memory_space<hbm>> -> memref<1x8x1024xf32, #tpu.memory_space<hbm>>
    %dma_wait3A_204 = tpu.memref_squeeze %dma_wait3A_203 : memref<1x8x1024xf32, #tpu.memory_space<hbm>> -> memref<8x1024xf32, #tpu.memory_space<hbm>>
    %dma_wait3A_205 = arith.constant 0 : i32
    %dma_wait3A_206 = arith.constant 0 : i32
    %dma_wait3A_207 = tpu.memref_slice %arg5[%dma_wait3A_188, %dma_wait3A_205, %dma_wait3A_206] : memref<8x8x1024xf32, #tpu.memory_space<vmem>> -> memref<1x8x1024xf32, #tpu.memory_space<vmem>>
    %dma_wait3A_208 = tpu.memref_squeeze %dma_wait3A_207 : memref<1x8x1024xf32, #tpu.memory_space<vmem>> -> memref<8x1024xf32, #tpu.memory_space<vmem>>
    tpu.wait_dma2 semaphore(%dma_wait3A_200 : memref<!tpu.dma_semaphore, #tpu.memory_space<semaphore_mem>>) src(%dma_wait3A_208 : memref<8x1024xf32, #tpu.memory_space<vmem>>) dst(%dma_wait3A_204 : memref<8x1024xf32, #tpu.memory_space<hbm>>)
    %dma_wait3A_209 = arith.constant 4 : i32
    %dma_wait3A_210 = arith.constant 0 : i32
    %dma_wait3A_211 = arith.constant 4 : i32
    %dma_wait3A_212 = arith.constant 0 : i32
    %dma_wait3A_213 = arith.constant 0 : i32
    %dma_wait3A_214 = tpu.memref_slice %arg5[%dma_wait3A_209, %dma_wait3A_212, %dma_wait3A_213] : memref<8x8x1024xf32, #tpu.memory_space<vmem>> -> memref<1x8x1024xf32, #tpu.memory_space<vmem>>
    %dma_wait3A_215 = tpu.memref_squeeze %dma_wait3A_214 : memref<1x8x1024xf32, #tpu.memory_space<vmem>> -> memref<8x1024xf32, #tpu.memory_space<vmem>>
    %dma_wait3A_216 = arith.constant 0 : i32
    %dma_wait3A_217 = arith.constant 0 : i32
    %dma_wait3A_218 = tpu.memref_slice %arg4[%dma_wait3A_210, %dma_wait3A_216, %dma_wait3A_217] : memref<4x8192x1024xf32, #tpu.memory_space<hbm>> -> memref<1x8x1024xf32, #tpu.memory_space<hbm>>
    %dma_wait3A_219 = tpu.memref_squeeze %dma_wait3A_218 : memref<1x8x1024xf32, #tpu.memory_space<hbm>> -> memref<8x1024xf32, #tpu.memory_space<hbm>>
    %dma_wait3A_220 = tpu.memref_slice %arg8[%dma_wait3A_211] : memref<8x!tpu.dma_semaphore, #tpu.memory_space<semaphore_mem>> -> memref<1x!tpu.dma_semaphore, #tpu.memory_space<semaphore_mem>>
    %dma_wait3A_221 = tpu.memref_squeeze %dma_wait3A_220 : memref<1x!tpu.dma_semaphore, #tpu.memory_space<semaphore_mem>> -> memref<!tpu.dma_semaphore, #tpu.memory_space<semaphore_mem>>
    %dma_wait3A_222 = arith.constant 0 : i32
    %dma_wait3A_223 = arith.constant 0 : i32
    %dma_wait3A_224 = tpu.memref_slice %arg4[%dma_wait3A_210, %dma_wait3A_222, %dma_wait3A_223] : memref<4x8192x1024xf32, #tpu.memory_space<hbm>> -> memref<1x8x1024xf32, #tpu.memory_space<hbm>>
    %dma_wait3A_225 = tpu.memref_squeeze %dma_wait3A_224 : memref<1x8x1024xf32, #tpu.memory_space<hbm>> -> memref<8x1024xf32, #tpu.memory_space<hbm>>
    %dma_wait3A_226 = arith.constant 0 : i32
    %dma_wait3A_227 = arith.constant 0 : i32
    %dma_wait3A_228 = tpu.memref_slice %arg5[%dma_wait3A_209, %dma_wait3A_226, %dma_wait3A_227] : memref<8x8x1024xf32, #tpu.memory_space<vmem>> -> memref<1x8x1024xf32, #tpu.memory_space<vmem>>
    %dma_wait3A_229 = tpu.memref_squeeze %dma_wait3A_228 : memref<1x8x1024xf32, #tpu.memory_space<vmem>> -> memref<8x1024xf32, #tpu.memory_space<vmem>>
    tpu.wait_dma2 semaphore(%dma_wait3A_221 : memref<!tpu.dma_semaphore, #tpu.memory_space<semaphore_mem>>) src(%dma_wait3A_229 : memref<8x1024xf32, #tpu.memory_space<vmem>>) dst(%dma_wait3A_225 : memref<8x1024xf32, #tpu.memory_space<hbm>>)
    %dma_wait3A_230 = arith.constant 5 : i32
    %dma_wait3A_231 = arith.constant 0 : i32
    %dma_wait3A_232 = arith.constant 5 : i32
    %dma_wait3A_233 = arith.constant 0 : i32
    %dma_wait3A_234 = arith.constant 0 : i32
    %dma_wait3A_235 = tpu.memref_slice %arg5[%dma_wait3A_230, %dma_wait3A_233, %dma_wait3A_234] : memref<8x8x1024xf32, #tpu.memory_space<vmem>> -> memref<1x8x1024xf32, #tpu.memory_space<vmem>>
    %dma_wait3A_236 = tpu.memref_squeeze %dma_wait3A_235 : memref<1x8x1024xf32, #tpu.memory_space<vmem>> -> memref<8x1024xf32, #tpu.memory_space<vmem>>
    %dma_wait3A_237 = arith.constant 0 : i32
    %dma_wait3A_238 = arith.constant 0 : i32
    %dma_wait3A_239 = tpu.memref_slice %arg4[%dma_wait3A_231, %dma_wait3A_237, %dma_wait3A_238] : memref<4x8192x1024xf32, #tpu.memory_space<hbm>> -> memref<1x8x1024xf32, #tpu.memory_space<hbm>>
    %dma_wait3A_240 = tpu.memref_squeeze %dma_wait3A_239 : memref<1x8x1024xf32, #tpu.memory_space<hbm>> -> memref<8x1024xf32, #tpu.memory_space<hbm>>
    %dma_wait3A_241 = tpu.memref_slice %arg8[%dma_wait3A_232] : memref<8x!tpu.dma_semaphore, #tpu.memory_space<semaphore_mem>> -> memref<1x!tpu.dma_semaphore, #tpu.memory_space<semaphore_mem>>
    %dma_wait3A_242 = tpu.memref_squeeze %dma_wait3A_241 : memref<1x!tpu.dma_semaphore, #tpu.memory_space<semaphore_mem>> -> memref<!tpu.dma_semaphore, #tpu.memory_space<semaphore_mem>>
    %dma_wait3A_243 = arith.constant 0 : i32
    %dma_wait3A_244 = arith.constant 0 : i32
    %dma_wait3A_245 = tpu.memref_slice %arg4[%dma_wait3A_231, %dma_wait3A_243, %dma_wait3A_244] : memref<4x8192x1024xf32, #tpu.memory_space<hbm>> -> memref<1x8x1024xf32, #tpu.memory_space<hbm>>
    %dma_wait3A_246 = tpu.memref_squeeze %dma_wait3A_245 : memref<1x8x1024xf32, #tpu.memory_space<hbm>> -> memref<8x1024xf32, #tpu.memory_space<hbm>>
    %dma_wait3A_247 = arith.constant 0 : i32
    %dma_wait3A_248 = arith.constant 0 : i32
    %dma_wait3A_249 = tpu.memref_slice %arg5[%dma_wait3A_230, %dma_wait3A_247, %dma_wait3A_248] : memref<8x8x1024xf32, #tpu.memory_space<vmem>> -> memref<1x8x1024xf32, #tpu.memory_space<vmem>>
    %dma_wait3A_250 = tpu.memref_squeeze %dma_wait3A_249 : memref<1x8x1024xf32, #tpu.memory_space<vmem>> -> memref<8x1024xf32, #tpu.memory_space<vmem>>
    tpu.wait_dma2 semaphore(%dma_wait3A_242 : memref<!tpu.dma_semaphore, #tpu.memory_space<semaphore_mem>>) src(%dma_wait3A_250 : memref<8x1024xf32, #tpu.memory_space<vmem>>) dst(%dma_wait3A_246 : memref<8x1024xf32, #tpu.memory_space<hbm>>)
    %dma_wait3A_251 = arith.constant 6 : i32
    %dma_wait3A_252 = arith.constant 0 : i32
    %dma_wait3A_253 = arith.constant 6 : i32
    %dma_wait3A_254 = arith.constant 0 : i32
    %dma_wait3A_255 = arith.constant 0 : i32
    %dma_wait3A_256 = tpu.memref_slice %arg5[%dma_wait3A_251, %dma_wait3A_254, %dma_wait3A_255] : memref<8x8x1024xf32, #tpu.memory_space<vmem>> -> memref<1x8x1024xf32, #tpu.memory_space<vmem>>
    %dma_wait3A_257 = tpu.memref_squeeze %dma_wait3A_256 : memref<1x8x1024xf32, #tpu.memory_space<vmem>> -> memref<8x1024xf32, #tpu.memory_space<vmem>>
    %dma_wait3A_258 = arith.constant 0 : i32
    %dma_wait3A_259 = arith.constant 0 : i32
    %dma_wait3A_260 = tpu.memref_slice %arg4[%dma_wait3A_252, %dma_wait3A_258, %dma_wait3A_259] : memref<4x8192x1024xf32, #tpu.memory_space<hbm>> -> memref<1x8x1024xf32, #tpu.memory_space<hbm>>
    %dma_wait3A_261 = tpu.memref_squeeze %dma_wait3A_260 : memref<1x8x1024xf32, #tpu.memory_space<hbm>> -> memref<8x1024xf32, #tpu.memory_space<hbm>>
    %dma_wait3A_262 = tpu.memref_slice %arg8[%dma_wait3A_253] : memref<8x!tpu.dma_semaphore, #tpu.memory_space<semaphore_mem>> -> memref<1x!tpu.dma_semaphore, #tpu.memory_space<semaphore_mem>>
    %dma_wait3A_263 = tpu.memref_squeeze %dma_wait3A_262 : memref<1x!tpu.dma_semaphore, #tpu.memory_space<semaphore_mem>> -> memref<!tpu.dma_semaphore, #tpu.memory_space<semaphore_mem>>
    %dma_wait3A_264 = arith.constant 0 : i32
    %dma_wait3A_265 = arith.constant 0 : i32
    %dma_wait3A_266 = tpu.memref_slice %arg4[%dma_wait3A_252, %dma_wait3A_264, %dma_wait3A_265] : memref<4x8192x1024xf32, #tpu.memory_space<hbm>> -> memref<1x8x1024xf32, #tpu.memory_space<hbm>>
    %dma_wait3A_267 = tpu.memref_squeeze %dma_wait3A_266 : memref<1x8x1024xf32, #tpu.memory_space<hbm>> -> memref<8x1024xf32, #tpu.memory_space<hbm>>
    %dma_wait3A_268 = arith.constant 0 : i32
    %dma_wait3A_269 = arith.constant 0 : i32
    %dma_wait3A_270 = tpu.memref_slice %arg5[%dma_wait3A_251, %dma_wait3A_268, %dma_wait3A_269] : memref<8x8x1024xf32, #tpu.memory_space<vmem>> -> memref<1x8x1024xf32, #tpu.memory_space<vmem>>
    %dma_wait3A_271 = tpu.memref_squeeze %dma_wait3A_270 : memref<1x8x1024xf32, #tpu.memory_space<vmem>> -> memref<8x1024xf32, #tpu.memory_space<vmem>>
    tpu.wait_dma2 semaphore(%dma_wait3A_263 : memref<!tpu.dma_semaphore, #tpu.memory_space<semaphore_mem>>) src(%dma_wait3A_271 : memref<8x1024xf32, #tpu.memory_space<vmem>>) dst(%dma_wait3A_267 : memref<8x1024xf32, #tpu.memory_space<hbm>>)
    %dma_wait3A_272 = arith.constant 7 : i32
    %dma_wait3A_273 = arith.constant 0 : i32
    %dma_wait3A_274 = arith.constant 7 : i32
    %dma_wait3A_275 = arith.constant 0 : i32
    %dma_wait3A_276 = arith.constant 0 : i32
    %dma_wait3A_277 = tpu.memref_slice %arg5[%dma_wait3A_272, %dma_wait3A_275, %dma_wait3A_276] : memref<8x8x1024xf32, #tpu.memory_space<vmem>> -> memref<1x8x1024xf32, #tpu.memory_space<vmem>>
    %dma_wait3A_278 = tpu.memref_squeeze %dma_wait3A_277 : memref<1x8x1024xf32, #tpu.memory_space<vmem>> -> memref<8x1024xf32, #tpu.memory_space<vmem>>
    %dma_wait3A_279 = arith.constant 0 : i32
    %dma_wait3A_280 = arith.constant 0 : i32
    %dma_wait3A_281 = tpu.memref_slice %arg4[%dma_wait3A_273, %dma_wait3A_279, %dma_wait3A_280] : memref<4x8192x1024xf32, #tpu.memory_space<hbm>> -> memref<1x8x1024xf32, #tpu.memory_space<hbm>>
    %dma_wait3A_282 = tpu.memref_squeeze %dma_wait3A_281 : memref<1x8x1024xf32, #tpu.memory_space<hbm>> -> memref<8x1024xf32, #tpu.memory_space<hbm>>
    %dma_wait3A_283 = tpu.memref_slice %arg8[%dma_wait3A_274] : memref<8x!tpu.dma_semaphore, #tpu.memory_space<semaphore_mem>> -> memref<1x!tpu.dma_semaphore, #tpu.memory_space<semaphore_mem>>
    %dma_wait3A_284 = tpu.memref_squeeze %dma_wait3A_283 : memref<1x!tpu.dma_semaphore, #tpu.memory_space<semaphore_mem>> -> memref<!tpu.dma_semaphore, #tpu.memory_space<semaphore_mem>>
    %dma_wait3A_285 = arith.constant 0 : i32
    %dma_wait3A_286 = arith.constant 0 : i32
    %dma_wait3A_287 = tpu.memref_slice %arg4[%dma_wait3A_273, %dma_wait3A_285, %dma_wait3A_286] : memref<4x8192x1024xf32, #tpu.memory_space<hbm>> -> memref<1x8x1024xf32, #tpu.memory_space<hbm>>
    %dma_wait3A_288 = tpu.memref_squeeze %dma_wait3A_287 : memref<1x8x1024xf32, #tpu.memory_space<hbm>> -> memref<8x1024xf32, #tpu.memory_space<hbm>>
    %dma_wait3A_289 = arith.constant 0 : i32
    %dma_wait3A_290 = arith.constant 0 : i32
    %dma_wait3A_291 = tpu.memref_slice %arg5[%dma_wait3A_272, %dma_wait3A_289, %dma_wait3A_290] : memref<8x8x1024xf32, #tpu.memory_space<vmem>> -> memref<1x8x1024xf32, #tpu.memory_space<vmem>>
    %dma_wait3A_292 = tpu.memref_squeeze %dma_wait3A_291 : memref<1x8x1024xf32, #tpu.memory_space<vmem>> -> memref<8x1024xf32, #tpu.memory_space<vmem>>
    tpu.wait_dma2 semaphore(%dma_wait3A_284 : memref<!tpu.dma_semaphore, #tpu.memory_space<semaphore_mem>>) src(%dma_wait3A_292 : memref<8x1024xf32, #tpu.memory_space<vmem>>) dst(%dma_wait3A_288 : memref<8x1024xf32, #tpu.memory_space<hbm>>)
    return
  }
}

</mosaic_0001>

<sc_bundles>
// kernel: kernel.3.cloned.1.call-start
scs
__scs_entry_jumppad:
0x0: {  	(pc) =	sbr.rel $0x88, $3  }
0x1: {  	(tag) =	ssettag $0x0;
	lr =	simm.s32 $0x1  }
0x2: {  	[smem:$0x3F9F] =	sst lr;
	_ =	strace $0xD0000000  }
0x3: {  	_ = 	snop  }
0x4: {  	_ = 	snop  }
0x5: {  	_ = 	snop  }
0x6: {  	_ = 	snop  }
0x7: {  	_ = 	snop  }
__scs_overlays_trampoline_lowered:
0x8: {  	[smem:$0x3FAE] =	sst s0  }
0x9: {  	[smem:$0x3FAF] =	sst s1  }
0xa: {  	[smem:$0x3FB0] =	sst s2  }
0xb: {  	[smem:$0x3FB1] =	sst s3  }
0xc: {  	[smem:$0x3FB2] =	sst s4  }
0xd: {  	[smem:$0x3FB3] =	sst s5  }
0xe: {  	[smem:$0x3FB4] =	sst s6  }
0xf: {  	[smem:$0x3FB5] =	sst s7  }
0x10: {  	[smem:$0x3FB6] =	sst s8  }
0x11: {  	[smem:$0x3FB7] =	sst s9;
	s0 =	simm.s32 @!p0 $0x0  }
0x12: {  	s1 =	sld [smem:$0x3F9D];
	s0 =	simm.s32 @p0 $0x1  }
0x13: {  	[smem:$0x3FB8] =	sst s0;
	s0 =	simm.s32 @!p1 $0x0  }
0x14: {  	s2 =	sld [smem:$0x3F9C];
	s0 =	simm.s32 @p1 $0x1  }
0x15: {  	[smem:$0x3FB9] =	sst s0;
	s0 =	simm.s32 @!p2 $0x0  }
0x16: {  	s3 =	sld [smem:$0x3FDB];
	s0 =	simm.s32 @p2 $0x1  }
0x17: {  	s4 =	simm.s32 $0x1BF5;
	[smem:$0x3FBB] =	sst s0  }
0x18: {  	s0 =	sld [smem:$0x3F9E];
	_ =	swait.ge [sflag:s4], $0x0  }
0x19: {  	s7 =	sld [smem:$0x3F9F]  }
0x1a: {  	s8 =	sadd.s32 $0xFFFFE003, lr  }
0x1b: {  	s9 =	sadd.s32 $0xFFFFFEF7, lr;
	s5 =	simm.s32 $0xFFFFFFFF;
	p2 =	slt.u32 s8, $0xFFFFF086  }
0x1c: {  	p1 =	slt.u32 s9, $0xF7A;
	s5 =	simm.s32 @!p2 $0x0  }
0x1d: {  	s5 =	simm.s32 @p1 $0x1;
	p0 =	seq.s32 s7, s2  }
0x1e: {  	s7 =	smul.u32 @!p0 $0xF7A, s2;
	p2 =	seq.s32 @!p0 s5, $0x0  }
0x1f: {  	s9 =	smul.u32 $0xF7A, s1;
	s8 =	simm.s32 @!p0 $0x1BF5;
	p2 =	por !p2, p0  }
0x20: {  	[sflag:s8] =	ssyncset.s32 @!p0 $0xFFFFF086;
	s6 =	sadd.s32 @!p0 s3, s7;
	s7 =	simm.s32 @!p0 $0x108  }
0x21: {  	s3 =	sadd.s32 s3, s9;
	s6 =	sadd.s32 @!p0 $0x88, s6;
	s7 =	simm.s32 @p2 $0x1082  }
0x22: {  	[simem:s7], [sflag:s8] =	dma.local @!p0 [hbm:s6], $0xF7A  }
0x23: {  	s9 =	sor.u32 $0xD0000000, s2;
	s6 =	simm.s32 $0x108;
	_ =	swait.ge @!p0 [sflag:s8], $0x0  }
0x24: {  	s3 =	sadd.s32 $0x88, s3;
	s6 =	simm.s32 @!p1 $0x1082;
	[sflag:s4] =	ssyncset.s32 $0xFFFFF086  }
0x25: {  	[simem:s6], [sflag:s4] =	dma.local [hbm:s3], $0xF7A  }
0x26: {  	[smem:$0x3F9F] =	sst s1;
	(tag) =	ssettag s2;
	_ =	strace s9  }
0x27: {  	s1 =	sld [smem:$0x3FAF]  }
0x28: {  	s2 =	sld [smem:$0x3FB0]  }
0x29: {  	s4 =	sld [smem:$0x3FB2]  }
0x2a: {  	p0 =	seq.s32 s5, $0x0;
	s5 =	sld [smem:$0x3FB3]  }
0x2b: {  	s6 =	sld [smem:$0x3FB4]  }
0x2c: {  	s7 =	sld [smem:$0x3FB5]  }
0x2d: {  	s3 =	simm.s32 $0x108;
	s8 =	sld [smem:$0x3FB6]  }
0x2e: {  	s3 =	simm.s32 @!p0 $0x1082;
	s9 =	sld [smem:$0x3FB7]  }
0x2f: {  	lr =	sadd.s32 s0, s3;
	s0 =	sld [smem:$0x3FAE]  }
0x30: {  	s3 =	sld [smem:$0x3FB1]  }
0x31: {  	[smem:$0x3FBA] =	sst s10  }
0x32: {  	s10 =	sld [smem:$0x3FB8];
	_ =	sdelay $0x3  }
0x33: {  	p0 =	seq.s32 s10, $0x1;
	s10 =	sld [smem:$0x3FBA];
	_ =	sdelay $0x3  }
0x34: {  	[smem:$0x3FBA] =	sst s10  }
0x35: {  	s10 =	sld [smem:$0x3FB9];
	_ =	sdelay $0x3  }
0x36: {  	p1 =	seq.s32 s10, $0x1;
	s10 =	sld [smem:$0x3FBA];
	_ =	sdelay $0x3  }
0x37: {  	[smem:$0x3FBA] =	sst s10  }
0x38: {  	s10 =	sld [smem:$0x3FBB]  }
0x39: {  	_ = 	snop;
	(pc) =	sbr.ind lr, $3  }
0x3a: {  	_ = 	snop  }
0x3b: {  	_ = 	snop  }
0x3c: {  	p2 =	seq.s32 s10, $0x1;
	s10 =	sld [smem:$0x3FBA]  }
0x3d: {  	_ =	shalt  }
0x3e: {  	_ =	shalt  }
0x3f: {  	_ =	shalt  }
0x40: {  	_ =	shalt  }
0x41: {  	_ =	shalt  }
0x42: {  	_ =	shalt  }
0x43: {  	_ =	shalt  }
0x44: {  	_ =	shalt  }
0x45: {  	_ =	shalt  }
0x46: {  	_ =	shalt  }
0x47: {  	_ =	shalt  }
0x48: {  	_ =	shalt  }
0x49: {  	_ =	shalt  }
0x4a: {  	_ =	shalt  }
0x4b: {  	_ =	shalt  }
0x4c: {  	_ =	shalt  }
0x4d: {  	_ =	shalt  }
0x4e: {  	_ =	shalt  }
0x4f: {  	_ =	shalt  }
0x50: {  	_ =	shalt  }
0x51: {  	_ =	shalt  }
0x52: {  	_ =	shalt  }
0x53: {  	_ =	shalt  }
0x54: {  	_ =	shalt  }
0x55: {  	_ =	shalt  }
0x56: {  	_ =	shalt  }
0x57: {  	_ =	shalt  }
0x58: {  	_ =	shalt  }
0x59: {  	_ =	shalt  }
0x5a: {  	_ =	shalt  }
0x5b: {  	_ =	shalt  }
0x5c: {  	_ =	shalt  }
0x5d: {  	_ =	shalt  }
0x5e: {  	_ =	shalt  }
0x5f: {  	_ =	shalt  }
0x60: {  	_ =	shalt  }
0x61: {  	_ =	shalt  }
0x62: {  	_ =	shalt  }
0x63: {  	_ =	shalt  }
0x64: {  	_ =	shalt  }
0x65: {  	_ =	shalt  }
0x66: {  	_ =	shalt  }
0x67: {  	_ =	shalt  }
0x68: {  	_ =	shalt  }
0x69: {  	_ =	shalt  }
0x6a: {  	_ =	shalt  }
0x6b: {  	_ =	shalt  }
0x6c: {  	_ =	shalt  }
0x6d: {  	_ =	shalt  }
0x6e: {  	_ =	shalt  }
0x6f: {  	_ =	shalt  }
0x70: {  	_ =	shalt  }
0x71: {  	_ =	shalt  }
0x72: {  	_ =	shalt  }
0x73: {  	_ =	shalt  }
0x74: {  	_ =	shalt  }
0x75: {  	_ =	shalt  }
0x76: {  	_ =	shalt  }
0x77: {  	_ =	shalt  }
0x78: {  	_ =	shalt  }
0x79: {  	_ =	shalt  }
0x7a: {  	_ =	shalt  }
0x7b: {  	_ =	shalt  }
0x7c: {  	_ =	shalt  }
0x7d: {  	_ =	shalt  }
0x7e: {  	_ =	shalt  }
0x7f: {  	_ =	shalt  }
0x80: {  	_ =	shalt  }
0x81: {  	_ =	shalt  }
0x82: {  	_ =	shalt  }
0x83: {  	_ =	shalt  }
0x84: {  	_ =	shalt  }
0x85: {  	_ =	shalt  }
0x86: {  	_ =	shalt  }
0x87: {  	_ =	shalt  }
.Lfunc_end0:
.L_simem_size_0:
called_computation_lowered:
.L_overlay_start_0:
0x88: {  	s2 =	sld [smem:$0x3FD9]  }
0x89: {  	s3 =	sld [smem:$0x3FFE];
	_ =	sdelay $0x1  }
0x8a: {  	s1 =	srdreg.scid  }
0x8b: {  	s0 =	sand.u32 $0x1, s1  }
0x8c: {  	s18 =	sshll.u32 s0, $0xA;
	s2 =	sadd.s32 s3, s2  }
0x8d: {  	s2 =	sadd.s32 s2, s18  }
0x8e: {  	[smem:$0x3FC6] =	sst s2  }
0x8f: {  	_ = 	snop  }
0x90: {  	s2 =	sld [smem:$0x3FC9]  }
0x91: {  	s19 =	sld [smem:$0x3FC8]  }
0x92: {  	s4 =	sld [smem:$0x3FD0];
	(tm) =	ssettm $0x1  }
0x93: {  	s5 =	sld [smem:$0x3FFB];
	_ =	sdelay $0x3  }
0x94: {  	_ =	strace s5  }
0x95: {  	s5 =	sld [smem:$0x3FFC];
	_ =	sdelay $0x3  }
0x96: {  	_ =	strace s5  }
0x97: {  	s5 =	sld [smem:$0x3FFD];
	_ =	sdelay $0x3  }
0x98: {  	_ =	strace s5  }
0x99: {  	_ =	strace $0x8FFFFFFF  }
0x9a: {  	s20 =	sld [smem:$0x3FDB];
	_ =	sdelay $0x1  }
0x9b: {  	s6 =	simm.s32 $_scs_section_size  }
0x9c: {  	s7 =	simm.s32 $_size__tile_overlayer_lowered;
	s8 =	simm.s32 $_tile_overlayer_lowered  }
0x9d: {  	s23 =	simm.s32 $0x1BFF;
	s22 =	sshll.u32 s8, $0x1;
	s5 =	sadd.s32 s6, s20  }
0x9e: {  	s9 =	simm.s32 $0x0;
	s21 =	sshll.u32 s7, $0x1;
	s7 =	sadd.s32 s22, s5  }
0x9f: {  	[timem:s9], [sflag:s23] =	dma.local [hbm:s7], s21  }
0xa0: {  	_ =	swait.ge [sflag:s23], s21  }
0xa1: {  	s6 =	ssub.s32 $0x0, s21;
	[sflag:s23] =	ssyncset.done $0x0  }
0xa2: {  	[sflag:s23] =	ssyncadd.s32 s6;
	_ =	sdelay $0x1  }
0xa3: {  	s24 =	simm.s32 $0x1B8B  }
0xa4: {  	_ =	swait.ge [sflag:s24], $0x1  }
0xa5: {  	[sflag:s24] =	ssyncset.done $0x0  }
0xa6: {  	s25 =	simm.s32 $0x1B8E;
	[sflag:s24] =	ssyncadd.s32 $0xFFFFFFFF  }
0xa7: {  	s26 =	simm.s32 $execute0_lowered;
	[smem:$0x3FD2] =	sst s25  }
0xa8: {  	s6 =	sshll.u32 s26, $0x1;
	_ =	strace $0x80000046;
	[dreg:$0x1] =	wrdreg $0xFFFFFFFF  }
0xa9: {  	s28 =	simm.s32 $_size_execute0_lowered;
	s5 =	sadd.s32 s5, s6;
	[dreg:$0x0] =	wrdreg $0x0  }
0xaa: {  	s6 =	sshll.u32 s28, $0x1;
	[dreg:$0x2] =	wrdreg s5  }
0xab: {  	[dreg:$0x3] =	wrdreg s6  }
0xac: {  	[dreg:$0x4] =	wrdreg $0xC0  }
0xad: {  	_ =	task [dreg:s9], $0x5FFFF  }
0xae: {  	[dreg:$0x1] =	wrdreg $0xFFFFFFFF  }
0xaf: {  	[dreg:$0x0] =	wrdreg $0x60  }
0xb0: {  	[dreg:$0x2] =	wrdreg s2  }
0xb1: {  	[dreg:$0x3] =	wrdreg s19  }
0xb2: {  	[dreg:$0x4] =	wrdreg s4  }
0xb3: {  	[dreg:$0x5] =	wrdreg $0x9  }
0xb4: {  	_ =	task.clear_ibuf [dreg:s9], $0x6FFFF;
	_ =	strace $0x90000046  }
0xb5: {  	s29 =	simm.s32 $0x9;
	_ =	strace $0x80000048  }
0xb6: {  	_ =	swait.ge [sflag:s29], $0x1  }
0xb7: {  	[sflag:s29] =	ssyncadd.s32 $0xFFFFFFFF  }
0xb8: {  	_ =	strace $0x90000048  }
0xb9: {  	_ =	sfence  }
0xba: {  	s30 =	sld [smem:$0x0];
	_ =	sdelay $0x2  }
0xbb: {  	s31 =	sshll.u32 s1, $0xD;
	s1 =	sshrl.u32 s1, $0x2  }
0xbc: {  	s3 =	sand.u32 $0x4000, s31;
	s1 =	sadd.s32 s1, s30  }
0xbd: {  	s0 =	sor.u32 s3, s0;
	s1 =	sshll.u32 s1, $0x11  }
0xbe: {  	s0 =	sor.u32 s1, s0  }
0xbf: {  	s0 =	sadd.s32 $0x8F2B, s0  }
0xc0: {  	[sflag:s0] =	ssyncadd.remote.s32 $0x1  }
0xc1: {  	_ =	sfence.sel $0xFFFF  }
0xc2: {  	[dreg:$0x0] =	wrdreg $0xFFFFFFFF;
	(pc) =	sbr.abs _section_cstart, $3  }
0xc3: {  	[dreg:$0x1] =	wrdreg $0xFFFFFFFF  }
0xc4: {  	_ =	task.clear_ibuf [dreg:s9], $0x2FFFF;
	_ =	strace $0x9FFFFFFF  }
0xc5: {  	(tm) =	ssettm $0x7FFFFFFF  }
tec
execute0_lowered:
.L_overlay_start_1:
0x0: {  	(tag) =	ssettag $0x1  }
0x1: {  	s31 =	rddreg [dreg:$0x0];
	s0 =	srdreg.scid  }
0x2: {  	s3 =	rddreg [dreg:$0x1];
	s1 =	stileid.u32  }
0x3: {  	s4 =	rddreg [dreg:$0x2];
	s6 =	simm.s32 $0x0;
	s0 =	sand.u32 $0x1, s0  }
0x4: {  	s1 =	sshll.u32 s1, $0x9;
	[smem:$0x7FF] =	sst s6;
	s25 =	sadd.s32 $0x100000, s4  }
0x5: {  	s26 =	sadd.s32 $0x200000, s4;
	_ =	strace $0x80000047;
	[dreg:$0xc] =	wrdreg s25  }
0x6: {  	s28 =	sadd.s32 $0x300000, s4;
	s2 =	sshll.u32 s0, $0x8;
	[dreg:$0xd] =	wrdreg s26  }
0x7: {  	[dreg:$0xe] =	wrdreg s28;
	s2 =	sor.u32 s2, s1  }
0x8: {  	s21 =	sadd.s32 $0x100000, s31;
	s5 =	sshll.u32 s2, $0x7;
	[dreg:$0x4] =	wrdreg s2  }
0x9: {  	s22 =	sadd.s32 $0x200000, s31;
	s29 =	sshrl.u32 s2, $0x3;
	[dreg:$0x5] =	wrdreg s5  }
0xa: {  	s24 =	sadd.s32 $0x300000, s31;
	s30 =	sor.u32 $0x18, s2;
	[dreg:$0xf] =	wrdreg s29  }
0xb: {  	s0 =	ssub.s32 $0x2, s0;
	s3 =	sadd.s32 s3, s5;
	[dreg:$0x10] =	wrdreg s30  }
0xc: {  	s18 =	sshrl.u32 s0, $0x1;
	s20 =	sadd.s32 s31, s5;
	[dreg:$0x6] =	wrdreg s3  }
0xd: {  	s0 =	ssub.s32 s0, s18;
	s1 =	sadd.s32 s5, s21;
	[dreg:$0x8] =	wrdreg s20  }
.Ltmp0:
0xe: {  	s23 =	sadd.s32 s5, s22;
	[dreg:$0x9] =	wrdreg s1;
	(pc) =	sbr.rel .LBB2_1-.Ltmp0, $4  }
0xf: {  	s12 =	smov.u32 s21;
	s0 =	smax.u32 s0, $0x1;
	[dreg:$0xa] =	wrdreg s23  }
0x10: {  	s15 =	smov.u32 s22;
	s19 =	sadd.s32 $0x400, s3;
	[dreg:$0x11] =	wrdreg s0  }
0x11: {  	s1 =	sadd.s32 s5, s24;
	s20 =	sor.u32 $0x10, s2;
	[dreg:$0x7] =	wrdreg s19  }
0x12: {  	s2 =	simm.s32 $0x0;
	s19 =	smov.u32 s24;
	[dreg:$0xb] =	wrdreg s1  }
.LBB2_20:
0x13: {  	s0 =	simm.s32 $0x9  }
0x14: {  	_ =	swait.ge [sflag:s0], $0x2000  }
0x15: {  	[sflag:s0] =	ssyncset.done $0x0  }
0x16: {  	s23 =	simm.s32 $0xA;
	[sflag:s0] =	ssyncadd.s32 $0xFFFFE000  }
0x17: {  	_ =	swait.ge [sflag:s23], $0x2000  }
0x18: {  	[sflag:s23] =	ssyncset.done $0x0  }
0x19: {  	s24 =	simm.s32 $0xB;
	[sflag:s23] =	ssyncadd.s32 $0xFFFFE000  }
0x1a: {  	_ =	swait.ge [sflag:s24], $0x2000  }
0x1b: {  	[sflag:s24] =	ssyncset.done $0x0  }
0x1c: {  	s25 =	simm.s32 $0xC;
	[sflag:s24] =	ssyncadd.s32 $0xFFFFE000  }
0x1d: {  	_ =	swait.ge [sflag:s25], $0x2000  }
0x1e: {  	[sflag:s25] =	ssyncset.done $0x0  }
0x1f: {  	s26 =	simm.s32 $0xD;
	[sflag:s25] =	ssyncadd.s32 $0xFFFFE000  }
0x20: {  	_ =	swait.ge [sflag:s26], $0x2000  }
0x21: {  	[sflag:s26] =	ssyncset.done $0x0  }
0x22: {  	s28 =	simm.s32 $0xE;
	[sflag:s26] =	ssyncadd.s32 $0xFFFFE000  }
0x23: {  	_ =	swait.ge [sflag:s28], $0x2000  }
0x24: {  	[sflag:s28] =	ssyncset.done $0x0  }
0x25: {  	s29 =	simm.s32 $0xF;
	[sflag:s28] =	ssyncadd.s32 $0xFFFFE000  }
0x26: {  	_ =	swait.ge [sflag:s29], $0x2000  }
0x27: {  	[sflag:s29] =	ssyncset.done $0x0  }
0x28: {  	s1 =	simm.s32 $0x10;
	[sflag:s29] =	ssyncadd.s32 $0xFFFFE000  }
0x29: {  	_ =	swait.ge [sflag:s1], $0x2000  }
0x2a: {  	s2 =	rddreg [dreg:$0x12]  }
0x2b: {  	s30 =	rddreg [dreg:$0x11];
	s2 =	sadd.s32 $0x1, s2  }
0x2c: {  	p0 =	sne.s32 s2, s30  }
.Ltmp1:
0x2d: {  	_ = 	snop;
	(pc) =	sbr.rel @!p0 .LBB2_21-.Ltmp1, $3  }
0x2e: {  	_ =	sdelay $0x1  }
0x2f: {  	[sflag:s1] =	ssyncset.done $0x0  }
0x30: {  	[sflag:s1] =	ssyncadd.s32 $0xFFFFE000  }
.LBB2_1:
0x31: {  	[dreg:$0x12] =	wrdreg s2  }
0x32: {  	s0 =	rddreg [dreg:$0x6];
	s1 =	simm.s32 $0x10000  }
0x33: {  	[tilespmem:s1], [sflag:$0x11] =	stream.linear.gather [hbm4b:s0+s6], $0x2000, $0x38;
	[tilespmem:$0x14000] =	vst v63  }
0x34: {  	s18 =	rddreg [dreg:$0x7];
	s21 =	simm.s32 $0x12000  }
0x35: {  	[tilespmem:s21], [sflag:$0x12] =	stream.linear.gather [hbm4b:s18+s6], $0x2000, $0x38;
	[tilespmem:$0x14000] =	vst v63  }
0x36: {  	s22 =	rddreg [dreg:$0x8]  }
0x37: {  	[tilespmem:s6], [sflag:$0x1] =	stream.linear.gather [hbm4b:s22+s6], $0x2000, $0x38;
	[tilespmem:$0x14000] =	vst v63  }
0x38: {  	s23 =	rddreg [dreg:$0x9];
	s24 =	simm.s32 $0x2000  }
0x39: {  	[tilespmem:s24], [sflag:$0x2] =	stream.linear.gather [hbm4b:s23+s6], $0x2000, $0x38;
	[tilespmem:$0x14000] =	vst v63  }
0x3a: {  	s11 =	smov.u32 s4;
	s25 =	rddreg [dreg:$0xa];
	s26 =	simm.s32 $0x4000  }
0x3b: {  	[tilespmem:s26], [sflag:$0x3] =	stream.linear.gather [hbm4b:s25+s6], $0x2000, $0x38;
	[tilespmem:$0x14000] =	vst v63  }
0x3c: {  	s29 =	rddreg [dreg:$0xb];
	s30 =	simm.s32 $0x6000;
	s28 =	simm.s32 $0x0  }
0x3d: {  	[tilespmem:s30], [sflag:$0x4] =	stream.linear.gather [hbm4b:s29+s6], $0x2000, $0x38;
	[tilespmem:$0x14000] =	vst v63  }
.LBB2_2:
0x3e: {  	s0 =	simm.s32 $0x11  }
0x3f: {  	p0 =	seq.s32 s28, $0x0;
	_ =	swait.ge [sflag:s0], $0x2000  }
0x40: {  	s29 =	sshll.u32 s28, $0x4;
	[sflag:s0] =	ssyncset.done $0x0;
	s10 =	rddreg [dreg:$0x4]  }
0x41: {  	s3 =	simm.s32 @!p0 $0xD;
	[sflag:s0] =	ssyncadd.s32 $0xFFFFE000;
	s1 =	sor.u32 s29, s10  }
0x42: {  	s5 =	simm.s32 $0x0;
	_ =	swait.ge @!p0 [sflag:s3], $0x2000;
	s1 =	sshll.u32 s1, $0x7  }
0x43: {  	s14 =	simm.s32 $0x8000;
	[sflag:s3] =	ssyncset.done @!p0 $0x0;
	s1 =	sor.u32 $0x400, s1  }
0x44: {  	s16 =	simm.s32 $0x1;
	[sflag:s3] =	ssyncadd.s32 @!p0 $0xFFFFE000;
	s13 =	sadd.s32 s31, s1  }
0x45: {  	[tilespmem:s14], [sflag:$0x5] =	stream.linear.gather [hbm4b:s13+s5], $0x2000, $0x38;
	[tilespmem:$0x14000] =	vst v63  }
0x46: {  	_ =	swait.ge [sflag:s16], $0x2000  }
0x47: {  	s17 =	sand.u32 $0x1800, s5;
	s5 =	sand.u32 $0x380, s5;
	[sflag:s16] =	ssyncset.done $0x0  }
0x48: {  	s7 =	sor.u32 s17, s5;
	[sflag:s16] =	ssyncadd.s32 $0xFFFFE000  }
0x49: {  	v0 =	vld [tilespmem:s7+$0x10470]  }
0x4a: {  	v2 =	vld [tilespmem:s7+$0x10000]  }
0x4b: {  	v3 =	vld [tilespmem:s7+$0x10010]  }
0x4c: {  	v4 =	vld [tilespmem:s7+$0x10020]  }
0x4d: {  	v5 =	vld [tilespmem:s7+$0x10030]  }
0x4e: {  	v6 =	vld [tilespmem:s7+$0x10040]  }
0x4f: {  	v7 =	vld [tilespmem:s7+$0x10050]  }
0x50: {  	v8 =	vld [tilespmem:s7+$0x10060]  }
0x51: {  	v9 =	vld [tilespmem:s7+$0x10070]  }
0x52: {  	v10 =	vld [tilespmem:s7+$0x10400]  }
0x53: {  	v11 =	vld [tilespmem:s7+$0x10410]  }
0x54: {  	v12 =	vld [tilespmem:s7+$0x10420]  }
0x55: {  	v13 =	vld [tilespmem:s7+$0x10430]  }
0x56: {  	v14 =	vld [tilespmem:s7+$0x10440]  }
0x57: {  	s3 =	sor.u32 $0x470, s7;
	v1 =	vld [tilespmem:s7+$0x10450]  }
0x58: {  	[tilespmem:s3+$0x0] =	vst.add.f32.msk $0xffff, v0  }
0x59: {  	v0 =	vld [tilespmem:s7+$0x10460]  }
0x5a: {  	s18 =	sor.u32 $0x10, s7;
	[tilespmem:s7+$0x0] =	vst.add.f32.msk $0xffff, v2  }
0x5b: {  	s5 =	sor.u32 $0x20, s7;
	[tilespmem:s18+$0x0] =	vst.add.f32.msk $0xffff, v3  }
0x5c: {  	s21 =	sor.u32 $0x30, s7;
	[tilespmem:s5+$0x0] =	vst.add.f32.msk $0xffff, v4  }
0x5d: {  	s22 =	sor.u32 $0x40, s7;
	[tilespmem:s21+$0x0] =	vst.add.f32.msk $0xffff, v5  }
0x5e: {  	s23 =	sor.u32 $0x50, s7;
	[tilespmem:s22+$0x0] =	vst.add.f32.msk $0xffff, v6  }
0x5f: {  	s24 =	sor.u32 $0x60, s7;
	[tilespmem:s23+$0x0] =	vst.add.f32.msk $0xffff, v7  }
0x60: {  	s25 =	sor.u32 $0x70, s7;
	[tilespmem:s24+$0x0] =	vst.add.f32.msk $0xffff, v8  }
0x61: {  	s26 =	sor.u32 $0x400, s7;
	[tilespmem:s25+$0x0] =	vst.add.f32.msk $0xffff, v9  }
0x62: {  	s30 =	sor.u32 $0x410, s7;
	[tilespmem:s26+$0x0] =	vst.add.f32.msk $0xffff, v10  }
0x63: {  	s4 =	smov.u32 s31;
	s31 =	sor.u32 $0x420, s7;
	[tilespmem:s30+$0x0] =	vst.add.f32.msk $0xffff, v11  }
0x64: {  	s17 =	sor.u32 $0x430, s7;
	s3 =	sshll.u32 s28, $0x1;
	[tilespmem:s31+$0x0] =	vst.add.f32.msk $0xffff, v12  }
0x65: {  	s5 =	simm.s32 $0x0;
	s22 =	sor.u32 $0x440, s7;
	s21 =	sor.u32 $0x450, s7;
	[tilespmem:s17+$0x0] =	vst.add.f32.msk $0xffff, v13  }
0x66: {  	s18 =	sor.u32 $0x460, s7;
	s7 =	simm.s32 $0x800;
	s17 =	simm.s32 $0x20;
	[tilespmem:s22+$0x0] =	vst.add.f32.msk $0xffff, v14  }
.LBB2_3:
0x67: {  	s22 =	sand.u32 $0x1800, s7;
	s31 =	sand.u32 $0x380, s17;
	s5 =	sadd.s32 $0x10, s5;
	[tilespmem:s21+$0x0] =	vst.add.f32.msk $0xffff, v1  }
0x68: {  	s22 =	sor.u32 s22, s31;
	p1 =	slt.u32 s5, $0x1F0;
	[tilespmem:s18+$0x0] =	vst.add.f32.msk $0xffff, v0  }
0x69: {  	s31 =	sor.u32 $0x10, s22;
	s0 =	sor.u32 $0x20, s22;
	s9 =	sor.u32 $0x30, s22;
	v0 =	vld [tilespmem:s22+$0x10470]  }
0x6a: {  	s13 =	sor.u32 $0x40, s22;
	s30 =	sor.u32 $0x50, s22;
	s2 =	sor.u32 $0x60, s22;
	v2 =	vld [tilespmem:s22+$0x10000]  }
0x6b: {  	s24 =	sor.u32 $0x70, s22;
	s10 =	sor.u32 $0x400, s22;
	s14 =	sor.u32 $0x410, s22;
	v3 =	vld [tilespmem:s22+$0x10010]  }
0x6c: {  	s16 =	sor.u32 $0x420, s22;
	s23 =	sor.u32 $0x430, s22;
	s8 =	sor.u32 $0x440, s22;
	v4 =	vld [tilespmem:s22+$0x10020]  }
0x6d: {  	s21 =	sor.u32 $0x450, s22;
	s18 =	sor.u32 $0x460, s22;
	s25 =	sor.u32 $0x470, s22;
	v5 =	vld [tilespmem:s22+$0x10030]  }
0x6e: {  	[tilespmem:s25+$0x0] =	vst.add.f32.msk $0xffff, v0  }
0x6f: {  	v6 =	vld [tilespmem:s22+$0x10040]  }
0x70: {  	v7 =	vld [tilespmem:s22+$0x10050]  }
0x71: {  	v8 =	vld [tilespmem:s22+$0x10060]  }
0x72: {  	v9 =	vld [tilespmem:s22+$0x10070]  }
0x73: {  	v10 =	vld [tilespmem:s22+$0x10400]  }
0x74: {  	v11 =	vld [tilespmem:s22+$0x10410]  }
0x75: {  	v12 =	vld [tilespmem:s22+$0x10420]  }
0x76: {  	v13 =	vld [tilespmem:s22+$0x10430]  }
0x77: {  	v14 =	vld [tilespmem:s22+$0x10440]  }
0x78: {  	v1 =	vld [tilespmem:s22+$0x10450]  }
0x79: {  	v0 =	vld [tilespmem:s22+$0x10460]  }
0x7a: {  	[tilespmem:s22+$0x0] =	vst.add.f32.msk $0xffff, v2  }
0x7b: {  	[tilespmem:s31+$0x0] =	vst.add.f32.msk $0xffff, v3  }
0x7c: {  	[tilespmem:s0+$0x0] =	vst.add.f32.msk $0xffff, v4  }
0x7d: {  	[tilespmem:s9+$0x0] =	vst.add.f32.msk $0xffff, v5  }
0x7e: {  	[tilespmem:s13+$0x0] =	vst.add.f32.msk $0xffff, v6  }
0x7f: {  	[tilespmem:s30+$0x0] =	vst.add.f32.msk $0xffff, v7  }
0x80: {  	[tilespmem:s2+$0x0] =	vst.add.f32.msk $0xffff, v8  }
0x81: {  	[tilespmem:s24+$0x0] =	vst.add.f32.msk $0xffff, v9  }
.Ltmp2:
0x82: {  	[tilespmem:s10+$0x0] =	vst.add.f32.msk $0xffff, v10;
	(pc) =	sbr.rel @p1 .LBB2_3-.Ltmp2, $4  }
0x83: {  	[tilespmem:s14+$0x0] =	vst.add.f32.msk $0xffff, v11  }
0x84: {  	[tilespmem:s16+$0x0] =	vst.add.f32.msk $0xffff, v12  }
0x85: {  	[tilespmem:s23+$0x0] =	vst.add.f32.msk $0xffff, v13  }
0x86: {  	s7 =	sadd.s32 $0x800, s7;
	s17 =	sadd.s32 $0x20, s17;
	[tilespmem:s8+$0x0] =	vst.add.f32.msk $0xffff, v14  }
0x87: {  	[tilespmem:s21+$0x0] =	vst.add.f32.msk $0xffff, v1  }
0x88: {  	s0 =	sshll.u32 s28, $0xB;
	s2 =	rddreg [dreg:$0x5]  }
0x89: {  	s22 =	sadd.s32 s2, s0  }
0x8a: {  	[tilespmem:s18+$0x0] =	vst.add.f32.msk $0xffff, v0;
	s0 =	sadd.s32 s11, s22  }
0x8b: {  	[hbm4b:s0+s6] =	stream.linear.scatter [tilespmem:s6], [sflag:$0x9], $0x2000, $0x38;
	[tilespmem:$0x14000] =	vst v63  }
0x8c: {  	s0 =	simm.s32 @!p0 $0xE  }
0x8d: {  	_ =	swait.ge @!p0 [sflag:s0], $0x2000  }
0x8e: {  	s25 =	sadd.s32 s1, s12;
	s5 =	simm.s32 $0x0;
	[sflag:s0] =	ssyncset.done @!p0 $0x0  }
0x8f: {  	s26 =	simm.s32 $0xA000;
	s8 =	simm.s32 $0x2;
	[sflag:s0] =	ssyncadd.s32 @!p0 $0xFFFFE000  }
0x90: {  	[tilespmem:s26], [sflag:$0x6] =	stream.linear.gather [hbm4b:s25+s5], $0x2000, $0x38;
	[tilespmem:$0x14000] =	vst v63  }
0x91: {  	s30 =	sand.u32 $0x1800, s5;
	_ =	swait.ge [sflag:s8], $0x2000  }
0x92: {  	s13 =	sand.u32 $0x380, s5;
	s7 =	sor.u32 $0x400, s30;
	[sflag:s8] =	ssyncset.done $0x0  }
0x93: {  	s14 =	sor.u32 s13, s7;
	[sflag:s8] =	ssyncadd.s32 $0xFFFFE000  }
0x94: {  	v0 =	vld [tilespmem:s14+$0x10070]  }
0x95: {  	v3 =	vld [tilespmem:s14+$0x10000]  }
0x96: {  	v4 =	vld [tilespmem:s14+$0x10010]  }
0x97: {  	v5 =	vld [tilespmem:s14+$0x10020]  }
0x98: {  	v6 =	vld [tilespmem:s14+$0x10030]  }
0x99: {  	v7 =	vld [tilespmem:s14+$0x10040]  }
0x9a: {  	v8 =	vld [tilespmem:s14+$0x10050]  }
0x9b: {  	s2 =	sor.u32 s13, s30;
	v9 =	vld [tilespmem:s14+$0x10060]  }
0x9c: {  	v10 =	vld [tilespmem:s2+$0x10000]  }
0x9d: {  	v11 =	vld [tilespmem:s2+$0x10010]  }
0x9e: {  	v12 =	vld [tilespmem:s2+$0x10020]  }
0x9f: {  	v13 =	vld [tilespmem:s2+$0x10030]  }
0xa0: {  	s9 =	sor.u32 $0x2000, s13;
	v14 =	vld [tilespmem:s2+$0x10040]  }
0xa1: {  	s7 =	sor.u32 s7, s9;
	v2 =	vld [tilespmem:s2+$0x10050]  }
0xa2: {  	s10 =	sor.u32 $0x70, s7;
	v1 =	vld [tilespmem:s2+$0x10060]  }
0xa3: {  	[tilespmem:s10+$0x0] =	vst.add.f32.msk $0xffff, v0  }
0xa4: {  	v0 =	vld [tilespmem:s2+$0x10070]  }
0xa5: {  	s16 =	sor.u32 $0x10, s7;
	[tilespmem:s7+$0x0] =	vst.add.f32.msk $0xffff, v3  }
0xa6: {  	s17 =	sor.u32 $0x20, s7;
	[tilespmem:s16+$0x0] =	vst.add.f32.msk $0xffff, v4  }
0xa7: {  	s18 =	sor.u32 $0x30, s7;
	[tilespmem:s17+$0x0] =	vst.add.f32.msk $0xffff, v5  }
0xa8: {  	s21 =	sor.u32 $0x40, s7;
	[tilespmem:s18+$0x0] =	vst.add.f32.msk $0xffff, v6  }
0xa9: {  	s23 =	sor.u32 $0x50, s7;
	[tilespmem:s21+$0x0] =	vst.add.f32.msk $0xffff, v7  }
0xaa: {  	s0 =	sor.u32 s30, s9;
	[tilespmem:s23+$0x0] =	vst.add.f32.msk $0xffff, v8  }
0xab: {  	s24 =	sor.u32 $0x10, s0;
	[tilespmem:s0+$0x0] =	vst.add.f32.msk $0xffff, v10  }
0xac: {  	s25 =	sor.u32 $0x20, s0;
	[tilespmem:s24+$0x0] =	vst.add.f32.msk $0xffff, v11  }
0xad: {  	s26 =	sor.u32 $0x30, s0;
	[tilespmem:s25+$0x0] =	vst.add.f32.msk $0xffff, v12  }
0xae: {  	s30 =	sor.u32 $0x40, s0;
	[tilespmem:s26+$0x0] =	vst.add.f32.msk $0xffff, v13  }
0xaf: {  	s31 =	sor.u32 $0x50, s0;
	s7 =	sor.u32 $0x60, s7;
	s21 =	sor.u32 $0x60, s0;
	[tilespmem:s30+$0x0] =	vst.add.f32.msk $0xffff, v14  }
0xb0: {  	s18 =	sor.u32 $0x70, s0;
	s17 =	simm.s32 $0x800;
	[tilespmem:s7+$0x0] =	vst.add.f32.msk $0xffff, v9;
	s7 =	simm.s32 $0x0  }
.LBB2_5:
0xb1: {  	s0 =	sand.u32 $0x1800, s17;
	s7 =	sadd.s32 $0x10, s7;
	[tilespmem:s31+$0x0] =	vst.add.f32.msk $0xffff, v2;
	s5 =	sadd.s32 $0x20, s5  }
0xb2: {  	s2 =	sand.u32 $0x380, s5;
	s8 =	sor.u32 $0x400, s0;
	p1 =	slt.u32 s7, $0x1F0;
	[tilespmem:s21+$0x0] =	vst.add.f32.msk $0xffff, v1  }
0xb3: {  	s9 =	sor.u32 s2, s0;
	s10 =	sor.u32 s2, s8;
	[tilespmem:s18+$0x0] =	vst.add.f32.msk $0xffff, v0  }
0xb4: {  	v0 =	vld [tilespmem:s10+$0x10070]  }
0xb5: {  	v3 =	vld [tilespmem:s10+$0x10000]  }
0xb6: {  	s2 =	sor.u32 $0x2000, s2;
	v4 =	vld [tilespmem:s10+$0x10010]  }
0xb7: {  	s0 =	sor.u32 s0, s2;
	s2 =	sor.u32 s8, s2;
	v5 =	vld [tilespmem:s10+$0x10020]  }
0xb8: {  	s8 =	sor.u32 $0x10, s0;
	s13 =	sor.u32 $0x20, s0;
	s14 =	sor.u32 $0x70, s2;
	v6 =	vld [tilespmem:s10+$0x10030]  }
0xb9: {  	s16 =	sor.u32 $0x30, s0;
	s23 =	sor.u32 $0x40, s0;
	s31 =	sor.u32 $0x50, s0;
	[tilespmem:s14+$0x0] =	vst.add.f32.msk $0xffff, v0  }
0xba: {  	s21 =	sor.u32 $0x60, s0;
	s18 =	sor.u32 $0x70, s0;
	s14 =	sor.u32 $0x10, s2;
	v7 =	vld [tilespmem:s10+$0x10040]  }
0xbb: {  	s24 =	sor.u32 $0x20, s2;
	s25 =	sor.u32 $0x30, s2;
	s30 =	sor.u32 $0x40, s2;
	v8 =	vld [tilespmem:s10+$0x10050]  }
0xbc: {  	s26 =	sor.u32 $0x50, s2;
	v9 =	vld [tilespmem:s10+$0x10060];
	s10 =	sor.u32 $0x60, s2  }
0xbd: {  	v10 =	vld [tilespmem:s9+$0x10000]  }
0xbe: {  	v11 =	vld [tilespmem:s9+$0x10010]  }
0xbf: {  	v12 =	vld [tilespmem:s9+$0x10020]  }
0xc0: {  	v13 =	vld [tilespmem:s9+$0x10030]  }
0xc1: {  	v14 =	vld [tilespmem:s9+$0x10040]  }
0xc2: {  	v2 =	vld [tilespmem:s9+$0x10050]  }
0xc3: {  	v1 =	vld [tilespmem:s9+$0x10060]  }
0xc4: {  	v0 =	vld [tilespmem:s9+$0x10070]  }
0xc5: {  	[tilespmem:s2+$0x0] =	vst.add.f32.msk $0xffff, v3  }
0xc6: {  	[tilespmem:s14+$0x0] =	vst.add.f32.msk $0xffff, v4  }
0xc7: {  	[tilespmem:s24+$0x0] =	vst.add.f32.msk $0xffff, v5  }
0xc8: {  	[tilespmem:s25+$0x0] =	vst.add.f32.msk $0xffff, v6  }
0xc9: {  	[tilespmem:s30+$0x0] =	vst.add.f32.msk $0xffff, v7  }
0xca: {  	[tilespmem:s26+$0x0] =	vst.add.f32.msk $0xffff, v8  }
0xcb: {  	[tilespmem:s10+$0x0] =	vst.add.f32.msk $0xffff, v9  }
.Ltmp3:
0xcc: {  	[tilespmem:s0+$0x0] =	vst.add.f32.msk $0xffff, v10;
	(pc) =	sbr.rel @p1 .LBB2_5-.Ltmp3, $4  }
0xcd: {  	[tilespmem:s8+$0x0] =	vst.add.f32.msk $0xffff, v11  }
0xce: {  	[tilespmem:s13+$0x0] =	vst.add.f32.msk $0xffff, v12  }
0xcf: {  	[tilespmem:s16+$0x0] =	vst.add.f32.msk $0xffff, v13  }
0xd0: {  	s17 =	sadd.s32 $0x800, s17;
	[tilespmem:s23+$0x0] =	vst.add.f32.msk $0xffff, v14  }
0xd1: {  	[tilespmem:s31+$0x0] =	vst.add.f32.msk $0xffff, v2  }
0xd2: {  	[tilespmem:s21+$0x0] =	vst.add.f32.msk $0xffff, v1  }
0xd3: {  	[tilespmem:s18+$0x0] =	vst.add.f32.msk $0xffff, v0  }
0xd4: {  	s0 =	rddreg [dreg:$0xc]  }
0xd5: {  	s2 =	simm.s32 $0x2000;
	s0 =	sadd.s32 s22, s0  }
0xd6: {  	[hbm4b:s0+s6] =	stream.linear.scatter [tilespmem:s2], [sflag:$0xA], $0x2000, $0x38;
	[tilespmem:$0x14000] =	vst v63  }
0xd7: {  	s0 =	simm.s32 @!p0 $0xF  }
0xd8: {  	_ =	swait.ge @!p0 [sflag:s0], $0x2000  }
0xd9: {  	s25 =	sadd.s32 s1, s15;
	s5 =	simm.s32 $0x0;
	[sflag:s0] =	ssyncset.done @!p0 $0x0  }
0xda: {  	s26 =	simm.s32 $0xC000;
	s8 =	simm.s32 $0x3;
	[sflag:s0] =	ssyncadd.s32 @!p0 $0xFFFFE000  }
0xdb: {  	[tilespmem:s26], [sflag:$0x7] =	stream.linear.gather [hbm4b:s25+s5], $0x2000, $0x38;
	[tilespmem:$0x14000] =	vst v63  }
0xdc: {  	s30 =	sand.u32 $0x1800, s5;
	_ =	swait.ge [sflag:s8], $0x2000  }
0xdd: {  	s13 =	sand.u32 $0x380, s5;
	s7 =	sor.u32 $0x400, s30;
	[sflag:s8] =	ssyncset.done $0x0  }
0xde: {  	s14 =	sor.u32 s13, s7;
	[sflag:s8] =	ssyncadd.s32 $0xFFFFE000  }
0xdf: {  	v0 =	vld [tilespmem:s14+$0x10070]  }
0xe0: {  	v3 =	vld [tilespmem:s14+$0x10000]  }
0xe1: {  	v4 =	vld [tilespmem:s14+$0x10010]  }
0xe2: {  	v5 =	vld [tilespmem:s14+$0x10020]  }
0xe3: {  	v6 =	vld [tilespmem:s14+$0x10030]  }
0xe4: {  	v7 =	vld [tilespmem:s14+$0x10040]  }
0xe5: {  	v8 =	vld [tilespmem:s14+$0x10050]  }
0xe6: {  	s2 =	sor.u32 s13, s30;
	v9 =	vld [tilespmem:s14+$0x10060]  }
0xe7: {  	v10 =	vld [tilespmem:s2+$0x10000]  }
0xe8: {  	v11 =	vld [tilespmem:s2+$0x10010]  }
0xe9: {  	v12 =	vld [tilespmem:s2+$0x10020]  }
0xea: {  	v13 =	vld [tilespmem:s2+$0x10030]  }
0xeb: {  	s9 =	sor.u32 $0x4000, s13;
	v14 =	vld [tilespmem:s2+$0x10040]  }
0xec: {  	s7 =	sor.u32 s7, s9;
	v2 =	vld [tilespmem:s2+$0x10050]  }
0xed: {  	s10 =	sor.u32 $0x70, s7;
	v1 =	vld [tilespmem:s2+$0x10060]  }
0xee: {  	[tilespmem:s10+$0x0] =	vst.add.f32.msk $0xffff, v0  }
0xef: {  	v0 =	vld [tilespmem:s2+$0x10070]  }
0xf0: {  	s16 =	sor.u32 $0x10, s7;
	[tilespmem:s7+$0x0] =	vst.add.f32.msk $0xffff, v3  }
0xf1: {  	s17 =	sor.u32 $0x20, s7;
	[tilespmem:s16+$0x0] =	vst.add.f32.msk $0xffff, v4  }
0xf2: {  	s18 =	sor.u32 $0x30, s7;
	[tilespmem:s17+$0x0] =	vst.add.f32.msk $0xffff, v5  }
0xf3: {  	s21 =	sor.u32 $0x40, s7;
	[tilespmem:s18+$0x0] =	vst.add.f32.msk $0xffff, v6  }
0xf4: {  	s23 =	sor.u32 $0x50, s7;
	[tilespmem:s21+$0x0] =	vst.add.f32.msk $0xffff, v7  }
0xf5: {  	s0 =	sor.u32 s30, s9;
	[tilespmem:s23+$0x0] =	vst.add.f32.msk $0xffff, v8  }
0xf6: {  	s24 =	sor.u32 $0x10, s0;
	[tilespmem:s0+$0x0] =	vst.add.f32.msk $0xffff, v10  }
0xf7: {  	s25 =	sor.u32 $0x20, s0;
	[tilespmem:s24+$0x0] =	vst.add.f32.msk $0xffff, v11  }
0xf8: {  	s26 =	sor.u32 $0x30, s0;
	[tilespmem:s25+$0x0] =	vst.add.f32.msk $0xffff, v12  }
0xf9: {  	s30 =	sor.u32 $0x40, s0;
	[tilespmem:s26+$0x0] =	vst.add.f32.msk $0xffff, v13  }
0xfa: {  	s31 =	sor.u32 $0x50, s0;
	s7 =	sor.u32 $0x60, s7;
	s21 =	sor.u32 $0x60, s0;
	[tilespmem:s30+$0x0] =	vst.add.f32.msk $0xffff, v14  }
0xfb: {  	s18 =	sor.u32 $0x70, s0;
	s17 =	simm.s32 $0x800;
	[tilespmem:s7+$0x0] =	vst.add.f32.msk $0xffff, v9;
	s7 =	simm.s32 $0x0  }
.LBB2_7:
0xfc: {  	s0 =	sand.u32 $0x1800, s17;
	s7 =	sadd.s32 $0x10, s7;
	[tilespmem:s31+$0x0] =	vst.add.f32.msk $0xffff, v2;
	s5 =	sadd.s32 $0x20, s5  }
0xfd: {  	s2 =	sand.u32 $0x380, s5;
	s8 =	sor.u32 $0x400, s0;
	p1 =	slt.u32 s7, $0x1F0;
	[tilespmem:s21+$0x0] =	vst.add.f32.msk $0xffff, v1  }
0xfe: {  	s9 =	sor.u32 s2, s0;
	s10 =	sor.u32 s2, s8;
	[tilespmem:s18+$0x0] =	vst.add.f32.msk $0xffff, v0  }
0xff: {  	v0 =	vld [tilespmem:s10+$0x10070]  }
0x100: {  	v3 =	vld [tilespmem:s10+$0x10000]  }
0x101: {  	s2 =	sor.u32 $0x4000, s2;
	v4 =	vld [tilespmem:s10+$0x10010]  }
0x102: {  	s0 =	sor.u32 s0, s2;
	s2 =	sor.u32 s8, s2;
	v5 =	vld [tilespmem:s10+$0x10020]  }
0x103: {  	s8 =	sor.u32 $0x10, s0;
	s13 =	sor.u32 $0x20, s0;
	s14 =	sor.u32 $0x70, s2;
	v6 =	vld [tilespmem:s10+$0x10030]  }
0x104: {  	s16 =	sor.u32 $0x30, s0;
	s23 =	sor.u32 $0x40, s0;
	s31 =	sor.u32 $0x50, s0;
	[tilespmem:s14+$0x0] =	vst.add.f32.msk $0xffff, v0  }
0x105: {  	s21 =	sor.u32 $0x60, s0;
	s18 =	sor.u32 $0x70, s0;
	s14 =	sor.u32 $0x10, s2;
	v7 =	vld [tilespmem:s10+$0x10040]  }
0x106: {  	s24 =	sor.u32 $0x20, s2;
	s25 =	sor.u32 $0x30, s2;
	s26 =	sor.u32 $0x40, s2;
	v8 =	vld [tilespmem:s10+$0x10050]  }
0x107: {  	s30 =	sor.u32 $0x50, s2;
	v9 =	vld [tilespmem:s10+$0x10060];
	s10 =	sor.u32 $0x60, s2  }
0x108: {  	v10 =	vld [tilespmem:s9+$0x10000]  }
0x109: {  	v11 =	vld [tilespmem:s9+$0x10010]  }
0x10a: {  	v12 =	vld [tilespmem:s9+$0x10020]  }
0x10b: {  	v13 =	vld [tilespmem:s9+$0x10030]  }
0x10c: {  	v14 =	vld [tilespmem:s9+$0x10040]  }
0x10d: {  	v2 =	vld [tilespmem:s9+$0x10050]  }
0x10e: {  	v1 =	vld [tilespmem:s9+$0x10060]  }
0x10f: {  	v0 =	vld [tilespmem:s9+$0x10070]  }
0x110: {  	[tilespmem:s2+$0x0] =	vst.add.f32.msk $0xffff, v3  }
0x111: {  	[tilespmem:s14+$0x0] =	vst.add.f32.msk $0xffff, v4  }
0x112: {  	[tilespmem:s24+$0x0] =	vst.add.f32.msk $0xffff, v5  }
0x113: {  	[tilespmem:s25+$0x0] =	vst.add.f32.msk $0xffff, v6  }
0x114: {  	[tilespmem:s26+$0x0] =	vst.add.f32.msk $0xffff, v7  }
0x115: {  	[tilespmem:s30+$0x0] =	vst.add.f32.msk $0xffff, v8  }
0x116: {  	[tilespmem:s10+$0x0] =	vst.add.f32.msk $0xffff, v9  }
.Ltmp4:
0x117: {  	[tilespmem:s0+$0x0] =	vst.add.f32.msk $0xffff, v10;
	(pc) =	sbr.rel @p1 .LBB2_7-.Ltmp4, $4  }
0x118: {  	[tilespmem:s8+$0x0] =	vst.add.f32.msk $0xffff, v11  }
0x119: {  	[tilespmem:s13+$0x0] =	vst.add.f32.msk $0xffff, v12  }
0x11a: {  	[tilespmem:s16+$0x0] =	vst.add.f32.msk $0xffff, v13  }
0x11b: {  	s17 =	sadd.s32 $0x800, s17;
	[tilespmem:s23+$0x0] =	vst.add.f32.msk $0xffff, v14  }
0x11c: {  	[tilespmem:s31+$0x0] =	vst.add.f32.msk $0xffff, v2  }
0x11d: {  	[tilespmem:s21+$0x0] =	vst.add.f32.msk $0xffff, v1  }
0x11e: {  	[tilespmem:s18+$0x0] =	vst.add.f32.msk $0xffff, v0  }
0x11f: {  	s0 =	rddreg [dreg:$0xd]  }
0x120: {  	s2 =	simm.s32 $0x4000;
	s0 =	sadd.s32 s22, s0  }
0x121: {  	[hbm4b:s0+s6] =	stream.linear.scatter [tilespmem:s2], [sflag:$0xB], $0x2000, $0x38;
	[tilespmem:$0x14000] =	vst v63  }
0x122: {  	s0 =	simm.s32 @!p0 $0x10  }
0x123: {  	_ =	swait.ge @!p0 [sflag:s0], $0x2000  }
0x124: {  	s9 =	sadd.s32 s1, s19;
	s1 =	simm.s32 $0x0;
	[sflag:s0] =	ssyncset.done @!p0 $0x0  }
0x125: {  	s10 =	simm.s32 $0xE000;
	s7 =	simm.s32 $0x4;
	[sflag:s0] =	ssyncadd.s32 @!p0 $0xFFFFE000  }
0x126: {  	[tilespmem:s10], [sflag:$0x8] =	stream.linear.gather [hbm4b:s9+s1], $0x2000, $0x38;
	[tilespmem:$0x14000] =	vst v63  }
0x127: {  	s13 =	sand.u32 $0x1800, s1;
	_ =	swait.ge [sflag:s7], $0x2000  }
0x128: {  	s14 =	sand.u32 $0x380, s1;
	s5 =	sor.u32 $0x400, s13;
	[sflag:s7] =	ssyncset.done $0x0  }
0x129: {  	s16 =	sor.u32 s14, s5;
	[sflag:s7] =	ssyncadd.s32 $0xFFFFE000  }
0x12a: {  	v0 =	vld [tilespmem:s16+$0x10070]  }
0x12b: {  	v3 =	vld [tilespmem:s16+$0x10000]  }
0x12c: {  	v4 =	vld [tilespmem:s16+$0x10010]  }
0x12d: {  	v5 =	vld [tilespmem:s16+$0x10020]  }
0x12e: {  	v6 =	vld [tilespmem:s16+$0x10030]  }
0x12f: {  	v7 =	vld [tilespmem:s16+$0x10040]  }
0x130: {  	v8 =	vld [tilespmem:s16+$0x10050]  }
0x131: {  	s2 =	sor.u32 s14, s13;
	v9 =	vld [tilespmem:s16+$0x10060]  }
0x132: {  	v10 =	vld [tilespmem:s2+$0x10000]  }
0x133: {  	v11 =	vld [tilespmem:s2+$0x10010]  }
0x134: {  	v12 =	vld [tilespmem:s2+$0x10020]  }
0x135: {  	v13 =	vld [tilespmem:s2+$0x10030]  }
0x136: {  	s8 =	sor.u32 $0x6000, s14;
	v14 =	vld [tilespmem:s2+$0x10040]  }
0x137: {  	s5 =	sor.u32 s5, s8;
	v2 =	vld [tilespmem:s2+$0x10050]  }
0x138: {  	s9 =	sor.u32 $0x70, s5;
	v1 =	vld [tilespmem:s2+$0x10060]  }
0x139: {  	[tilespmem:s9+$0x0] =	vst.add.f32.msk $0xffff, v0  }
0x13a: {  	v0 =	vld [tilespmem:s2+$0x10070]  }
0x13b: {  	s17 =	sor.u32 $0x10, s5;
	[tilespmem:s5+$0x0] =	vst.add.f32.msk $0xffff, v3  }
0x13c: {  	s18 =	sor.u32 $0x20, s5;
	[tilespmem:s17+$0x0] =	vst.add.f32.msk $0xffff, v4  }
0x13d: {  	s21 =	sor.u32 $0x30, s5;
	[tilespmem:s18+$0x0] =	vst.add.f32.msk $0xffff, v5  }
0x13e: {  	s23 =	sor.u32 $0x40, s5;
	[tilespmem:s21+$0x0] =	vst.add.f32.msk $0xffff, v6  }
0x13f: {  	s24 =	sor.u32 $0x50, s5;
	[tilespmem:s23+$0x0] =	vst.add.f32.msk $0xffff, v7  }
0x140: {  	s0 =	sor.u32 s13, s8;
	[tilespmem:s24+$0x0] =	vst.add.f32.msk $0xffff, v8  }
0x141: {  	s25 =	sor.u32 $0x10, s0;
	[tilespmem:s0+$0x0] =	vst.add.f32.msk $0xffff, v10  }
0x142: {  	s26 =	sor.u32 $0x20, s0;
	[tilespmem:s25+$0x0] =	vst.add.f32.msk $0xffff, v11  }
0x143: {  	s30 =	sor.u32 $0x30, s0;
	[tilespmem:s26+$0x0] =	vst.add.f32.msk $0xffff, v12  }
0x144: {  	s31 =	sor.u32 $0x40, s0;
	[tilespmem:s30+$0x0] =	vst.add.f32.msk $0xffff, v13  }
0x145: {  	s7 =	simm.s32 $0x800;
	s5 =	sor.u32 $0x60, s5;
	s21 =	sor.u32 $0x50, s0;
	[tilespmem:s31+$0x0] =	vst.add.f32.msk $0xffff, v14  }
0x146: {  	s18 =	sor.u32 $0x60, s0;
	s17 =	sor.u32 $0x70, s0;
	[tilespmem:s5+$0x0] =	vst.add.f32.msk $0xffff, v9;
	s5 =	simm.s32 $0x0  }
.LBB2_9:
0x147: {  	s0 =	sand.u32 $0x1800, s7;
	s5 =	sadd.s32 $0x10, s5;
	[tilespmem:s21+$0x0] =	vst.add.f32.msk $0xffff, v2;
	s1 =	sadd.s32 $0x20, s1  }
0x148: {  	s2 =	sand.u32 $0x380, s1;
	s8 =	sor.u32 $0x400, s0;
	p0 =	slt.u32 s5, $0x1F0;
	[tilespmem:s18+$0x0] =	vst.add.f32.msk $0xffff, v1  }
0x149: {  	s9 =	sor.u32 s2, s0;
	s10 =	sor.u32 s2, s8;
	[tilespmem:s17+$0x0] =	vst.add.f32.msk $0xffff, v0  }
0x14a: {  	v0 =	vld [tilespmem:s10+$0x10070]  }
0x14b: {  	v3 =	vld [tilespmem:s10+$0x10000]  }
0x14c: {  	s2 =	sor.u32 $0x6000, s2;
	v4 =	vld [tilespmem:s10+$0x10010]  }
0x14d: {  	s0 =	sor.u32 s0, s2;
	s2 =	sor.u32 s8, s2;
	v5 =	vld [tilespmem:s10+$0x10020]  }
0x14e: {  	s8 =	sor.u32 $0x10, s0;
	s13 =	sor.u32 $0x20, s0;
	s14 =	sor.u32 $0x70, s2;
	v6 =	vld [tilespmem:s10+$0x10030]  }
0x14f: {  	s16 =	sor.u32 $0x30, s0;
	s23 =	sor.u32 $0x40, s0;
	s21 =	sor.u32 $0x50, s0;
	[tilespmem:s14+$0x0] =	vst.add.f32.msk $0xffff, v0  }
0x150: {  	s18 =	sor.u32 $0x60, s0;
	s17 =	sor.u32 $0x70, s0;
	s14 =	sor.u32 $0x10, s2;
	v7 =	vld [tilespmem:s10+$0x10040]  }
0x151: {  	s24 =	sor.u32 $0x20, s2;
	s25 =	sor.u32 $0x30, s2;
	s26 =	sor.u32 $0x40, s2;
	v8 =	vld [tilespmem:s10+$0x10050]  }
0x152: {  	s30 =	sor.u32 $0x50, s2;
	v9 =	vld [tilespmem:s10+$0x10060];
	s10 =	sor.u32 $0x60, s2  }
0x153: {  	v10 =	vld [tilespmem:s9+$0x10000]  }
0x154: {  	v11 =	vld [tilespmem:s9+$0x10010]  }
0x155: {  	v12 =	vld [tilespmem:s9+$0x10020]  }
0x156: {  	v13 =	vld [tilespmem:s9+$0x10030]  }
0x157: {  	v14 =	vld [tilespmem:s9+$0x10040]  }
0x158: {  	v2 =	vld [tilespmem:s9+$0x10050]  }
0x159: {  	v1 =	vld [tilespmem:s9+$0x10060]  }
0x15a: {  	v0 =	vld [tilespmem:s9+$0x10070]  }
0x15b: {  	[tilespmem:s2+$0x0] =	vst.add.f32.msk $0xffff, v3  }
0x15c: {  	[tilespmem:s14+$0x0] =	vst.add.f32.msk $0xffff, v4  }
0x15d: {  	[tilespmem:s24+$0x0] =	vst.add.f32.msk $0xffff, v5  }
0x15e: {  	[tilespmem:s25+$0x0] =	vst.add.f32.msk $0xffff, v6  }
0x15f: {  	[tilespmem:s26+$0x0] =	vst.add.f32.msk $0xffff, v7  }
0x160: {  	[tilespmem:s30+$0x0] =	vst.add.f32.msk $0xffff, v8  }
0x161: {  	[tilespmem:s10+$0x0] =	vst.add.f32.msk $0xffff, v9  }
.Ltmp5:
0x162: {  	[tilespmem:s0+$0x0] =	vst.add.f32.msk $0xffff, v10;
	(pc) =	sbr.rel @p0 .LBB2_9-.Ltmp5, $4  }
0x163: {  	[tilespmem:s8+$0x0] =	vst.add.f32.msk $0xffff, v11  }
0x164: {  	[tilespmem:s13+$0x0] =	vst.add.f32.msk $0xffff, v12  }
0x165: {  	[tilespmem:s16+$0x0] =	vst.add.f32.msk $0xffff, v13  }
0x166: {  	s7 =	sadd.s32 $0x800, s7;
	[tilespmem:s23+$0x0] =	vst.add.f32.msk $0xffff, v14  }
0x167: {  	[tilespmem:s21+$0x0] =	vst.add.f32.msk $0xffff, v2  }
0x168: {  	[tilespmem:s18+$0x0] =	vst.add.f32.msk $0xffff, v1  }
0x169: {  	[tilespmem:s17+$0x0] =	vst.add.f32.msk $0xffff, v0  }
0x16a: {  	s0 =	rddreg [dreg:$0xe]  }
0x16b: {  	s1 =	simm.s32 $0x6000;
	p0 =	seq.s32 s28, $0xF;
	s0 =	sadd.s32 s22, s0  }
0x16c: {  	[hbm4b:s0+s6] =	stream.linear.scatter [tilespmem:s1], [sflag:$0xC], $0x2000, $0x38;
	[tilespmem:$0x14000] =	vst v63  }
0x16d: {  	s0 =	sadd.s32 @!p0 s29, s20  }
0x16e: {  	s10 =	simm.s32 $0x12;
	s1 =	rddreg [dreg:$0x1];
	s0 =	sshll.u32 @!p0 s0, $0x7  }
0x16f: {  	s2 =	simm.s32 @!p0 $0x10000;
	s0 =	sadd.s32 @!p0 s1, s0;
	s1 =	simm.s32 @!p0 $0x0  }
0x170: {  	[tilespmem:s2], [sflag:$0x11] =	stream.linear.gather @!p0 [hbm4b:s0+s1], $0x2000, $0x38;
	[tilespmem:$0x14000] =	vst v63  }
0x171: {  	s1 =	sor.u32 $0x1, s3;
	_ =	swait.ge [sflag:s10], $0x2000  }
0x172: {  	p1 =	sgt.u32 s1, $0x1E;
	[sflag:s10] =	ssyncset.done $0x0  }
0x173: {  	s0 =	simm.s32 @!p1 $0x9;
	[sflag:s10] =	ssyncadd.s32 $0xFFFFE000  }
0x174: {  	s5 =	simm.s32 $0x0;
	s2 =	sadd.s32 @!p1 s29, s20;
	_ =	swait.ge @!p1 [sflag:s0], $0x2000  }
0x175: {  	s13 =	simm.s32 $0x5;
	s3 =	sshll.u32 @!p1 s2, $0x7;
	[sflag:s0] =	ssyncset.done @!p1 $0x0  }
0x176: {  	s2 =	simm.s32 @!p1 $0x0;
	[sflag:s0] =	ssyncadd.s32 @!p1 $0xFFFFE000;
	s0 =	sadd.s32 @!p1 s4, s3  }
0x177: {  	[tilespmem:s2], [sflag:$0x1] =	stream.linear.gather @!p1 [hbm4b:s0+s2], $0x2000, $0x38;
	[tilespmem:$0x14000] =	vst v63  }
0x178: {  	s14 =	sand.u32 $0x1800, s5;
	_ =	swait.ge [sflag:s13], $0x2000  }
0x179: {  	s16 =	sand.u32 $0x380, s5;
	s7 =	sor.u32 $0x400, s14;
	[sflag:s13] =	ssyncset.done $0x0  }
0x17a: {  	s8 =	sor.u32 s16, s7;
	[sflag:s13] =	ssyncadd.s32 $0xFFFFE000  }
0x17b: {  	v0 =	vld [tilespmem:s8+$0x12070]  }
0x17c: {  	v3 =	vld [tilespmem:s8+$0x12000]  }
0x17d: {  	v4 =	vld [tilespmem:s8+$0x12010]  }
0x17e: {  	v5 =	vld [tilespmem:s8+$0x12020]  }
0x17f: {  	v6 =	vld [tilespmem:s8+$0x12030]  }
0x180: {  	v7 =	vld [tilespmem:s8+$0x12040]  }
0x181: {  	v8 =	vld [tilespmem:s8+$0x12050]  }
0x182: {  	s2 =	sor.u32 s16, s14;
	v9 =	vld [tilespmem:s8+$0x12060]  }
0x183: {  	v10 =	vld [tilespmem:s2+$0x12000]  }
0x184: {  	v11 =	vld [tilespmem:s2+$0x12010]  }
0x185: {  	v12 =	vld [tilespmem:s2+$0x12020]  }
0x186: {  	v13 =	vld [tilespmem:s2+$0x12030]  }
0x187: {  	s9 =	sor.u32 $0x8000, s16;
	v14 =	vld [tilespmem:s2+$0x12040]  }
0x188: {  	s7 =	sor.u32 s7, s9;
	v2 =	vld [tilespmem:s2+$0x12050]  }
0x189: {  	s10 =	sor.u32 $0x70, s7;
	v1 =	vld [tilespmem:s2+$0x12060]  }
0x18a: {  	[tilespmem:s10+$0x0] =	vst.add.f32.msk $0xffff, v0  }
0x18b: {  	v0 =	vld [tilespmem:s2+$0x12070]  }
0x18c: {  	s17 =	sor.u32 $0x10, s7;
	[tilespmem:s7+$0x0] =	vst.add.f32.msk $0xffff, v3  }
0x18d: {  	s18 =	sor.u32 $0x20, s7;
	[tilespmem:s17+$0x0] =	vst.add.f32.msk $0xffff, v4  }
0x18e: {  	s21 =	sor.u32 $0x30, s7;
	[tilespmem:s18+$0x0] =	vst.add.f32.msk $0xffff, v5  }
0x18f: {  	s22 =	sor.u32 $0x40, s7;
	[tilespmem:s21+$0x0] =	vst.add.f32.msk $0xffff, v6  }
0x190: {  	s23 =	sor.u32 $0x50, s7;
	[tilespmem:s22+$0x0] =	vst.add.f32.msk $0xffff, v7  }
0x191: {  	s0 =	sor.u32 s14, s9;
	[tilespmem:s23+$0x0] =	vst.add.f32.msk $0xffff, v8  }
0x192: {  	s24 =	sor.u32 $0x10, s0;
	[tilespmem:s0+$0x0] =	vst.add.f32.msk $0xffff, v10  }
0x193: {  	s25 =	sor.u32 $0x20, s0;
	[tilespmem:s24+$0x0] =	vst.add.f32.msk $0xffff, v11  }
0x194: {  	s26 =	sor.u32 $0x30, s0;
	[tilespmem:s25+$0x0] =	vst.add.f32.msk $0xffff, v12  }
0x195: {  	s31 =	smov.u32 s4;
	s30 =	sor.u32 $0x40, s0;
	[tilespmem:s26+$0x0] =	vst.add.f32.msk $0xffff, v13  }
0x196: {  	s7 =	sor.u32 $0x60, s7;
	s21 =	sor.u32 $0x50, s0;
	s22 =	sor.u32 $0x60, s0;
	[tilespmem:s30+$0x0] =	vst.add.f32.msk $0xffff, v14  }
0x197: {  	s18 =	sor.u32 $0x70, s0;
	s17 =	simm.s32 $0x800;
	[tilespmem:s7+$0x0] =	vst.add.f32.msk $0xffff, v9;
	s7 =	simm.s32 $0x0  }
.LBB2_11:
0x198: {  	s0 =	sand.u32 $0x1800, s17;
	s7 =	sadd.s32 $0x10, s7;
	[tilespmem:s21+$0x0] =	vst.add.f32.msk $0xffff, v2;
	s5 =	sadd.s32 $0x20, s5  }
0x199: {  	s2 =	sand.u32 $0x380, s5;
	s8 =	sor.u32 $0x400, s0;
	p2 =	slt.u32 s7, $0x1F0;
	[tilespmem:s22+$0x0] =	vst.add.f32.msk $0xffff, v1  }
0x19a: {  	s9 =	sor.u32 s2, s0;
	s10 =	sor.u32 s2, s8;
	[tilespmem:s18+$0x0] =	vst.add.f32.msk $0xffff, v0  }
0x19b: {  	v0 =	vld [tilespmem:s10+$0x12070]  }
0x19c: {  	v3 =	vld [tilespmem:s10+$0x12000]  }
0x19d: {  	s2 =	sor.u32 $0x8000, s2;
	v4 =	vld [tilespmem:s10+$0x12010]  }
0x19e: {  	s0 =	sor.u32 s0, s2;
	s2 =	sor.u32 s8, s2;
	v5 =	vld [tilespmem:s10+$0x12020]  }
0x19f: {  	s8 =	sor.u32 $0x10, s0;
	s13 =	sor.u32 $0x20, s0;
	s14 =	sor.u32 $0x70, s2;
	v6 =	vld [tilespmem:s10+$0x12030]  }
0x1a0: {  	s16 =	sor.u32 $0x30, s0;
	s23 =	sor.u32 $0x40, s0;
	s21 =	sor.u32 $0x50, s0;
	[tilespmem:s14+$0x0] =	vst.add.f32.msk $0xffff, v0  }
0x1a1: {  	s22 =	sor.u32 $0x60, s0;
	s18 =	sor.u32 $0x70, s0;
	s14 =	sor.u32 $0x10, s2;
	v7 =	vld [tilespmem:s10+$0x12040]  }
0x1a2: {  	s24 =	sor.u32 $0x20, s2;
	s25 =	sor.u32 $0x30, s2;
	s26 =	sor.u32 $0x40, s2;
	v8 =	vld [tilespmem:s10+$0x12050]  }
0x1a3: {  	s30 =	sor.u32 $0x50, s2;
	v9 =	vld [tilespmem:s10+$0x12060];
	s10 =	sor.u32 $0x60, s2  }
0x1a4: {  	v10 =	vld [tilespmem:s9+$0x12000]  }
0x1a5: {  	v11 =	vld [tilespmem:s9+$0x12010]  }
0x1a6: {  	v12 =	vld [tilespmem:s9+$0x12020]  }
0x1a7: {  	v13 =	vld [tilespmem:s9+$0x12030]  }
0x1a8: {  	v14 =	vld [tilespmem:s9+$0x12040]  }
0x1a9: {  	v2 =	vld [tilespmem:s9+$0x12050]  }
0x1aa: {  	v1 =	vld [tilespmem:s9+$0x12060]  }
0x1ab: {  	v0 =	vld [tilespmem:s9+$0x12070]  }
0x1ac: {  	[tilespmem:s2+$0x0] =	vst.add.f32.msk $0xffff, v3  }
0x1ad: {  	[tilespmem:s14+$0x0] =	vst.add.f32.msk $0xffff, v4  }
0x1ae: {  	[tilespmem:s24+$0x0] =	vst.add.f32.msk $0xffff, v5  }
0x1af: {  	[tilespmem:s25+$0x0] =	vst.add.f32.msk $0xffff, v6  }
0x1b0: {  	[tilespmem:s26+$0x0] =	vst.add.f32.msk $0xffff, v7  }
0x1b1: {  	[tilespmem:s30+$0x0] =	vst.add.f32.msk $0xffff, v8  }
0x1b2: {  	[tilespmem:s10+$0x0] =	vst.add.f32.msk $0xffff, v9  }
.Ltmp6:
0x1b3: {  	[tilespmem:s0+$0x0] =	vst.add.f32.msk $0xffff, v10;
	(pc) =	sbr.rel @p2 .LBB2_11-.Ltmp6, $4  }
0x1b4: {  	[tilespmem:s8+$0x0] =	vst.add.f32.msk $0xffff, v11  }
0x1b5: {  	[tilespmem:s13+$0x0] =	vst.add.f32.msk $0xffff, v12  }
0x1b6: {  	[tilespmem:s16+$0x0] =	vst.add.f32.msk $0xffff, v13  }
0x1b7: {  	s17 =	sadd.s32 $0x800, s17;
	[tilespmem:s23+$0x0] =	vst.add.f32.msk $0xffff, v14  }
0x1b8: {  	[tilespmem:s21+$0x0] =	vst.add.f32.msk $0xffff, v2  }
0x1b9: {  	s0 =	rddreg [dreg:$0xf]  }
0x1ba: {  	s0 =	sor.u32 s0, s1  }
0x1bb: {  	[tilespmem:s22+$0x0] =	vst.add.f32.msk $0xffff, v1;
	s22 =	sshll.u32 s0, $0xA  }
0x1bc: {  	s9 =	simm.s32 $0x8000;
	[tilespmem:s18+$0x0] =	vst.add.f32.msk $0xffff, v0;
	s0 =	sadd.s32 s11, s22  }
0x1bd: {  	[hbm4b:s0+s6] =	stream.linear.scatter [tilespmem:s9], [sflag:$0xD], $0x2000, $0x38;
	[tilespmem:$0x14000] =	vst v63  }
0x1be: {  	s0 =	simm.s32 @!p1 $0xA  }
0x1bf: {  	_ =	swait.ge @!p1 [sflag:s0], $0x2000  }
0x1c0: {  	s2 =	simm.s32 @!p1 $0x2000;
	[sflag:s0] =	ssyncset.done @!p1 $0x0  }
0x1c1: {  	s1 =	simm.s32 @!p1 $0x0;
	[sflag:s0] =	ssyncadd.s32 @!p1 $0xFFFFE000;
	s0 =	sadd.s32 @!p1 s3, s12  }
0x1c2: {  	[tilespmem:s2], [sflag:$0x2] =	stream.linear.gather @!p1 [hbm4b:s0+s1], $0x2000, $0x38;
	[tilespmem:$0x14000] =	vst v63  }
0x1c3: {  	s7 =	simm.s32 $0x6;
	s1 =	simm.s32 $0x0  }
0x1c4: {  	_ =	swait.ge [sflag:s7], $0x2000;
	s10 =	sand.u32 $0x1800, s1  }
0x1c5: {  	s13 =	sand.u32 $0x380, s1;
	[sflag:s7] =	ssyncset.done $0x0;
	s5 =	sor.u32 $0x400, s10  }
0x1c6: {  	[sflag:s7] =	ssyncadd.s32 $0xFFFFE000;
	s14 =	sor.u32 s13, s5  }
0x1c7: {  	v0 =	vld [tilespmem:s14+$0x12070]  }
0x1c8: {  	v3 =	vld [tilespmem:s14+$0x12000]  }
0x1c9: {  	v4 =	vld [tilespmem:s14+$0x12010]  }
0x1ca: {  	v5 =	vld [tilespmem:s14+$0x12020]  }
0x1cb: {  	v6 =	vld [tilespmem:s14+$0x12030]  }
0x1cc: {  	v7 =	vld [tilespmem:s14+$0x12040]  }
0x1cd: {  	v8 =	vld [tilespmem:s14+$0x12050]  }
0x1ce: {  	s2 =	sor.u32 s13, s10;
	v9 =	vld [tilespmem:s14+$0x12060]  }
0x1cf: {  	v10 =	vld [tilespmem:s2+$0x12000]  }
0x1d0: {  	v11 =	vld [tilespmem:s2+$0x12010]  }
0x1d1: {  	v12 =	vld [tilespmem:s2+$0x12020]  }
0x1d2: {  	v13 =	vld [tilespmem:s2+$0x12030]  }
0x1d3: {  	s8 =	sor.u32 $0xA000, s13;
	v14 =	vld [tilespmem:s2+$0x12040]  }
0x1d4: {  	s5 =	sor.u32 s5, s8;
	v2 =	vld [tilespmem:s2+$0x12050]  }
0x1d5: {  	s9 =	sor.u32 $0x70, s5;
	v1 =	vld [tilespmem:s2+$0x12060]  }
0x1d6: {  	[tilespmem:s9+$0x0] =	vst.add.f32.msk $0xffff, v0  }
0x1d7: {  	v0 =	vld [tilespmem:s2+$0x12070]  }
0x1d8: {  	s16 =	sor.u32 $0x10, s5;
	[tilespmem:s5+$0x0] =	vst.add.f32.msk $0xffff, v3  }
0x1d9: {  	s17 =	sor.u32 $0x20, s5;
	[tilespmem:s16+$0x0] =	vst.add.f32.msk $0xffff, v4  }
0x1da: {  	s18 =	sor.u32 $0x30, s5;
	[tilespmem:s17+$0x0] =	vst.add.f32.msk $0xffff, v5  }
0x1db: {  	s21 =	sor.u32 $0x40, s5;
	[tilespmem:s18+$0x0] =	vst.add.f32.msk $0xffff, v6  }
0x1dc: {  	s23 =	sor.u32 $0x50, s5;
	[tilespmem:s21+$0x0] =	vst.add.f32.msk $0xffff, v7  }
0x1dd: {  	s0 =	sor.u32 s10, s8;
	[tilespmem:s23+$0x0] =	vst.add.f32.msk $0xffff, v8  }
0x1de: {  	s24 =	sor.u32 $0x10, s0;
	[tilespmem:s0+$0x0] =	vst.add.f32.msk $0xffff, v10  }
0x1df: {  	s25 =	sor.u32 $0x20, s0;
	[tilespmem:s24+$0x0] =	vst.add.f32.msk $0xffff, v11  }
0x1e0: {  	s26 =	sor.u32 $0x30, s0;
	[tilespmem:s25+$0x0] =	vst.add.f32.msk $0xffff, v12  }
0x1e1: {  	s4 =	smov.u32 s11;
	s30 =	sor.u32 $0x40, s0;
	[tilespmem:s26+$0x0] =	vst.add.f32.msk $0xffff, v13  }
0x1e2: {  	s7 =	simm.s32 $0x800;
	s5 =	sor.u32 $0x60, s5;
	s21 =	sor.u32 $0x50, s0;
	[tilespmem:s30+$0x0] =	vst.add.f32.msk $0xffff, v14  }
0x1e3: {  	s18 =	sor.u32 $0x60, s0;
	s17 =	sor.u32 $0x70, s0;
	[tilespmem:s5+$0x0] =	vst.add.f32.msk $0xffff, v9;
	s5 =	simm.s32 $0x0  }
.LBB2_13:
0x1e4: {  	s0 =	sand.u32 $0x1800, s7;
	s5 =	sadd.s32 $0x10, s5;
	[tilespmem:s21+$0x0] =	vst.add.f32.msk $0xffff, v2;
	s1 =	sadd.s32 $0x20, s1  }
0x1e5: {  	s2 =	sand.u32 $0x380, s1;
	s8 =	sor.u32 $0x400, s0;
	p2 =	slt.u32 s5, $0x1F0;
	[tilespmem:s18+$0x0] =	vst.add.f32.msk $0xffff, v1  }
0x1e6: {  	s9 =	sor.u32 s2, s0;
	s10 =	sor.u32 s2, s8;
	[tilespmem:s17+$0x0] =	vst.add.f32.msk $0xffff, v0  }
0x1e7: {  	v0 =	vld [tilespmem:s10+$0x12070]  }
0x1e8: {  	v3 =	vld [tilespmem:s10+$0x12000]  }
0x1e9: {  	s2 =	sor.u32 $0xA000, s2;
	v4 =	vld [tilespmem:s10+$0x12010]  }
0x1ea: {  	s0 =	sor.u32 s0, s2;
	s2 =	sor.u32 s8, s2;
	v5 =	vld [tilespmem:s10+$0x12020]  }
0x1eb: {  	s8 =	sor.u32 $0x10, s0;
	s13 =	sor.u32 $0x20, s0;
	s14 =	sor.u32 $0x70, s2;
	v6 =	vld [tilespmem:s10+$0x12030]  }
0x1ec: {  	s16 =	sor.u32 $0x30, s0;
	s23 =	sor.u32 $0x40, s0;
	s21 =	sor.u32 $0x50, s0;
	[tilespmem:s14+$0x0] =	vst.add.f32.msk $0xffff, v0  }
0x1ed: {  	s18 =	sor.u32 $0x60, s0;
	s17 =	sor.u32 $0x70, s0;
	s14 =	sor.u32 $0x10, s2;
	v7 =	vld [tilespmem:s10+$0x12040]  }
0x1ee: {  	s24 =	sor.u32 $0x20, s2;
	s25 =	sor.u32 $0x30, s2;
	s26 =	sor.u32 $0x40, s2;
	v8 =	vld [tilespmem:s10+$0x12050]  }
0x1ef: {  	s30 =	sor.u32 $0x50, s2;
	v9 =	vld [tilespmem:s10+$0x12060];
	s10 =	sor.u32 $0x60, s2  }
0x1f0: {  	v10 =	vld [tilespmem:s9+$0x12000]  }
0x1f1: {  	v11 =	vld [tilespmem:s9+$0x12010]  }
0x1f2: {  	v12 =	vld [tilespmem:s9+$0x12020]  }
0x1f3: {  	v13 =	vld [tilespmem:s9+$0x12030]  }
0x1f4: {  	v14 =	vld [tilespmem:s9+$0x12040]  }
0x1f5: {  	v2 =	vld [tilespmem:s9+$0x12050]  }
0x1f6: {  	v1 =	vld [tilespmem:s9+$0x12060]  }
0x1f7: {  	v0 =	vld [tilespmem:s9+$0x12070]  }
0x1f8: {  	[tilespmem:s2+$0x0] =	vst.add.f32.msk $0xffff, v3  }
0x1f9: {  	[tilespmem:s14+$0x0] =	vst.add.f32.msk $0xffff, v4  }
0x1fa: {  	[tilespmem:s24+$0x0] =	vst.add.f32.msk $0xffff, v5  }
0x1fb: {  	[tilespmem:s25+$0x0] =	vst.add.f32.msk $0xffff, v6  }
0x1fc: {  	[tilespmem:s26+$0x0] =	vst.add.f32.msk $0xffff, v7  }
0x1fd: {  	[tilespmem:s30+$0x0] =	vst.add.f32.msk $0xffff, v8  }
0x1fe: {  	[tilespmem:s10+$0x0] =	vst.add.f32.msk $0xffff, v9  }
.Ltmp7:
0x1ff: {  	[tilespmem:s0+$0x0] =	vst.add.f32.msk $0xffff, v10;
	(pc) =	sbr.rel @p2 .LBB2_13-.Ltmp7, $4  }
0x200: {  	[tilespmem:s8+$0x0] =	vst.add.f32.msk $0xffff, v11  }
0x201: {  	[tilespmem:s13+$0x0] =	vst.add.f32.msk $0xffff, v12  }
0x202: {  	[tilespmem:s16+$0x0] =	vst.add.f32.msk $0xffff, v13  }
0x203: {  	s7 =	sadd.s32 $0x800, s7;
	[tilespmem:s23+$0x0] =	vst.add.f32.msk $0xffff, v14  }
0x204: {  	[tilespmem:s21+$0x0] =	vst.add.f32.msk $0xffff, v2  }
0x205: {  	[tilespmem:s18+$0x0] =	vst.add.f32.msk $0xffff, v1;
	s0 =	sor.u32 $0x100000, s22  }
0x206: {  	[tilespmem:s17+$0x0] =	vst.add.f32.msk $0xffff, v0;
	s1 =	simm.s32 $0xA000;
	s0 =	sadd.s32 s4, s0  }
0x207: {  	[hbm4b:s0+s6] =	stream.linear.scatter [tilespmem:s1], [sflag:$0xE], $0x2000, $0x38;
	[tilespmem:$0x14000] =	vst v63  }
0x208: {  	s0 =	simm.s32 @!p1 $0xB  }
0x209: {  	_ =	swait.ge @!p1 [sflag:s0], $0x2000  }
0x20a: {  	s2 =	simm.s32 @!p1 $0x4000;
	[sflag:s0] =	ssyncset.done @!p1 $0x0  }
0x20b: {  	s1 =	simm.s32 @!p1 $0x0;
	[sflag:s0] =	ssyncadd.s32 @!p1 $0xFFFFE000;
	s0 =	sadd.s32 @!p1 s3, s15  }
0x20c: {  	[tilespmem:s2], [sflag:$0x3] =	stream.linear.gather @!p1 [hbm4b:s0+s1], $0x2000, $0x38;
	[tilespmem:$0x14000] =	vst v63  }
0x20d: {  	s7 =	simm.s32 $0x7;
	s1 =	simm.s32 $0x0  }
0x20e: {  	_ =	swait.ge [sflag:s7], $0x2000;
	s10 =	sand.u32 $0x1800, s1  }
0x20f: {  	s13 =	sand.u32 $0x380, s1;
	[sflag:s7] =	ssyncset.done $0x0;
	s5 =	sor.u32 $0x400, s10  }
0x210: {  	[sflag:s7] =	ssyncadd.s32 $0xFFFFE000;
	s14 =	sor.u32 s13, s5  }
0x211: {  	v0 =	vld [tilespmem:s14+$0x12070]  }
0x212: {  	v3 =	vld [tilespmem:s14+$0x12000]  }
0x213: {  	v4 =	vld [tilespmem:s14+$0x12010]  }
0x214: {  	v5 =	vld [tilespmem:s14+$0x12020]  }
0x215: {  	v6 =	vld [tilespmem:s14+$0x12030]  }
0x216: {  	v7 =	vld [tilespmem:s14+$0x12040]  }
0x217: {  	v8 =	vld [tilespmem:s14+$0x12050]  }
0x218: {  	s2 =	sor.u32 s13, s10;
	v9 =	vld [tilespmem:s14+$0x12060]  }
0x219: {  	v10 =	vld [tilespmem:s2+$0x12000]  }
0x21a: {  	v11 =	vld [tilespmem:s2+$0x12010]  }
0x21b: {  	v12 =	vld [tilespmem:s2+$0x12020]  }
0x21c: {  	v13 =	vld [tilespmem:s2+$0x12030]  }
0x21d: {  	s8 =	sor.u32 $0xC000, s13;
	v14 =	vld [tilespmem:s2+$0x12040]  }
0x21e: {  	s5 =	sor.u32 s5, s8;
	v2 =	vld [tilespmem:s2+$0x12050]  }
0x21f: {  	s9 =	sor.u32 $0x70, s5;
	v1 =	vld [tilespmem:s2+$0x12060]  }
0x220: {  	[tilespmem:s9+$0x0] =	vst.add.f32.msk $0xffff, v0  }
0x221: {  	v0 =	vld [tilespmem:s2+$0x12070]  }
0x222: {  	s16 =	sor.u32 $0x10, s5;
	[tilespmem:s5+$0x0] =	vst.add.f32.msk $0xffff, v3  }
0x223: {  	s17 =	sor.u32 $0x20, s5;
	[tilespmem:s16+$0x0] =	vst.add.f32.msk $0xffff, v4  }
0x224: {  	s18 =	sor.u32 $0x30, s5;
	[tilespmem:s17+$0x0] =	vst.add.f32.msk $0xffff, v5  }
0x225: {  	s21 =	sor.u32 $0x40, s5;
	[tilespmem:s18+$0x0] =	vst.add.f32.msk $0xffff, v6  }
0x226: {  	s23 =	sor.u32 $0x50, s5;
	[tilespmem:s21+$0x0] =	vst.add.f32.msk $0xffff, v7  }
0x227: {  	s0 =	sor.u32 s10, s8;
	[tilespmem:s23+$0x0] =	vst.add.f32.msk $0xffff, v8  }
0x228: {  	s24 =	sor.u32 $0x10, s0;
	[tilespmem:s0+$0x0] =	vst.add.f32.msk $0xffff, v10  }
0x229: {  	s25 =	sor.u32 $0x20, s0;
	[tilespmem:s24+$0x0] =	vst.add.f32.msk $0xffff, v11  }
0x22a: {  	s26 =	sor.u32 $0x30, s0;
	[tilespmem:s25+$0x0] =	vst.add.f32.msk $0xffff, v12  }
0x22b: {  	s30 =	sor.u32 $0x40, s0;
	[tilespmem:s26+$0x0] =	vst.add.f32.msk $0xffff, v13  }
0x22c: {  	s7 =	simm.s32 $0x800;
	s5 =	sor.u32 $0x60, s5;
	s21 =	sor.u32 $0x50, s0;
	[tilespmem:s30+$0x0] =	vst.add.f32.msk $0xffff, v14  }
0x22d: {  	s18 =	sor.u32 $0x60, s0;
	s17 =	sor.u32 $0x70, s0;
	[tilespmem:s5+$0x0] =	vst.add.f32.msk $0xffff, v9;
	s5 =	simm.s32 $0x0  }
.LBB2_15:
0x22e: {  	s0 =	sand.u32 $0x1800, s7;
	s5 =	sadd.s32 $0x10, s5;
	[tilespmem:s21+$0x0] =	vst.add.f32.msk $0xffff, v2;
	s1 =	sadd.s32 $0x20, s1  }
0x22f: {  	s2 =	sand.u32 $0x380, s1;
	s8 =	sor.u32 $0x400, s0;
	p2 =	slt.u32 s5, $0x1F0;
	[tilespmem:s18+$0x0] =	vst.add.f32.msk $0xffff, v1  }
0x230: {  	s9 =	sor.u32 s2, s0;
	s10 =	sor.u32 s2, s8;
	[tilespmem:s17+$0x0] =	vst.add.f32.msk $0xffff, v0  }
0x231: {  	v0 =	vld [tilespmem:s10+$0x12070]  }
0x232: {  	v3 =	vld [tilespmem:s10+$0x12000]  }
0x233: {  	s2 =	sor.u32 $0xC000, s2;
	v4 =	vld [tilespmem:s10+$0x12010]  }
0x234: {  	s0 =	sor.u32 s0, s2;
	s2 =	sor.u32 s8, s2;
	v5 =	vld [tilespmem:s10+$0x12020]  }
0x235: {  	s8 =	sor.u32 $0x10, s0;
	s13 =	sor.u32 $0x20, s0;
	s14 =	sor.u32 $0x70, s2;
	v6 =	vld [tilespmem:s10+$0x12030]  }
0x236: {  	s16 =	sor.u32 $0x30, s0;
	s23 =	sor.u32 $0x40, s0;
	s21 =	sor.u32 $0x50, s0;
	[tilespmem:s14+$0x0] =	vst.add.f32.msk $0xffff, v0  }
0x237: {  	s18 =	sor.u32 $0x60, s0;
	s17 =	sor.u32 $0x70, s0;
	s14 =	sor.u32 $0x10, s2;
	v7 =	vld [tilespmem:s10+$0x12040]  }
0x238: {  	s24 =	sor.u32 $0x20, s2;
	s25 =	sor.u32 $0x30, s2;
	s26 =	sor.u32 $0x40, s2;
	v8 =	vld [tilespmem:s10+$0x12050]  }
0x239: {  	s30 =	sor.u32 $0x50, s2;
	v9 =	vld [tilespmem:s10+$0x12060];
	s10 =	sor.u32 $0x60, s2  }
0x23a: {  	v10 =	vld [tilespmem:s9+$0x12000]  }
0x23b: {  	v11 =	vld [tilespmem:s9+$0x12010]  }
0x23c: {  	v12 =	vld [tilespmem:s9+$0x12020]  }
0x23d: {  	v13 =	vld [tilespmem:s9+$0x12030]  }
0x23e: {  	v14 =	vld [tilespmem:s9+$0x12040]  }
0x23f: {  	v2 =	vld [tilespmem:s9+$0x12050]  }
0x240: {  	v1 =	vld [tilespmem:s9+$0x12060]  }
0x241: {  	v0 =	vld [tilespmem:s9+$0x12070]  }
0x242: {  	[tilespmem:s2+$0x0] =	vst.add.f32.msk $0xffff, v3  }
0x243: {  	[tilespmem:s14+$0x0] =	vst.add.f32.msk $0xffff, v4  }
0x244: {  	[tilespmem:s24+$0x0] =	vst.add.f32.msk $0xffff, v5  }
0x245: {  	[tilespmem:s25+$0x0] =	vst.add.f32.msk $0xffff, v6  }
0x246: {  	[tilespmem:s26+$0x0] =	vst.add.f32.msk $0xffff, v7  }
0x247: {  	[tilespmem:s30+$0x0] =	vst.add.f32.msk $0xffff, v8  }
0x248: {  	[tilespmem:s10+$0x0] =	vst.add.f32.msk $0xffff, v9  }
.Ltmp8:
0x249: {  	[tilespmem:s0+$0x0] =	vst.add.f32.msk $0xffff, v10;
	(pc) =	sbr.rel @p2 .LBB2_15-.Ltmp8, $4  }
0x24a: {  	[tilespmem:s8+$0x0] =	vst.add.f32.msk $0xffff, v11  }
0x24b: {  	[tilespmem:s13+$0x0] =	vst.add.f32.msk $0xffff, v12  }
0x24c: {  	[tilespmem:s16+$0x0] =	vst.add.f32.msk $0xffff, v13  }
0x24d: {  	s7 =	sadd.s32 $0x800, s7;
	[tilespmem:s23+$0x0] =	vst.add.f32.msk $0xffff, v14  }
0x24e: {  	[tilespmem:s21+$0x0] =	vst.add.f32.msk $0xffff, v2  }
0x24f: {  	[tilespmem:s18+$0x0] =	vst.add.f32.msk $0xffff, v1;
	s0 =	sor.u32 $0x200000, s22  }
0x250: {  	[tilespmem:s17+$0x0] =	vst.add.f32.msk $0xffff, v0;
	s1 =	simm.s32 $0xC000;
	s0 =	sadd.s32 s4, s0  }
0x251: {  	[hbm4b:s0+s6] =	stream.linear.scatter [tilespmem:s1], [sflag:$0xF], $0x2000, $0x38;
	[tilespmem:$0x14000] =	vst v63  }
0x252: {  	s0 =	simm.s32 @!p1 $0xC  }
0x253: {  	_ =	swait.ge @!p1 [sflag:s0], $0x2000  }
0x254: {  	s2 =	simm.s32 @!p1 $0x6000;
	[sflag:s0] =	ssyncset.done @!p1 $0x0  }
0x255: {  	s1 =	simm.s32 @!p1 $0x0;
	[sflag:s0] =	ssyncadd.s32 @!p1 $0xFFFFE000;
	s0 =	sadd.s32 @!p1 s3, s19  }
0x256: {  	[tilespmem:s2], [sflag:$0x4] =	stream.linear.gather @!p1 [hbm4b:s0+s1], $0x2000, $0x38;
	[tilespmem:$0x14000] =	vst v63  }
0x257: {  	s5 =	simm.s32 $0x8;
	s1 =	simm.s32 $0x0  }
0x258: {  	_ =	swait.ge [sflag:s5], $0x2000;
	s9 =	sand.u32 $0x1800, s1  }
0x259: {  	s10 =	sand.u32 $0x380, s1;
	[sflag:s5] =	ssyncset.done $0x0;
	s13 =	sor.u32 $0x400, s9  }
0x25a: {  	[sflag:s5] =	ssyncadd.s32 $0xFFFFE000;
	s14 =	sor.u32 s10, s13  }
0x25b: {  	v0 =	vld [tilespmem:s14+$0x12070]  }
0x25c: {  	v3 =	vld [tilespmem:s14+$0x12000]  }
0x25d: {  	v4 =	vld [tilespmem:s14+$0x12010]  }
0x25e: {  	v5 =	vld [tilespmem:s14+$0x12020]  }
0x25f: {  	v6 =	vld [tilespmem:s14+$0x12030]  }
0x260: {  	v7 =	vld [tilespmem:s14+$0x12040]  }
0x261: {  	v8 =	vld [tilespmem:s14+$0x12050]  }
0x262: {  	s2 =	sor.u32 s10, s9;
	v9 =	vld [tilespmem:s14+$0x12060]  }
0x263: {  	v10 =	vld [tilespmem:s2+$0x12000]  }
0x264: {  	v11 =	vld [tilespmem:s2+$0x12010]  }
0x265: {  	v12 =	vld [tilespmem:s2+$0x12020]  }
0x266: {  	v13 =	vld [tilespmem:s2+$0x12030]  }
0x267: {  	s7 =	sor.u32 $0xE000, s10;
	v14 =	vld [tilespmem:s2+$0x12040]  }
0x268: {  	s3 =	sor.u32 s13, s7;
	v2 =	vld [tilespmem:s2+$0x12050]  }
0x269: {  	s8 =	sor.u32 $0x70, s3;
	v1 =	vld [tilespmem:s2+$0x12060]  }
0x26a: {  	[tilespmem:s8+$0x0] =	vst.add.f32.msk $0xffff, v0  }
0x26b: {  	v0 =	vld [tilespmem:s2+$0x12070]  }
0x26c: {  	s16 =	sor.u32 $0x10, s3;
	[tilespmem:s3+$0x0] =	vst.add.f32.msk $0xffff, v3  }
0x26d: {  	s17 =	sor.u32 $0x20, s3;
	[tilespmem:s16+$0x0] =	vst.add.f32.msk $0xffff, v4  }
0x26e: {  	s18 =	sor.u32 $0x30, s3;
	[tilespmem:s17+$0x0] =	vst.add.f32.msk $0xffff, v5  }
0x26f: {  	s21 =	sor.u32 $0x40, s3;
	[tilespmem:s18+$0x0] =	vst.add.f32.msk $0xffff, v6  }
0x270: {  	s23 =	sor.u32 $0x50, s3;
	[tilespmem:s21+$0x0] =	vst.add.f32.msk $0xffff, v7  }
0x271: {  	s0 =	sor.u32 s9, s7;
	[tilespmem:s23+$0x0] =	vst.add.f32.msk $0xffff, v8  }
0x272: {  	s24 =	sor.u32 $0x10, s0;
	[tilespmem:s0+$0x0] =	vst.add.f32.msk $0xffff, v10  }
0x273: {  	s25 =	sor.u32 $0x20, s0;
	[tilespmem:s24+$0x0] =	vst.add.f32.msk $0xffff, v11  }
0x274: {  	s26 =	sor.u32 $0x30, s0;
	[tilespmem:s25+$0x0] =	vst.add.f32.msk $0xffff, v12  }
0x275: {  	s30 =	sor.u32 $0x40, s0;
	[tilespmem:s26+$0x0] =	vst.add.f32.msk $0xffff, v13  }
0x276: {  	s5 =	simm.s32 $0x800;
	s7 =	sor.u32 $0x70, s0;
	s3 =	sor.u32 $0x60, s3;
	[tilespmem:s30+$0x0] =	vst.add.f32.msk $0xffff, v14  }
0x277: {  	s18 =	sor.u32 $0x50, s0;
	s17 =	sor.u32 $0x60, s0;
	[tilespmem:s3+$0x0] =	vst.add.f32.msk $0xffff, v9;
	s3 =	simm.s32 $0x0  }
.LBB2_17:
0x278: {  	s0 =	sand.u32 $0x1800, s5;
	s3 =	sadd.s32 $0x10, s3;
	[tilespmem:s18+$0x0] =	vst.add.f32.msk $0xffff, v2;
	s1 =	sadd.s32 $0x20, s1  }
0x279: {  	s2 =	sand.u32 $0x380, s1;
	s8 =	sor.u32 $0x400, s0;
	p1 =	slt.u32 s3, $0x1F0;
	[tilespmem:s17+$0x0] =	vst.add.f32.msk $0xffff, v1  }
0x27a: {  	s9 =	sor.u32 s2, s0;
	s10 =	sor.u32 s2, s8;
	[tilespmem:s7+$0x0] =	vst.add.f32.msk $0xffff, v0  }
0x27b: {  	v0 =	vld [tilespmem:s10+$0x12070]  }
0x27c: {  	v3 =	vld [tilespmem:s10+$0x12000]  }
0x27d: {  	s2 =	sor.u32 $0xE000, s2;
	v4 =	vld [tilespmem:s10+$0x12010]  }
0x27e: {  	s0 =	sor.u32 s0, s2;
	s2 =	sor.u32 s8, s2;
	v5 =	vld [tilespmem:s10+$0x12020]  }
0x27f: {  	s8 =	sor.u32 $0x10, s0;
	s13 =	sor.u32 $0x20, s0;
	s7 =	sor.u32 $0x70, s2;
	v6 =	vld [tilespmem:s10+$0x12030]  }
0x280: {  	s14 =	sor.u32 $0x30, s0;
	s16 =	sor.u32 $0x40, s0;
	s18 =	sor.u32 $0x50, s0;
	[tilespmem:s7+$0x0] =	vst.add.f32.msk $0xffff, v0  }
0x281: {  	s17 =	sor.u32 $0x60, s0;
	s21 =	sor.u32 $0x10, s2;
	s7 =	sor.u32 $0x70, s0;
	v7 =	vld [tilespmem:s10+$0x12040]  }
0x282: {  	s23 =	sor.u32 $0x20, s2;
	s24 =	sor.u32 $0x30, s2;
	s25 =	sor.u32 $0x40, s2;
	v8 =	vld [tilespmem:s10+$0x12050]  }
0x283: {  	s26 =	sor.u32 $0x50, s2;
	v9 =	vld [tilespmem:s10+$0x12060];
	s10 =	sor.u32 $0x60, s2  }
0x284: {  	v10 =	vld [tilespmem:s9+$0x12000]  }
0x285: {  	v11 =	vld [tilespmem:s9+$0x12010]  }
0x286: {  	v12 =	vld [tilespmem:s9+$0x12020]  }
0x287: {  	v13 =	vld [tilespmem:s9+$0x12030]  }
0x288: {  	v14 =	vld [tilespmem:s9+$0x12040]  }
0x289: {  	v2 =	vld [tilespmem:s9+$0x12050]  }
0x28a: {  	v1 =	vld [tilespmem:s9+$0x12060]  }
0x28b: {  	v0 =	vld [tilespmem:s9+$0x12070]  }
0x28c: {  	[tilespmem:s2+$0x0] =	vst.add.f32.msk $0xffff, v3  }
0x28d: {  	[tilespmem:s21+$0x0] =	vst.add.f32.msk $0xffff, v4  }
0x28e: {  	[tilespmem:s23+$0x0] =	vst.add.f32.msk $0xffff, v5  }
0x28f: {  	[tilespmem:s24+$0x0] =	vst.add.f32.msk $0xffff, v6  }
0x290: {  	[tilespmem:s25+$0x0] =	vst.add.f32.msk $0xffff, v7  }
0x291: {  	[tilespmem:s26+$0x0] =	vst.add.f32.msk $0xffff, v8  }
0x292: {  	[tilespmem:s10+$0x0] =	vst.add.f32.msk $0xffff, v9  }
.Ltmp9:
0x293: {  	[tilespmem:s0+$0x0] =	vst.add.f32.msk $0xffff, v10;
	(pc) =	sbr.rel @p1 .LBB2_17-.Ltmp9, $4  }
0x294: {  	[tilespmem:s8+$0x0] =	vst.add.f32.msk $0xffff, v11  }
0x295: {  	[tilespmem:s13+$0x0] =	vst.add.f32.msk $0xffff, v12  }
0x296: {  	[tilespmem:s14+$0x0] =	vst.add.f32.msk $0xffff, v13  }
0x297: {  	s5 =	sadd.s32 $0x800, s5;
	[tilespmem:s16+$0x0] =	vst.add.f32.msk $0xffff, v14  }
0x298: {  	[tilespmem:s18+$0x0] =	vst.add.f32.msk $0xffff, v2  }
.Ltmp10:
0x299: {  	[tilespmem:s17+$0x0] =	vst.add.f32.msk $0xffff, v1;
	(pc) =	sbr.rel @p0 .LBB2_20-.Ltmp10, $4  }
0x29a: {  	[tilespmem:s7+$0x0] =	vst.add.f32.msk $0xffff, v0  }
0x29b: {  	s0 =	rddreg [dreg:$0xe]  }
0x29c: {  	s1 =	simm.s32 $0xE000;
	s0 =	sadd.s32 s22, s0  }
0x29d: {  	[hbm4b:s0+s6] =	stream.linear.scatter [tilespmem:s1], [sflag:$0x10], $0x2000, $0x38;
	[tilespmem:$0x14000] =	vst v63  }
.Ltmp11:
0x29e: {  	s0 =	rddreg [dreg:$0x10];
	(pc) =	sbr.rel .LBB2_2-.Ltmp11, $4  }
0x29f: {  	s0 =	sadd.s32 s29, s0  }
0x2a0: {  	s1 =	rddreg [dreg:$0x1];
	s0 =	sshll.u32 s0, $0x7  }
0x2a1: {  	s30 =	simm.s32 $0x12000;
	s28 =	sadd.s32 $0x1, s28;
	s0 =	sadd.s32 s1, s0  }
0x2a2: {  	[tilespmem:s30], [sflag:$0x12] =	stream.linear.gather [hbm4b:s0+s6], $0x2000, $0x38;
	[tilespmem:$0x14000] =	vst v63  }
.LBB2_21:
0x2a3: {  	_ =	sfence.sel $0x180000  }
0x2a4: {  	[bflag:$0x0] =	sbarrier.arrive $0xFFFF  }
0x2a5: {  	_ =	strace $0x90000047  }
0x2a6: {  	s0 =	stileid.u32;
	[bflag:$0x2] =	sbarrier.arrive $0xFFFF  }
0x2a7: {  	p0 =	sne.s32 s0, $0x0;
	s0 =	rddreg [dreg:$0x3]  }
0x2a8: {  	s0 =	sadd.s32 @!p0 $0x100000, s0  }
0x2a9: {  	[sflag:s0] =	ssyncadd.tile.s32 @!p0 $0x1;
	_ =	shalt  }
.Lfunc_end2:
_tile_overlayer_lowered:
.L_overlay_start_2:
0x2aa: {  	(tag) =	ssettag $0x2  }
0x2ab: {  	s0 =	rddreg [dreg:$0x0];
	s2 =	stileid.u32  }
0x2ac: {  	s1 =	rddreg [dreg:$0x1];
	p0 =	sne.s32 s2, $0x0  }
0x2ad: {  	s3 =	rddreg [dreg:$0x2];
	[bflag:$0x3] =	sbarrier.arrive $0xFFFF;
	s2 =	simm.s32 @!p0 $0x1C13  }
0x2ae: {  	[timem:s3], [sflag:s2] =	dma.local @!p0 [hbm:s0], s1  }
0x2af: {  	s0 =	simm.s32 @!p0 $0x13  }
0x2b0: {  	_ =	swait.ge @!p0 [sflag:s0], s1  }
0x2b1: {  	s1 =	ssub.s32 @!p0 $0x0, s1;
	[sflag:s0] =	ssyncset.done @!p0 $0x0  }
0x2b2: {  	[sflag:s0] =	ssyncadd.s32 @!p0 s1  }
0x2b3: {  	[bflag:$0x3] =	sbarrier.arrive $0xFFFF  }
0x2b4: {  	_ =	shalt  }

</sc_bundles>
